<compile_context>
chip_gen: v7x
topology: tpu7x:2x2x1
jax: 0.10.2.dev20260603
libtpu: 0.0.44.dev20260713+nightly
codegen_flags: <defaults>
</compile_context>

<pallas_src>
import functools

import jax
import jax.numpy as jnp
from jax import lax
from jax.experimental import pallas as pl
from jax.experimental.pallas import tpu as pltpu
from jax.experimental.pallas import tpu_sc as plsc

ROW_W = 128
K = 10
NC = 2
NS = 16
NW = NC * NS
TOK_BLK = 32768
Q = TOK_BLK // 4
QS = Q.bit_length() - 1
UB = 128


def _tpack_body(t_ref, o_ref):
    y = t_ref[...].T
    o_ref[...] = jnp.concatenate(
        [y[j * Q:(j + 1) * Q, :] for j in range(4)], axis=1
    )


def _opack_body(x_ref, o_ref):
    x = x_ref[...]
    parts = []
    for k in range(UB):
        u = x[32 * k:32 * (k + 1), :]
        parts.extend(u[:, 32 * j:32 * (j + 1)].T for j in range(4))
    o_ref[0] = jnp.concatenate(parts, axis=1)


def _emb_body(idx_hbm, table_hbm, out_hbm, idx_v, rows_v, sg0, sg1, so0, so1):
    wid = lax.axis_index("s") * NC + lax.axis_index("c")
    rows_total = idx_hbm.shape[0]
    per_w = rows_total // NW
    n_g = per_w // K
    base_row = wid * per_w

    sg = (sg0, sg1)
    so = (so0, so1)

    def fire(g, p):
        for j in range(K):
            pltpu.async_copy(
                table_hbm.at[idx_v.at[g * K + j]],
                rows_v.at[p].at[j],
                sg[p],
            )

    def drain_gathers(p):
        pltpu.make_async_copy(out_hbm.at[pl.ds(0, K)], rows_v.at[p], sg[p]).wait()

    def start_writeback(g, p):
        pltpu.async_copy(rows_v.at[p], out_hbm.at[pl.ds(base_row + g * K, K)], so[p])

    def wait_writeback(p):
        pltpu.make_async_copy(rows_v.at[p], out_hbm.at[pl.ds(0, K)], so[p]).wait()

    pltpu.sync_copy(idx_hbm.at[pl.ds(base_row, per_w)], idx_v)
    fire(0, 0)

    def body(gg, carry):
        for p in (0, 1):
            g = 2 * gg + p

            @pl.when(g >= 1)
            def _():
                wait_writeback(1 - p)

            @pl.when(g + 1 < n_g)
            def _():
                fire(g + 1, 1 - p)

            drain_gathers(p)
            start_writeback(g, p)
        return carry

    lax.fori_loop(0, n_g // 2, body, 0)
    wait_writeback((n_g - 1) % 2)


def kernel(token_index, table):
    b, h = token_index.shape
    v, d = table.shape
    n = b * h
    n_units = n // ROW_W
    n_bt = b // ROW_W
    n_tb = (v + TOK_BLK - 1) // TOK_BLK
    vp = n_tb * TOK_BLK

    tpack = pl.pallas_call(
        _tpack_body,
        grid=(n_tb,),
        in_specs=[pl.BlockSpec((d, TOK_BLK), lambda i: (0, i))],
        out_specs=pl.BlockSpec((Q, 4 * d), lambda i: (i, 0)),
        out_shape=jax.ShapeDtypeStruct((n_tb * Q, 4 * d), jnp.float32),
    )
    packed = tpack(table.T)
    tlin = packed.reshape(vp, d)

    idx = token_index.T.reshape(n_units, 4, 32).transpose(0, 2, 1)
    idx = idx.reshape(n_units, ROW_W)
    idx = (idx & ~(TOK_BLK - 1)) | ((idx & (Q - 1)) << 2) | ((idx >> QS) & 3)

    per_w = n_units // NW
    mesh = plsc.VectorSubcoreMesh(core_axis_name="c", subcore_axis_name="s")
    fn = functools.partial(
        pl.kernel,
        mesh=mesh,
        out_type=jax.ShapeDtypeStruct((n_units, ROW_W, d), jnp.float32),
        scratch_types=[
            pltpu.VMEM((per_w, ROW_W), jnp.int32),
            pltpu.VMEM((2, K, ROW_W, d), jnp.float32),
            pltpu.SemaphoreType.DMA,
            pltpu.SemaphoreType.DMA,
            pltpu.SemaphoreType.DMA,
            pltpu.SemaphoreType.DMA,
        ],
        compiler_params=pltpu.CompilerParams(use_tc_tiling_on_sc=False),
    )(_emb_body)
    sc_out = fn(idx, tlin)

    opack = pl.pallas_call(
        _opack_body,
        grid=(h, n_bt // UB),
        in_specs=[
            pl.BlockSpec(
                (UB * d, ROW_W),
                lambda i, j: (i * (n_bt // UB) + j, 0),
            )
        ],
        out_specs=pl.BlockSpec((1, d, UB * ROW_W), lambda i, j: (i, 0, j)),
        out_shape=jax.ShapeDtypeStruct((h, d, b), jnp.float32),
    )
    y = opack(sc_out.reshape(n_units * d, ROW_W))
    return y.transpose(2, 0, 1)

# --- scband reference (transcript-rebuilt; emitter-appended) ---
"""Pipeline reference for scband-embedding-52871047414044 (READ-ONLY COPY).

The authoritative reference and input builder live on the scoring server;
editing this copy changes nothing except your own understanding.
"""

import jax, jax.numpy as jnp
import numpy as np

VOCAB = 1000000
EMBED_DIM = 32
BATCH = 16384
HIST = 50

def setup_inputs(seed: int = 0) -> dict:
    key = jax.random.key(seed)
    k1, k2 = jax.random.split(key)
    token_index = jax.random.randint(k1, (BATCH, HIST), 0, VOCAB, dtype=jnp.int64) if jax.config.jax_enable_x64 else jax.random.randint(k1, (BATCH, HIST), 0, VOCAB, dtype=jnp.int32)
    table = jax.random.normal(k2, (VOCAB, EMBED_DIM), dtype=jnp.float32) * 0.02
    return {"token_index": token_index, "table": table}

def reference(token_index, table):
    # Faithful translation of nn.Embedding forward: row gather from the table.
    return jnp.take(table, token_index, axis=0)

if __name__ == "__main__":
    import jax
    _d = setup_inputs()
    print(jax.jit(kernel)(*tuple(_d.values())))

</pallas_src>

<mosaic_0001>
#map = affine_map<(d0, d1) -> (0, 0)>
#map1 = affine_map<(d0, d1) -> (0, 0, 0)>
module attributes {stable_mosaic.version = 14 : i64} {
  func.func @_emb_body(%arg0: i32, %arg1: i32, %arg2: memref<6400x128xi32, #tpu.memory_space<hbm>>, %arg3: memref<1015808x32xf32, #tpu.memory_space<hbm>>, %arg4: memref<6400x128x32xf32, #tpu.memory_space<hbm>>, %arg5: memref<200x128xi32, #tpu.memory_space<vmem>>, %arg6: memref<2x10x128x32xf32, #tpu.memory_space<vmem>>, %arg7: memref<!tpu.dma_semaphore, #tpu.memory_space<semaphore_mem>>, %arg8: memref<!tpu.dma_semaphore, #tpu.memory_space<semaphore_mem>>, %arg9: memref<!tpu.dma_semaphore, #tpu.memory_space<semaphore_mem>>, %arg10: memref<!tpu.dma_semaphore, #tpu.memory_space<semaphore_mem>>) attributes {dimension_semantics = [#tpu.dimension_semantics<core_parallel>, #tpu.dimension_semantics<subcore_parallel>], iteration_bounds = array<i64: 2, 16>, scalar_prefetch = 0 : i64, scratch_operands = 6 : i64, tpu.core_type = #tpu.core_type<sc_vector_subcore>, window_params = [{transform_indices = #map}, {transform_indices = #map}, {transform_indices = #map1}]} {
    %mul3A = arith.constant 2 : i32
    %mul3A_0 = arith.muli %arg1, %mul3A : i32
    %add3A = arith.addi %mul3A_0, %arg0 : i32
    %mul3A_1 = arith.constant 200 : i32
    %mul3A_2 = arith.muli %add3A, %mul3A_1 : i32
    "tpu.region"() ({
      %run_scoped3A = tpu.sem_alloc : memref<!tpu.dma_semaphore, #tpu.memory_space<semaphore_mem>>
      %dma_start3A_205 = arith.constant 0 : i32
      %dma_start3A_206 = tpu.memref_slice %arg2[%mul3A_2, %dma_start3A_205] : memref<6400x128xi32, #tpu.memory_space<hbm>> -> memref<200x128xi32, #tpu.memory_space<hbm>>
      %dma_start3A_207 = arith.constant 0 : i32
      %dma_start3A_208 = tpu.memref_slice %arg2[%mul3A_2, %dma_start3A_207] : memref<6400x128xi32, #tpu.memory_space<hbm>> -> memref<200x128xi32, #tpu.memory_space<hbm>>
      tpu.enqueue_dma source(%dma_start3A_208 : memref<200x128xi32, #tpu.memory_space<hbm>>) target(%arg5 : memref<200x128xi32, #tpu.memory_space<vmem>>) target_semaphore(%run_scoped3A : memref<!tpu.dma_semaphore, #tpu.memory_space<semaphore_mem>>)
      %dma_wait3A_209 = arith.constant 0 : i32
      %dma_wait3A_210 = tpu.memref_slice %arg2[%mul3A_2, %dma_wait3A_209] : memref<6400x128xi32, #tpu.memory_space<hbm>> -> memref<200x128xi32, #tpu.memory_space<hbm>>
      %dma_wait3A_211 = arith.constant 0 : i32
      %dma_wait3A_212 = tpu.memref_slice %arg2[%mul3A_2, %dma_wait3A_211] : memref<6400x128xi32, #tpu.memory_space<hbm>> -> memref<200x128xi32, #tpu.memory_space<hbm>>
      tpu.wait_dma2 semaphore(%run_scoped3A : memref<!tpu.dma_semaphore, #tpu.memory_space<semaphore_mem>>) src(%dma_wait3A_212 : memref<200x128xi32, #tpu.memory_space<hbm>>) dst(%arg5 : memref<200x128xi32, #tpu.memory_space<vmem>>)
      tpu.yield
    }) : () -> ()
    %dma_start3A = arith.constant 0 : i32
    %dma_start3A_3 = arith.constant 0 : i32
    %dma_start3A_4 = arith.constant 0 : i32
    %dma_start3A_5 = arith.constant 0 : i32
    %dma_start3A_6 = arith.constant 0 : i32
    %dma_start3A_7 = arith.constant 0 : i32
    %dma_start3A_8 = tpu.memref_slice %arg6[%dma_start3A_3, %dma_start3A_5, %dma_start3A_6, %dma_start3A_7] : memref<2x10x128x32xf32, #tpu.memory_space<vmem>> -> memref<1x10x128x32xf32, #tpu.memory_space<vmem>>
    %dma_start3A_9 = tpu.memref_squeeze %dma_start3A_8 : memref<1x10x128x32xf32, #tpu.memory_space<vmem>> -> memref<10x128x32xf32, #tpu.memory_space<vmem>>
    %dma_start3A_10 = arith.constant 0 : i32
    %dma_start3A_11 = arith.constant 0 : i32
    %dma_start3A_12 = tpu.memref_slice %dma_start3A_9[%dma_start3A_4, %dma_start3A_10, %dma_start3A_11] : memref<10x128x32xf32, #tpu.memory_space<vmem>> -> memref<1x128x32xf32, #tpu.memory_space<vmem>>
    %dma_start3A_13 = tpu.memref_squeeze %dma_start3A_12 : memref<1x128x32xf32, #tpu.memory_space<vmem>> -> memref<128x32xf32, #tpu.memory_space<vmem>>
    %dma_start3A_14 = arith.constant 0 : i32
    %dma_start3A_15 = tpu.memref_slice %arg5[%dma_start3A, %dma_start3A_14] : memref<200x128xi32, #tpu.memory_space<vmem>> -> memref<1x128xi32, #tpu.memory_space<vmem>>
    %dma_start3A_16 = tpu.memref_squeeze %dma_start3A_15 : memref<1x128xi32, #tpu.memory_space<vmem>> -> memref<128xi32, #tpu.memory_space<vmem>>
    %dma_start3A_17 = arith.constant 0 : i32
    %dma_start3A_18 = arith.constant 0 : i32
    %dma_start3A_19 = tpu.memref_slice %arg3[%dma_start3A_17, %dma_start3A_18] : memref<1015808x32xf32, #tpu.memory_space<hbm>> -> memref<1015808x32xf32, #tpu.memory_space<hbm>>
    tpu.enqueue_indirect_dma source(%dma_start3A_19 : memref<1015808x32xf32, #tpu.memory_space<hbm>>) target(%dma_start3A_13 : memref<128x32xf32, #tpu.memory_space<vmem>>) offsets(%dma_start3A_16 : memref<128xi32, #tpu.memory_space<vmem>>) semaphore(%arg7 : memref<!tpu.dma_semaphore, #tpu.memory_space<semaphore_mem>>)
    %dma_start3A_20 = arith.constant 1 : i32
    %dma_start3A_21 = arith.constant 0 : i32
    %dma_start3A_22 = arith.constant 1 : i32
    %dma_start3A_23 = arith.constant 0 : i32
    %dma_start3A_24 = arith.constant 0 : i32
    %dma_start3A_25 = arith.constant 0 : i32
    %dma_start3A_26 = tpu.memref_slice %arg6[%dma_start3A_21, %dma_start3A_23, %dma_start3A_24, %dma_start3A_25] : memref<2x10x128x32xf32, #tpu.memory_space<vmem>> -> memref<1x10x128x32xf32, #tpu.memory_space<vmem>>
    %dma_start3A_27 = tpu.memref_squeeze %dma_start3A_26 : memref<1x10x128x32xf32, #tpu.memory_space<vmem>> -> memref<10x128x32xf32, #tpu.memory_space<vmem>>
    %dma_start3A_28 = arith.constant 0 : i32
    %dma_start3A_29 = arith.constant 0 : i32
    %dma_start3A_30 = tpu.memref_slice %dma_start3A_27[%dma_start3A_22, %dma_start3A_28, %dma_start3A_29] : memref<10x128x32xf32, #tpu.memory_space<vmem>> -> memref<1x128x32xf32, #tpu.memory_space<vmem>>
    %dma_start3A_31 = tpu.memref_squeeze %dma_start3A_30 : memref<1x128x32xf32, #tpu.memory_space<vmem>> -> memref<128x32xf32, #tpu.memory_space<vmem>>
    %dma_start3A_32 = arith.constant 0 : i32
    %dma_start3A_33 = tpu.memref_slice %arg5[%dma_start3A_20, %dma_start3A_32] : memref<200x128xi32, #tpu.memory_space<vmem>> -> memref<1x128xi32, #tpu.memory_space<vmem>>
    %dma_start3A_34 = tpu.memref_squeeze %dma_start3A_33 : memref<1x128xi32, #tpu.memory_space<vmem>> -> memref<128xi32, #tpu.memory_space<vmem>>
    %dma_start3A_35 = arith.constant 0 : i32
    %dma_start3A_36 = arith.constant 0 : i32
    %dma_start3A_37 = tpu.memref_slice %arg3[%dma_start3A_35, %dma_start3A_36] : memref<1015808x32xf32, #tpu.memory_space<hbm>> -> memref<1015808x32xf32, #tpu.memory_space<hbm>>
    tpu.enqueue_indirect_dma source(%dma_start3A_37 : memref<1015808x32xf32, #tpu.memory_space<hbm>>) target(%dma_start3A_31 : memref<128x32xf32, #tpu.memory_space<vmem>>) offsets(%dma_start3A_34 : memref<128xi32, #tpu.memory_space<vmem>>) semaphore(%arg7 : memref<!tpu.dma_semaphore, #tpu.memory_space<semaphore_mem>>)
    %dma_start3A_38 = arith.constant 2 : i32
    %dma_start3A_39 = arith.constant 0 : i32
    %dma_start3A_40 = arith.constant 2 : i32
    %dma_start3A_41 = arith.constant 0 : i32
    %dma_start3A_42 = arith.constant 0 : i32
    %dma_start3A_43 = arith.constant 0 : i32
    %dma_start3A_44 = tpu.memref_slice %arg6[%dma_start3A_39, %dma_start3A_41, %dma_start3A_42, %dma_start3A_43] : memref<2x10x128x32xf32, #tpu.memory_space<vmem>> -> memref<1x10x128x32xf32, #tpu.memory_space<vmem>>
    %dma_start3A_45 = tpu.memref_squeeze %dma_start3A_44 : memref<1x10x128x32xf32, #tpu.memory_space<vmem>> -> memref<10x128x32xf32, #tpu.memory_space<vmem>>
    %dma_start3A_46 = arith.constant 0 : i32
    %dma_start3A_47 = arith.constant 0 : i32
    %dma_start3A_48 = tpu.memref_slice %dma_start3A_45[%dma_start3A_40, %dma_start3A_46, %dma_start3A_47] : memref<10x128x32xf32, #tpu.memory_space<vmem>> -> memref<1x128x32xf32, #tpu.memory_space<vmem>>
    %dma_start3A_49 = tpu.memref_squeeze %dma_start3A_48 : memref<1x128x32xf32, #tpu.memory_space<vmem>> -> memref<128x32xf32, #tpu.memory_space<vmem>>
    %dma_start3A_50 = arith.constant 0 : i32
    %dma_start3A_51 = tpu.memref_slice %arg5[%dma_start3A_38, %dma_start3A_50] : memref<200x128xi32, #tpu.memory_space<vmem>> -> memref<1x128xi32, #tpu.memory_space<vmem>>
    %dma_start3A_52 = tpu.memref_squeeze %dma_start3A_51 : memref<1x128xi32, #tpu.memory_space<vmem>> -> memref<128xi32, #tpu.memory_space<vmem>>
    %dma_start3A_53 = arith.constant 0 : i32
    %dma_start3A_54 = arith.constant 0 : i32
    %dma_start3A_55 = tpu.memref_slice %arg3[%dma_start3A_53, %dma_start3A_54] : memref<1015808x32xf32, #tpu.memory_space<hbm>> -> memref<1015808x32xf32, #tpu.memory_space<hbm>>
    tpu.enqueue_indirect_dma source(%dma_start3A_55 : memref<1015808x32xf32, #tpu.memory_space<hbm>>) target(%dma_start3A_49 : memref<128x32xf32, #tpu.memory_space<vmem>>) offsets(%dma_start3A_52 : memref<128xi32, #tpu.memory_space<vmem>>) semaphore(%arg7 : memref<!tpu.dma_semaphore, #tpu.memory_space<semaphore_mem>>)
    %dma_start3A_56 = arith.constant 3 : i32
    %dma_start3A_57 = arith.constant 0 : i32
    %dma_start3A_58 = arith.constant 3 : i32
    %dma_start3A_59 = arith.constant 0 : i32
    %dma_start3A_60 = arith.constant 0 : i32
    %dma_start3A_61 = arith.constant 0 : i32
    %dma_start3A_62 = tpu.memref_slice %arg6[%dma_start3A_57, %dma_start3A_59, %dma_start3A_60, %dma_start3A_61] : memref<2x10x128x32xf32, #tpu.memory_space<vmem>> -> memref<1x10x128x32xf32, #tpu.memory_space<vmem>>
    %dma_start3A_63 = tpu.memref_squeeze %dma_start3A_62 : memref<1x10x128x32xf32, #tpu.memory_space<vmem>> -> memref<10x128x32xf32, #tpu.memory_space<vmem>>
    %dma_start3A_64 = arith.constant 0 : i32
    %dma_start3A_65 = arith.constant 0 : i32
    %dma_start3A_66 = tpu.memref_slice %dma_start3A_63[%dma_start3A_58, %dma_start3A_64, %dma_start3A_65] : memref<10x128x32xf32, #tpu.memory_space<vmem>> -> memref<1x128x32xf32, #tpu.memory_space<vmem>>
    %dma_start3A_67 = tpu.memref_squeeze %dma_start3A_66 : memref<1x128x32xf32, #tpu.memory_space<vmem>> -> memref<128x32xf32, #tpu.memory_space<vmem>>
    %dma_start3A_68 = arith.constant 0 : i32
    %dma_start3A_69 = tpu.memref_slice %arg5[%dma_start3A_56, %dma_start3A_68] : memref<200x128xi32, #tpu.memory_space<vmem>> -> memref<1x128xi32, #tpu.memory_space<vmem>>
    %dma_start3A_70 = tpu.memref_squeeze %dma_start3A_69 : memref<1x128xi32, #tpu.memory_space<vmem>> -> memref<128xi32, #tpu.memory_space<vmem>>
    %dma_start3A_71 = arith.constant 0 : i32
    %dma_start3A_72 = arith.constant 0 : i32
    %dma_start3A_73 = tpu.memref_slice %arg3[%dma_start3A_71, %dma_start3A_72] : memref<1015808x32xf32, #tpu.memory_space<hbm>> -> memref<1015808x32xf32, #tpu.memory_space<hbm>>
    tpu.enqueue_indirect_dma source(%dma_start3A_73 : memref<1015808x32xf32, #tpu.memory_space<hbm>>) target(%dma_start3A_67 : memref<128x32xf32, #tpu.memory_space<vmem>>) offsets(%dma_start3A_70 : memref<128xi32, #tpu.memory_space<vmem>>) semaphore(%arg7 : memref<!tpu.dma_semaphore, #tpu.memory_space<semaphore_mem>>)
    %dma_start3A_74 = arith.constant 4 : i32
    %dma_start3A_75 = arith.constant 0 : i32
    %dma_start3A_76 = arith.constant 4 : i32
    %dma_start3A_77 = arith.constant 0 : i32
    %dma_start3A_78 = arith.constant 0 : i32
    %dma_start3A_79 = arith.constant 0 : i32
    %dma_start3A_80 = tpu.memref_slice %arg6[%dma_start3A_75, %dma_start3A_77, %dma_start3A_78, %dma_start3A_79] : memref<2x10x128x32xf32, #tpu.memory_space<vmem>> -> memref<1x10x128x32xf32, #tpu.memory_space<vmem>>
    %dma_start3A_81 = tpu.memref_squeeze %dma_start3A_80 : memref<1x10x128x32xf32, #tpu.memory_space<vmem>> -> memref<10x128x32xf32, #tpu.memory_space<vmem>>
    %dma_start3A_82 = arith.constant 0 : i32
    %dma_start3A_83 = arith.constant 0 : i32
    %dma_start3A_84 = tpu.memref_slice %dma_start3A_81[%dma_start3A_76, %dma_start3A_82, %dma_start3A_83] : memref<10x128x32xf32, #tpu.memory_space<vmem>> -> memref<1x128x32xf32, #tpu.memory_space<vmem>>
    %dma_start3A_85 = tpu.memref_squeeze %dma_start3A_84 : memref<1x128x32xf32, #tpu.memory_space<vmem>> -> memref<128x32xf32, #tpu.memory_space<vmem>>
    %dma_start3A_86 = arith.constant 0 : i32
    %dma_start3A_87 = tpu.memref_slice %arg5[%dma_start3A_74, %dma_start3A_86] : memref<200x128xi32, #tpu.memory_space<vmem>> -> memref<1x128xi32, #tpu.memory_space<vmem>>
    %dma_start3A_88 = tpu.memref_squeeze %dma_start3A_87 : memref<1x128xi32, #tpu.memory_space<vmem>> -> memref<128xi32, #tpu.memory_space<vmem>>
    %dma_start3A_89 = arith.constant 0 : i32
    %dma_start3A_90 = arith.constant 0 : i32
    %dma_start3A_91 = tpu.memref_slice %arg3[%dma_start3A_89, %dma_start3A_90] : memref<1015808x32xf32, #tpu.memory_space<hbm>> -> memref<1015808x32xf32, #tpu.memory_space<hbm>>
    tpu.enqueue_indirect_dma source(%dma_start3A_91 : memref<1015808x32xf32, #tpu.memory_space<hbm>>) target(%dma_start3A_85 : memref<128x32xf32, #tpu.memory_space<vmem>>) offsets(%dma_start3A_88 : memref<128xi32, #tpu.memory_space<vmem>>) semaphore(%arg7 : memref<!tpu.dma_semaphore, #tpu.memory_space<semaphore_mem>>)
    %dma_start3A_92 = arith.constant 5 : i32
    %dma_start3A_93 = arith.constant 0 : i32
    %dma_start3A_94 = arith.constant 5 : i32
    %dma_start3A_95 = arith.constant 0 : i32
    %dma_start3A_96 = arith.constant 0 : i32
    %dma_start3A_97 = arith.constant 0 : i32
    %dma_start3A_98 = tpu.memref_slice %arg6[%dma_start3A_93, %dma_start3A_95, %dma_start3A_96, %dma_start3A_97] : memref<2x10x128x32xf32, #tpu.memory_space<vmem>> -> memref<1x10x128x32xf32, #tpu.memory_space<vmem>>
    %dma_start3A_99 = tpu.memref_squeeze %dma_start3A_98 : memref<1x10x128x32xf32, #tpu.memory_space<vmem>> -> memref<10x128x32xf32, #tpu.memory_space<vmem>>
    %dma_start3A_100 = arith.constant 0 : i32
    %dma_start3A_101 = arith.constant 0 : i32
    %dma_start3A_102 = tpu.memref_slice %dma_start3A_99[%dma_start3A_94, %dma_start3A_100, %dma_start3A_101] : memref<10x128x32xf32, #tpu.memory_space<vmem>> -> memref<1x128x32xf32, #tpu.memory_space<vmem>>
    %dma_start3A_103 = tpu.memref_squeeze %dma_start3A_102 : memref<1x128x32xf32, #tpu.memory_space<vmem>> -> memref<128x32xf32, #tpu.memory_space<vmem>>
    %dma_start3A_104 = arith.constant 0 : i32
    %dma_start3A_105 = tpu.memref_slice %arg5[%dma_start3A_92, %dma_start3A_104] : memref<200x128xi32, #tpu.memory_space<vmem>> -> memref<1x128xi32, #tpu.memory_space<vmem>>
    %dma_start3A_106 = tpu.memref_squeeze %dma_start3A_105 : memref<1x128xi32, #tpu.memory_space<vmem>> -> memref<128xi32, #tpu.memory_space<vmem>>
    %dma_start3A_107 = arith.constant 0 : i32
    %dma_start3A_108 = arith.constant 0 : i32
    %dma_start3A_109 = tpu.memref_slice %arg3[%dma_start3A_107, %dma_start3A_108] : memref<1015808x32xf32, #tpu.memory_space<hbm>> -> memref<1015808x32xf32, #tpu.memory_space<hbm>>
    tpu.enqueue_indirect_dma source(%dma_start3A_109 : memref<1015808x32xf32, #tpu.memory_space<hbm>>) target(%dma_start3A_103 : memref<128x32xf32, #tpu.memory_space<vmem>>) offsets(%dma_start3A_106 : memref<128xi32, #tpu.memory_space<vmem>>) semaphore(%arg7 : memref<!tpu.dma_semaphore, #tpu.memory_space<semaphore_mem>>)
    %dma_start3A_110 = arith.constant 6 : i32
    %dma_start3A_111 = arith.constant 0 : i32
    %dma_start3A_112 = arith.constant 6 : i32
    %dma_start3A_113 = arith.constant 0 : i32
    %dma_start3A_114 = arith.constant 0 : i32
    %dma_start3A_115 = arith.constant 0 : i32
    %dma_start3A_116 = tpu.memref_slice %arg6[%dma_start3A_111, %dma_start3A_113, %dma_start3A_114, %dma_start3A_115] : memref<2x10x128x32xf32, #tpu.memory_space<vmem>> -> memref<1x10x128x32xf32, #tpu.memory_space<vmem>>
    %dma_start3A_117 = tpu.memref_squeeze %dma_start3A_116 : memref<1x10x128x32xf32, #tpu.memory_space<vmem>> -> memref<10x128x32xf32, #tpu.memory_space<vmem>>
    %dma_start3A_118 = arith.constant 0 : i32
    %dma_start3A_119 = arith.constant 0 : i32
    %dma_start3A_120 = tpu.memref_slice %dma_start3A_117[%dma_start3A_112, %dma_start3A_118, %dma_start3A_119] : memref<10x128x32xf32, #tpu.memory_space<vmem>> -> memref<1x128x32xf32, #tpu.memory_space<vmem>>
    %dma_start3A_121 = tpu.memref_squeeze %dma_start3A_120 : memref<1x128x32xf32, #tpu.memory_space<vmem>> -> memref<128x32xf32, #tpu.memory_space<vmem>>
    %dma_start3A_122 = arith.constant 0 : i32
    %dma_start3A_123 = tpu.memref_slice %arg5[%dma_start3A_110, %dma_start3A_122] : memref<200x128xi32, #tpu.memory_space<vmem>> -> memref<1x128xi32, #tpu.memory_space<vmem>>
    %dma_start3A_124 = tpu.memref_squeeze %dma_start3A_123 : memref<1x128xi32, #tpu.memory_space<vmem>> -> memref<128xi32, #tpu.memory_space<vmem>>
    %dma_start3A_125 = arith.constant 0 : i32
    %dma_start3A_126 = arith.constant 0 : i32
    %dma_start3A_127 = tpu.memref_slice %arg3[%dma_start3A_125, %dma_start3A_126] : memref<1015808x32xf32, #tpu.memory_space<hbm>> -> memref<1015808x32xf32, #tpu.memory_space<hbm>>
    tpu.enqueue_indirect_dma source(%dma_start3A_127 : memref<1015808x32xf32, #tpu.memory_space<hbm>>) target(%dma_start3A_121 : memref<128x32xf32, #tpu.memory_space<vmem>>) offsets(%dma_start3A_124 : memref<128xi32, #tpu.memory_space<vmem>>) semaphore(%arg7 : memref<!tpu.dma_semaphore, #tpu.memory_space<semaphore_mem>>)
    %dma_start3A_128 = arith.constant 7 : i32
    %dma_start3A_129 = arith.constant 0 : i32
    %dma_start3A_130 = arith.constant 7 : i32
    %dma_start3A_131 = arith.constant 0 : i32
    %dma_start3A_132 = arith.constant 0 : i32
    %dma_start3A_133 = arith.constant 0 : i32
    %dma_start3A_134 = tpu.memref_slice %arg6[%dma_start3A_129, %dma_start3A_131, %dma_start3A_132, %dma_start3A_133] : memref<2x10x128x32xf32, #tpu.memory_space<vmem>> -> memref<1x10x128x32xf32, #tpu.memory_space<vmem>>
    %dma_start3A_135 = tpu.memref_squeeze %dma_start3A_134 : memref<1x10x128x32xf32, #tpu.memory_space<vmem>> -> memref<10x128x32xf32, #tpu.memory_space<vmem>>
    %dma_start3A_136 = arith.constant 0 : i32
    %dma_start3A_137 = arith.constant 0 : i32
    %dma_start3A_138 = tpu.memref_slice %dma_start3A_135[%dma_start3A_130, %dma_start3A_136, %dma_start3A_137] : memref<10x128x32xf32, #tpu.memory_space<vmem>> -> memref<1x128x32xf32, #tpu.memory_space<vmem>>
    %dma_start3A_139 = tpu.memref_squeeze %dma_start3A_138 : memref<1x128x32xf32, #tpu.memory_space<vmem>> -> memref<128x32xf32, #tpu.memory_space<vmem>>
    %dma_start3A_140 = arith.constant 0 : i32
    %dma_start3A_141 = tpu.memref_slice %arg5[%dma_start3A_128, %dma_start3A_140] : memref<200x128xi32, #tpu.memory_space<vmem>> -> memref<1x128xi32, #tpu.memory_space<vmem>>
    %dma_start3A_142 = tpu.memref_squeeze %dma_start3A_141 : memref<1x128xi32, #tpu.memory_space<vmem>> -> memref<128xi32, #tpu.memory_space<vmem>>
    %dma_start3A_143 = arith.constant 0 : i32
    %dma_start3A_144 = arith.constant 0 : i32
    %dma_start3A_145 = tpu.memref_slice %arg3[%dma_start3A_143, %dma_start3A_144] : memref<1015808x32xf32, #tpu.memory_space<hbm>> -> memref<1015808x32xf32, #tpu.memory_space<hbm>>
    tpu.enqueue_indirect_dma source(%dma_start3A_145 : memref<1015808x32xf32, #tpu.memory_space<hbm>>) target(%dma_start3A_139 : memref<128x32xf32, #tpu.memory_space<vmem>>) offsets(%dma_start3A_142 : memref<128xi32, #tpu.memory_space<vmem>>) semaphore(%arg7 : memref<!tpu.dma_semaphore, #tpu.memory_space<semaphore_mem>>)
    %dma_start3A_146 = arith.constant 8 : i32
    %dma_start3A_147 = arith.constant 0 : i32
    %dma_start3A_148 = arith.constant 8 : i32
    %dma_start3A_149 = arith.constant 0 : i32
    %dma_start3A_150 = arith.constant 0 : i32
    %dma_start3A_151 = arith.constant 0 : i32
    %dma_start3A_152 = tpu.memref_slice %arg6[%dma_start3A_147, %dma_start3A_149, %dma_start3A_150, %dma_start3A_151] : memref<2x10x128x32xf32, #tpu.memory_space<vmem>> -> memref<1x10x128x32xf32, #tpu.memory_space<vmem>>
    %dma_start3A_153 = tpu.memref_squeeze %dma_start3A_152 : memref<1x10x128x32xf32, #tpu.memory_space<vmem>> -> memref<10x128x32xf32, #tpu.memory_space<vmem>>
    %dma_start3A_154 = arith.constant 0 : i32
    %dma_start3A_155 = arith.constant 0 : i32
    %dma_start3A_156 = tpu.memref_slice %dma_start3A_153[%dma_start3A_148, %dma_start3A_154, %dma_start3A_155] : memref<10x128x32xf32, #tpu.memory_space<vmem>> -> memref<1x128x32xf32, #tpu.memory_space<vmem>>
    %dma_start3A_157 = tpu.memref_squeeze %dma_start3A_156 : memref<1x128x32xf32, #tpu.memory_space<vmem>> -> memref<128x32xf32, #tpu.memory_space<vmem>>
    %dma_start3A_158 = arith.constant 0 : i32
    %dma_start3A_159 = tpu.memref_slice %arg5[%dma_start3A_146, %dma_start3A_158] : memref<200x128xi32, #tpu.memory_space<vmem>> -> memref<1x128xi32, #tpu.memory_space<vmem>>
    %dma_start3A_160 = tpu.memref_squeeze %dma_start3A_159 : memref<1x128xi32, #tpu.memory_space<vmem>> -> memref<128xi32, #tpu.memory_space<vmem>>
    %dma_start3A_161 = arith.constant 0 : i32
    %dma_start3A_162 = arith.constant 0 : i32
    %dma_start3A_163 = tpu.memref_slice %arg3[%dma_start3A_161, %dma_start3A_162] : memref<1015808x32xf32, #tpu.memory_space<hbm>> -> memref<1015808x32xf32, #tpu.memory_space<hbm>>
    tpu.enqueue_indirect_dma source(%dma_start3A_163 : memref<1015808x32xf32, #tpu.memory_space<hbm>>) target(%dma_start3A_157 : memref<128x32xf32, #tpu.memory_space<vmem>>) offsets(%dma_start3A_160 : memref<128xi32, #tpu.memory_space<vmem>>) semaphore(%arg7 : memref<!tpu.dma_semaphore, #tpu.memory_space<semaphore_mem>>)
    %dma_start3A_164 = arith.constant 9 : i32
    %dma_start3A_165 = arith.constant 0 : i32
    %dma_start3A_166 = arith.constant 9 : i32
    %dma_start3A_167 = arith.constant 0 : i32
    %dma_start3A_168 = arith.constant 0 : i32
    %dma_start3A_169 = arith.constant 0 : i32
    %dma_start3A_170 = tpu.memref_slice %arg6[%dma_start3A_165, %dma_start3A_167, %dma_start3A_168, %dma_start3A_169] : memref<2x10x128x32xf32, #tpu.memory_space<vmem>> -> memref<1x10x128x32xf32, #tpu.memory_space<vmem>>
    %dma_start3A_171 = tpu.memref_squeeze %dma_start3A_170 : memref<1x10x128x32xf32, #tpu.memory_space<vmem>> -> memref<10x128x32xf32, #tpu.memory_space<vmem>>
    %dma_start3A_172 = arith.constant 0 : i32
    %dma_start3A_173 = arith.constant 0 : i32
    %dma_start3A_174 = tpu.memref_slice %dma_start3A_171[%dma_start3A_166, %dma_start3A_172, %dma_start3A_173] : memref<10x128x32xf32, #tpu.memory_space<vmem>> -> memref<1x128x32xf32, #tpu.memory_space<vmem>>
    %dma_start3A_175 = tpu.memref_squeeze %dma_start3A_174 : memref<1x128x32xf32, #tpu.memory_space<vmem>> -> memref<128x32xf32, #tpu.memory_space<vmem>>
    %dma_start3A_176 = arith.constant 0 : i32
    %dma_start3A_177 = tpu.memref_slice %arg5[%dma_start3A_164, %dma_start3A_176] : memref<200x128xi32, #tpu.memory_space<vmem>> -> memref<1x128xi32, #tpu.memory_space<vmem>>
    %dma_start3A_178 = tpu.memref_squeeze %dma_start3A_177 : memref<1x128xi32, #tpu.memory_space<vmem>> -> memref<128xi32, #tpu.memory_space<vmem>>
    %dma_start3A_179 = arith.constant 0 : i32
    %dma_start3A_180 = arith.constant 0 : i32
    %dma_start3A_181 = tpu.memref_slice %arg3[%dma_start3A_179, %dma_start3A_180] : memref<1015808x32xf32, #tpu.memory_space<hbm>> -> memref<1015808x32xf32, #tpu.memory_space<hbm>>
    tpu.enqueue_indirect_dma source(%dma_start3A_181 : memref<1015808x32xf32, #tpu.memory_space<hbm>>) target(%dma_start3A_175 : memref<128x32xf32, #tpu.memory_space<vmem>>) offsets(%dma_start3A_178 : memref<128xi32, #tpu.memory_space<vmem>>) semaphore(%arg7 : memref<!tpu.dma_semaphore, #tpu.memory_space<semaphore_mem>>)
    %scan3A = arith.constant 0 : i32
    %scan3A_182 = arith.constant 0 : i32
    %scan3A_183 = arith.constant 10 : i32
    %scan3A_184 = arith.addi %scan3A_182, %scan3A_183 : i32
    %scan3A_185 = arith.constant 1 : i32
    scf.for %scan3A_205 = %scan3A_182 to %scan3A_184 step %scan3A_185  : i32 {
      %mul3A_206 = arith.constant 2 : i32
      %mul3A_207 = arith.muli %mul3A_206, %scan3A_205 : i32
      %add3A_208 = arith.constant 0 : i32
      %add3A_209 = arith.addi %mul3A_207, %add3A_208 : i32
      %ge3A = arith.constant 1 : i32
      %ge3A_210 = arith.cmpi sge, %add3A_209, %ge3A : i32
      %convert_element_type3A = arith.extui %ge3A_210 : i1 to i32
      %cond3A = arith.constant 0 : i32
      %cond3A_211 = arith.cmpi ne, %convert_element_type3A, %cond3A : i32
      scf.if %cond3A_211 {
        %dma_wait3A_312 = arith.constant 1 : i32
        %dma_wait3A_313 = arith.constant 0 : i32
        %dma_wait3A_314 = arith.constant 0 : i32
        %dma_wait3A_315 = arith.constant 0 : i32
        %dma_wait3A_316 = tpu.memref_slice %arg6[%dma_wait3A_312, %dma_wait3A_313, %dma_wait3A_314, %dma_wait3A_315] : memref<2x10x128x32xf32, #tpu.memory_space<vmem>> -> memref<1x10x128x32xf32, #tpu.memory_space<vmem>>
        %dma_wait3A_317 = tpu.memref_squeeze %dma_wait3A_316 : memref<1x10x128x32xf32, #tpu.memory_space<vmem>> -> memref<10x128x32xf32, #tpu.memory_space<vmem>>
        %dma_wait3A_318 = arith.constant 0 : i32
        %dma_wait3A_319 = arith.constant 0 : i32
        %dma_wait3A_320 = arith.constant 0 : i32
        %dma_wait3A_321 = tpu.memref_slice %arg4[%dma_wait3A_318, %dma_wait3A_319, %dma_wait3A_320] : memref<6400x128x32xf32, #tpu.memory_space<hbm>> -> memref<10x128x32xf32, #tpu.memory_space<hbm>>
        %dma_wait3A_322 = arith.constant 0 : i32
        %dma_wait3A_323 = arith.constant 0 : i32
        %dma_wait3A_324 = arith.constant 0 : i32
        %dma_wait3A_325 = tpu.memref_slice %arg4[%dma_wait3A_322, %dma_wait3A_323, %dma_wait3A_324] : memref<6400x128x32xf32, #tpu.memory_space<hbm>> -> memref<10x128x32xf32, #tpu.memory_space<hbm>>
        %dma_wait3A_326 = arith.constant 0 : i32
        %dma_wait3A_327 = arith.constant 0 : i32
        %dma_wait3A_328 = arith.constant 0 : i32
        %dma_wait3A_329 = tpu.memref_slice %arg6[%dma_wait3A_312, %dma_wait3A_326, %dma_wait3A_327, %dma_wait3A_328] : memref<2x10x128x32xf32, #tpu.memory_space<vmem>> -> memref<1x10x128x32xf32, #tpu.memory_space<vmem>>
        %dma_wait3A_330 = tpu.memref_squeeze %dma_wait3A_329 : memref<1x10x128x32xf32, #tpu.memory_space<vmem>> -> memref<10x128x32xf32, #tpu.memory_space<vmem>>
        tpu.wait_dma2 semaphore(%arg10 : memref<!tpu.dma_semaphore, #tpu.memory_space<semaphore_mem>>) src(%dma_wait3A_330 : memref<10x128x32xf32, #tpu.memory_space<vmem>>) dst(%dma_wait3A_325 : memref<10x128x32xf32, #tpu.memory_space<hbm>>)
      } else {
      }
      %add3A_212 = arith.constant 1 : i32
      %add3A_213 = arith.addi %add3A_209, %add3A_212 : i32
      %lt3A = arith.constant 20 : i32
      %lt3A_214 = arith.cmpi slt, %add3A_213, %lt3A : i32
      %convert_element_type3A_215 = arith.extui %lt3A_214 : i1 to i32
      %cond3A_216 = arith.constant 0 : i32
      %cond3A_217 = arith.cmpi ne, %convert_element_type3A_215, %cond3A_216 : i32
      scf.if %cond3A_217 {
        %add3A_312 = arith.constant 1 : i32
        %add3A_313 = arith.addi %add3A_209, %add3A_312 : i32
        %mul3A_314 = arith.constant 10 : i32
        %mul3A_315 = arith.muli %add3A_313, %mul3A_314 : i32
        %add3A_316 = arith.constant 0 : i32
        %add3A_317 = arith.addi %mul3A_315, %add3A_316 : i32
        %dma_start3A_318 = arith.constant 1 : i32
        %dma_start3A_319 = arith.constant 0 : i32
        %dma_start3A_320 = arith.constant 0 : i32
        %dma_start3A_321 = arith.constant 0 : i32
        %dma_start3A_322 = arith.constant 0 : i32
        %dma_start3A_323 = tpu.memref_slice %arg6[%dma_start3A_318, %dma_start3A_320, %dma_start3A_321, %dma_start3A_322] : memref<2x10x128x32xf32, #tpu.memory_space<vmem>> -> memref<1x10x128x32xf32, #tpu.memory_space<vmem>>
        %dma_start3A_324 = tpu.memref_squeeze %dma_start3A_323 : memref<1x10x128x32xf32, #tpu.memory_space<vmem>> -> memref<10x128x32xf32, #tpu.memory_space<vmem>>
        %dma_start3A_325 = arith.constant 0 : i32
        %dma_start3A_326 = arith.constant 0 : i32
        %dma_start3A_327 = tpu.memref_slice %dma_start3A_324[%dma_start3A_319, %dma_start3A_325, %dma_start3A_326] : memref<10x128x32xf32, #tpu.memory_space<vmem>> -> memref<1x128x32xf32, #tpu.memory_space<vmem>>
        %dma_start3A_328 = tpu.memref_squeeze %dma_start3A_327 : memref<1x128x32xf32, #tpu.memory_space<vmem>> -> memref<128x32xf32, #tpu.memory_space<vmem>>
        %dma_start3A_329 = arith.constant 0 : i32
        %dma_start3A_330 = tpu.memref_slice %arg5[%add3A_317, %dma_start3A_329] : memref<200x128xi32, #tpu.memory_space<vmem>> -> memref<1x128xi32, #tpu.memory_space<vmem>>
        %dma_start3A_331 = tpu.memref_squeeze %dma_start3A_330 : memref<1x128xi32, #tpu.memory_space<vmem>> -> memref<128xi32, #tpu.memory_space<vmem>>
        %dma_start3A_332 = arith.constant 0 : i32
        %dma_start3A_333 = arith.constant 0 : i32
        %dma_start3A_334 = tpu.memref_slice %arg3[%dma_start3A_332, %dma_start3A_333] : memref<1015808x32xf32, #tpu.memory_space<hbm>> -> memref<1015808x32xf32, #tpu.memory_space<hbm>>
        tpu.enqueue_indirect_dma source(%dma_start3A_334 : memref<1015808x32xf32, #tpu.memory_space<hbm>>) target(%dma_start3A_328 : memref<128x32xf32, #tpu.memory_space<vmem>>) offsets(%dma_start3A_331 : memref<128xi32, #tpu.memory_space<vmem>>) semaphore(%arg8 : memref<!tpu.dma_semaphore, #tpu.memory_space<semaphore_mem>>)
        %mul3A_335 = arith.constant 10 : i32
        %mul3A_336 = arith.muli %add3A_313, %mul3A_335 : i32
        %add3A_337 = arith.constant 1 : i32
        %add3A_338 = arith.addi %mul3A_336, %add3A_337 : i32
        %dma_start3A_339 = arith.constant 1 : i32
        %dma_start3A_340 = arith.constant 1 : i32
        %dma_start3A_341 = arith.constant 0 : i32
        %dma_start3A_342 = arith.constant 0 : i32
        %dma_start3A_343 = arith.constant 0 : i32
        %dma_start3A_344 = tpu.memref_slice %arg6[%dma_start3A_339, %dma_start3A_341, %dma_start3A_342, %dma_start3A_343] : memref<2x10x128x32xf32, #tpu.memory_space<vmem>> -> memref<1x10x128x32xf32, #tpu.memory_space<vmem>>
        %dma_start3A_345 = tpu.memref_squeeze %dma_start3A_344 : memref<1x10x128x32xf32, #tpu.memory_space<vmem>> -> memref<10x128x32xf32, #tpu.memory_space<vmem>>
        %dma_start3A_346 = arith.constant 0 : i32
        %dma_start3A_347 = arith.constant 0 : i32
        %dma_start3A_348 = tpu.memref_slice %dma_start3A_345[%dma_start3A_340, %dma_start3A_346, %dma_start3A_347] : memref<10x128x32xf32, #tpu.memory_space<vmem>> -> memref<1x128x32xf32, #tpu.memory_space<vmem>>
        %dma_start3A_349 = tpu.memref_squeeze %dma_start3A_348 : memref<1x128x32xf32, #tpu.memory_space<vmem>> -> memref<128x32xf32, #tpu.memory_space<vmem>>
        %dma_start3A_350 = arith.constant 0 : i32
        %dma_start3A_351 = tpu.memref_slice %arg5[%add3A_338, %dma_start3A_350] : memref<200x128xi32, #tpu.memory_space<vmem>> -> memref<1x128xi32, #tpu.memory_space<vmem>>
        %dma_start3A_352 = tpu.memref_squeeze %dma_start3A_351 : memref<1x128xi32, #tpu.memory_space<vmem>> -> memref<128xi32, #tpu.memory_space<vmem>>
        %dma_start3A_353 = arith.constant 0 : i32
        %dma_start3A_354 = arith.constant 0 : i32
        %dma_start3A_355 = tpu.memref_slice %arg3[%dma_start3A_353, %dma_start3A_354] : memref<1015808x32xf32, #tpu.memory_space<hbm>> -> memref<1015808x32xf32, #tpu.memory_space<hbm>>
        tpu.enqueue_indirect_dma source(%dma_start3A_355 : memref<1015808x32xf32, #tpu.memory_space<hbm>>) target(%dma_start3A_349 : memref<128x32xf32, #tpu.memory_space<vmem>>) offsets(%dma_start3A_352 : memref<128xi32, #tpu.memory_space<vmem>>) semaphore(%arg8 : memref<!tpu.dma_semaphore, #tpu.memory_space<semaphore_mem>>)
        %mul3A_356 = arith.constant 10 : i32
        %mul3A_357 = arith.muli %add3A_313, %mul3A_356 : i32
        %add3A_358 = arith.constant 2 : i32
        %add3A_359 = arith.addi %mul3A_357, %add3A_358 : i32
        %dma_start3A_360 = arith.constant 1 : i32
        %dma_start3A_361 = arith.constant 2 : i32
        %dma_start3A_362 = arith.constant 0 : i32
        %dma_start3A_363 = arith.constant 0 : i32
        %dma_start3A_364 = arith.constant 0 : i32
        %dma_start3A_365 = tpu.memref_slice %arg6[%dma_start3A_360, %dma_start3A_362, %dma_start3A_363, %dma_start3A_364] : memref<2x10x128x32xf32, #tpu.memory_space<vmem>> -> memref<1x10x128x32xf32, #tpu.memory_space<vmem>>
        %dma_start3A_366 = tpu.memref_squeeze %dma_start3A_365 : memref<1x10x128x32xf32, #tpu.memory_space<vmem>> -> memref<10x128x32xf32, #tpu.memory_space<vmem>>
        %dma_start3A_367 = arith.constant 0 : i32
        %dma_start3A_368 = arith.constant 0 : i32
        %dma_start3A_369 = tpu.memref_slice %dma_start3A_366[%dma_start3A_361, %dma_start3A_367, %dma_start3A_368] : memref<10x128x32xf32, #tpu.memory_space<vmem>> -> memref<1x128x32xf32, #tpu.memory_space<vmem>>
        %dma_start3A_370 = tpu.memref_squeeze %dma_start3A_369 : memref<1x128x32xf32, #tpu.memory_space<vmem>> -> memref<128x32xf32, #tpu.memory_space<vmem>>
        %dma_start3A_371 = arith.constant 0 : i32
        %dma_start3A_372 = tpu.memref_slice %arg5[%add3A_359, %dma_start3A_371] : memref<200x128xi32, #tpu.memory_space<vmem>> -> memref<1x128xi32, #tpu.memory_space<vmem>>
        %dma_start3A_373 = tpu.memref_squeeze %dma_start3A_372 : memref<1x128xi32, #tpu.memory_space<vmem>> -> memref<128xi32, #tpu.memory_space<vmem>>
        %dma_start3A_374 = arith.constant 0 : i32
        %dma_start3A_375 = arith.constant 0 : i32
        %dma_start3A_376 = tpu.memref_slice %arg3[%dma_start3A_374, %dma_start3A_375] : memref<1015808x32xf32, #tpu.memory_space<hbm>> -> memref<1015808x32xf32, #tpu.memory_space<hbm>>
        tpu.enqueue_indirect_dma source(%dma_start3A_376 : memref<1015808x32xf32, #tpu.memory_space<hbm>>) target(%dma_start3A_370 : memref<128x32xf32, #tpu.memory_space<vmem>>) offsets(%dma_start3A_373 : memref<128xi32, #tpu.memory_space<vmem>>) semaphore(%arg8 : memref<!tpu.dma_semaphore, #tpu.memory_space<semaphore_mem>>)
        %mul3A_377 = arith.constant 10 : i32
        %mul3A_378 = arith.muli %add3A_313, %mul3A_377 : i32
        %add3A_379 = arith.constant 3 : i32
        %add3A_380 = arith.addi %mul3A_378, %add3A_379 : i32
        %dma_start3A_381 = arith.constant 1 : i32
        %dma_start3A_382 = arith.constant 3 : i32
        %dma_start3A_383 = arith.constant 0 : i32
        %dma_start3A_384 = arith.constant 0 : i32
        %dma_start3A_385 = arith.constant 0 : i32
        %dma_start3A_386 = tpu.memref_slice %arg6[%dma_start3A_381, %dma_start3A_383, %dma_start3A_384, %dma_start3A_385] : memref<2x10x128x32xf32, #tpu.memory_space<vmem>> -> memref<1x10x128x32xf32, #tpu.memory_space<vmem>>
        %dma_start3A_387 = tpu.memref_squeeze %dma_start3A_386 : memref<1x10x128x32xf32, #tpu.memory_space<vmem>> -> memref<10x128x32xf32, #tpu.memory_space<vmem>>
        %dma_start3A_388 = arith.constant 0 : i32
        %dma_start3A_389 = arith.constant 0 : i32
        %dma_start3A_390 = tpu.memref_slice %dma_start3A_387[%dma_start3A_382, %dma_start3A_388, %dma_start3A_389] : memref<10x128x32xf32, #tpu.memory_space<vmem>> -> memref<1x128x32xf32, #tpu.memory_space<vmem>>
        %dma_start3A_391 = tpu.memref_squeeze %dma_start3A_390 : memref<1x128x32xf32, #tpu.memory_space<vmem>> -> memref<128x32xf32, #tpu.memory_space<vmem>>
        %dma_start3A_392 = arith.constant 0 : i32
        %dma_start3A_393 = tpu.memref_slice %arg5[%add3A_380, %dma_start3A_392] : memref<200x128xi32, #tpu.memory_space<vmem>> -> memref<1x128xi32, #tpu.memory_space<vmem>>
        %dma_start3A_394 = tpu.memref_squeeze %dma_start3A_393 : memref<1x128xi32, #tpu.memory_space<vmem>> -> memref<128xi32, #tpu.memory_space<vmem>>
        %dma_start3A_395 = arith.constant 0 : i32
        %dma_start3A_396 = arith.constant 0 : i32
        %dma_start3A_397 = tpu.memref_slice %arg3[%dma_start3A_395, %dma_start3A_396] : memref<1015808x32xf32, #tpu.memory_space<hbm>> -> memref<1015808x32xf32, #tpu.memory_space<hbm>>
        tpu.enqueue_indirect_dma source(%dma_start3A_397 : memref<1015808x32xf32, #tpu.memory_space<hbm>>) target(%dma_start3A_391 : memref<128x32xf32, #tpu.memory_space<vmem>>) offsets(%dma_start3A_394 : memref<128xi32, #tpu.memory_space<vmem>>) semaphore(%arg8 : memref<!tpu.dma_semaphore, #tpu.memory_space<semaphore_mem>>)
        %mul3A_398 = arith.constant 10 : i32
        %mul3A_399 = arith.muli %add3A_313, %mul3A_398 : i32
        %add3A_400 = arith.constant 4 : i32
        %add3A_401 = arith.addi %mul3A_399, %add3A_400 : i32
        %dma_start3A_402 = arith.constant 1 : i32
        %dma_start3A_403 = arith.constant 4 : i32
        %dma_start3A_404 = arith.constant 0 : i32
        %dma_start3A_405 = arith.constant 0 : i32
        %dma_start3A_406 = arith.constant 0 : i32
        %dma_start3A_407 = tpu.memref_slice %arg6[%dma_start3A_402, %dma_start3A_404, %dma_start3A_405, %dma_start3A_406] : memref<2x10x128x32xf32, #tpu.memory_space<vmem>> -> memref<1x10x128x32xf32, #tpu.memory_space<vmem>>
        %dma_start3A_408 = tpu.memref_squeeze %dma_start3A_407 : memref<1x10x128x32xf32, #tpu.memory_space<vmem>> -> memref<10x128x32xf32, #tpu.memory_space<vmem>>
        %dma_start3A_409 = arith.constant 0 : i32
        %dma_start3A_410 = arith.constant 0 : i32
        %dma_start3A_411 = tpu.memref_slice %dma_start3A_408[%dma_start3A_403, %dma_start3A_409, %dma_start3A_410] : memref<10x128x32xf32, #tpu.memory_space<vmem>> -> memref<1x128x32xf32, #tpu.memory_space<vmem>>
        %dma_start3A_412 = tpu.memref_squeeze %dma_start3A_411 : memref<1x128x32xf32, #tpu.memory_space<vmem>> -> memref<128x32xf32, #tpu.memory_space<vmem>>
        %dma_start3A_413 = arith.constant 0 : i32
        %dma_start3A_414 = tpu.memref_slice %arg5[%add3A_401, %dma_start3A_413] : memref<200x128xi32, #tpu.memory_space<vmem>> -> memref<1x128xi32, #tpu.memory_space<vmem>>
        %dma_start3A_415 = tpu.memref_squeeze %dma_start3A_414 : memref<1x128xi32, #tpu.memory_space<vmem>> -> memref<128xi32, #tpu.memory_space<vmem>>
        %dma_start3A_416 = arith.constant 0 : i32
        %dma_start3A_417 = arith.constant 0 : i32
        %dma_start3A_418 = tpu.memref_slice %arg3[%dma_start3A_416, %dma_start3A_417] : memref<1015808x32xf32, #tpu.memory_space<hbm>> -> memref<1015808x32xf32, #tpu.memory_space<hbm>>
        tpu.enqueue_indirect_dma source(%dma_start3A_418 : memref<1015808x32xf32, #tpu.memory_space<hbm>>) target(%dma_start3A_412 : memref<128x32xf32, #tpu.memory_space<vmem>>) offsets(%dma_start3A_415 : memref<128xi32, #tpu.memory_space<vmem>>) semaphore(%arg8 : memref<!tpu.dma_semaphore, #tpu.memory_space<semaphore_mem>>)
        %mul3A_419 = arith.constant 10 : i32
        %mul3A_420 = arith.muli %add3A_313, %mul3A_419 : i32
        %add3A_421 = arith.constant 5 : i32
        %add3A_422 = arith.addi %mul3A_420, %add3A_421 : i32
        %dma_start3A_423 = arith.constant 1 : i32
        %dma_start3A_424 = arith.constant 5 : i32
        %dma_start3A_425 = arith.constant 0 : i32
        %dma_start3A_426 = arith.constant 0 : i32
        %dma_start3A_427 = arith.constant 0 : i32
        %dma_start3A_428 = tpu.memref_slice %arg6[%dma_start3A_423, %dma_start3A_425, %dma_start3A_426, %dma_start3A_427] : memref<2x10x128x32xf32, #tpu.memory_space<vmem>> -> memref<1x10x128x32xf32, #tpu.memory_space<vmem>>
        %dma_start3A_429 = tpu.memref_squeeze %dma_start3A_428 : memref<1x10x128x32xf32, #tpu.memory_space<vmem>> -> memref<10x128x32xf32, #tpu.memory_space<vmem>>
        %dma_start3A_430 = arith.constant 0 : i32
        %dma_start3A_431 = arith.constant 0 : i32
        %dma_start3A_432 = tpu.memref_slice %dma_start3A_429[%dma_start3A_424, %dma_start3A_430, %dma_start3A_431] : memref<10x128x32xf32, #tpu.memory_space<vmem>> -> memref<1x128x32xf32, #tpu.memory_space<vmem>>
        %dma_start3A_433 = tpu.memref_squeeze %dma_start3A_432 : memref<1x128x32xf32, #tpu.memory_space<vmem>> -> memref<128x32xf32, #tpu.memory_space<vmem>>
        %dma_start3A_434 = arith.constant 0 : i32
        %dma_start3A_435 = tpu.memref_slice %arg5[%add3A_422, %dma_start3A_434] : memref<200x128xi32, #tpu.memory_space<vmem>> -> memref<1x128xi32, #tpu.memory_space<vmem>>
        %dma_start3A_436 = tpu.memref_squeeze %dma_start3A_435 : memref<1x128xi32, #tpu.memory_space<vmem>> -> memref<128xi32, #tpu.memory_space<vmem>>
        %dma_start3A_437 = arith.constant 0 : i32
        %dma_start3A_438 = arith.constant 0 : i32
        %dma_start3A_439 = tpu.memref_slice %arg3[%dma_start3A_437, %dma_start3A_438] : memref<1015808x32xf32, #tpu.memory_space<hbm>> -> memref<1015808x32xf32, #tpu.memory_space<hbm>>
        tpu.enqueue_indirect_dma source(%dma_start3A_439 : memref<1015808x32xf32, #tpu.memory_space<hbm>>) target(%dma_start3A_433 : memref<128x32xf32, #tpu.memory_space<vmem>>) offsets(%dma_start3A_436 : memref<128xi32, #tpu.memory_space<vmem>>) semaphore(%arg8 : memref<!tpu.dma_semaphore, #tpu.memory_space<semaphore_mem>>)
        %mul3A_440 = arith.constant 10 : i32
        %mul3A_441 = arith.muli %add3A_313, %mul3A_440 : i32
        %add3A_442 = arith.constant 6 : i32
        %add3A_443 = arith.addi %mul3A_441, %add3A_442 : i32
        %dma_start3A_444 = arith.constant 1 : i32
        %dma_start3A_445 = arith.constant 6 : i32
        %dma_start3A_446 = arith.constant 0 : i32
        %dma_start3A_447 = arith.constant 0 : i32
        %dma_start3A_448 = arith.constant 0 : i32
        %dma_start3A_449 = tpu.memref_slice %arg6[%dma_start3A_444, %dma_start3A_446, %dma_start3A_447, %dma_start3A_448] : memref<2x10x128x32xf32, #tpu.memory_space<vmem>> -> memref<1x10x128x32xf32, #tpu.memory_space<vmem>>
        %dma_start3A_450 = tpu.memref_squeeze %dma_start3A_449 : memref<1x10x128x32xf32, #tpu.memory_space<vmem>> -> memref<10x128x32xf32, #tpu.memory_space<vmem>>
        %dma_start3A_451 = arith.constant 0 : i32
        %dma_start3A_452 = arith.constant 0 : i32
        %dma_start3A_453 = tpu.memref_slice %dma_start3A_450[%dma_start3A_445, %dma_start3A_451, %dma_start3A_452] : memref<10x128x32xf32, #tpu.memory_space<vmem>> -> memref<1x128x32xf32, #tpu.memory_space<vmem>>
        %dma_start3A_454 = tpu.memref_squeeze %dma_start3A_453 : memref<1x128x32xf32, #tpu.memory_space<vmem>> -> memref<128x32xf32, #tpu.memory_space<vmem>>
        %dma_start3A_455 = arith.constant 0 : i32
        %dma_start3A_456 = tpu.memref_slice %arg5[%add3A_443, %dma_start3A_455] : memref<200x128xi32, #tpu.memory_space<vmem>> -> memref<1x128xi32, #tpu.memory_space<vmem>>
        %dma_start3A_457 = tpu.memref_squeeze %dma_start3A_456 : memref<1x128xi32, #tpu.memory_space<vmem>> -> memref<128xi32, #tpu.memory_space<vmem>>
        %dma_start3A_458 = arith.constant 0 : i32
        %dma_start3A_459 = arith.constant 0 : i32
        %dma_start3A_460 = tpu.memref_slice %arg3[%dma_start3A_458, %dma_start3A_459] : memref<1015808x32xf32, #tpu.memory_space<hbm>> -> memref<1015808x32xf32, #tpu.memory_space<hbm>>
        tpu.enqueue_indirect_dma source(%dma_start3A_460 : memref<1015808x32xf32, #tpu.memory_space<hbm>>) target(%dma_start3A_454 : memref<128x32xf32, #tpu.memory_space<vmem>>) offsets(%dma_start3A_457 : memref<128xi32, #tpu.memory_space<vmem>>) semaphore(%arg8 : memref<!tpu.dma_semaphore, #tpu.memory_space<semaphore_mem>>)
        %mul3A_461 = arith.constant 10 : i32
        %mul3A_462 = arith.muli %add3A_313, %mul3A_461 : i32
        %add3A_463 = arith.constant 7 : i32
        %add3A_464 = arith.addi %mul3A_462, %add3A_463 : i32
        %dma_start3A_465 = arith.constant 1 : i32
        %dma_start3A_466 = arith.constant 7 : i32
        %dma_start3A_467 = arith.constant 0 : i32
        %dma_start3A_468 = arith.constant 0 : i32
        %dma_start3A_469 = arith.constant 0 : i32
        %dma_start3A_470 = tpu.memref_slice %arg6[%dma_start3A_465, %dma_start3A_467, %dma_start3A_468, %dma_start3A_469] : memref<2x10x128x32xf32, #tpu.memory_space<vmem>> -> memref<1x10x128x32xf32, #tpu.memory_space<vmem>>
        %dma_start3A_471 = tpu.memref_squeeze %dma_start3A_470 : memref<1x10x128x32xf32, #tpu.memory_space<vmem>> -> memref<10x128x32xf32, #tpu.memory_space<vmem>>
        %dma_start3A_472 = arith.constant 0 : i32
        %dma_start3A_473 = arith.constant 0 : i32
        %dma_start3A_474 = tpu.memref_slice %dma_start3A_471[%dma_start3A_466, %dma_start3A_472, %dma_start3A_473] : memref<10x128x32xf32, #tpu.memory_space<vmem>> -> memref<1x128x32xf32, #tpu.memory_space<vmem>>
        %dma_start3A_475 = tpu.memref_squeeze %dma_start3A_474 : memref<1x128x32xf32, #tpu.memory_space<vmem>> -> memref<128x32xf32, #tpu.memory_space<vmem>>
        %dma_start3A_476 = arith.constant 0 : i32
        %dma_start3A_477 = tpu.memref_slice %arg5[%add3A_464, %dma_start3A_476] : memref<200x128xi32, #tpu.memory_space<vmem>> -> memref<1x128xi32, #tpu.memory_space<vmem>>
        %dma_start3A_478 = tpu.memref_squeeze %dma_start3A_477 : memref<1x128xi32, #tpu.memory_space<vmem>> -> memref<128xi32, #tpu.memory_space<vmem>>
        %dma_start3A_479 = arith.constant 0 : i32
        %dma_start3A_480 = arith.constant 0 : i32
        %dma_start3A_481 = tpu.memref_slice %arg3[%dma_start3A_479, %dma_start3A_480] : memref<1015808x32xf32, #tpu.memory_space<hbm>> -> memref<1015808x32xf32, #tpu.memory_space<hbm>>
        tpu.enqueue_indirect_dma source(%dma_start3A_481 : memref<1015808x32xf32, #tpu.memory_space<hbm>>) target(%dma_start3A_475 : memref<128x32xf32, #tpu.memory_space<vmem>>) offsets(%dma_start3A_478 : memref<128xi32, #tpu.memory_space<vmem>>) semaphore(%arg8 : memref<!tpu.dma_semaphore, #tpu.memory_space<semaphore_mem>>)
        %mul3A_482 = arith.constant 10 : i32
        %mul3A_483 = arith.muli %add3A_313, %mul3A_482 : i32
        %add3A_484 = arith.constant 8 : i32
        %add3A_485 = arith.addi %mul3A_483, %add3A_484 : i32
        %dma_start3A_486 = arith.constant 1 : i32
        %dma_start3A_487 = arith.constant 8 : i32
        %dma_start3A_488 = arith.constant 0 : i32
        %dma_start3A_489 = arith.constant 0 : i32
        %dma_start3A_490 = arith.constant 0 : i32
        %dma_start3A_491 = tpu.memref_slice %arg6[%dma_start3A_486, %dma_start3A_488, %dma_start3A_489, %dma_start3A_490] : memref<2x10x128x32xf32, #tpu.memory_space<vmem>> -> memref<1x10x128x32xf32, #tpu.memory_space<vmem>>
        %dma_start3A_492 = tpu.memref_squeeze %dma_start3A_491 : memref<1x10x128x32xf32, #tpu.memory_space<vmem>> -> memref<10x128x32xf32, #tpu.memory_space<vmem>>
        %dma_start3A_493 = arith.constant 0 : i32
        %dma_start3A_494 = arith.constant 0 : i32
        %dma_start3A_495 = tpu.memref_slice %dma_start3A_492[%dma_start3A_487, %dma_start3A_493, %dma_start3A_494] : memref<10x128x32xf32, #tpu.memory_space<vmem>> -> memref<1x128x32xf32, #tpu.memory_space<vmem>>
        %dma_start3A_496 = tpu.memref_squeeze %dma_start3A_495 : memref<1x128x32xf32, #tpu.memory_space<vmem>> -> memref<128x32xf32, #tpu.memory_space<vmem>>
        %dma_start3A_497 = arith.constant 0 : i32
        %dma_start3A_498 = tpu.memref_slice %arg5[%add3A_485, %dma_start3A_497] : memref<200x128xi32, #tpu.memory_space<vmem>> -> memref<1x128xi32, #tpu.memory_space<vmem>>
        %dma_start3A_499 = tpu.memref_squeeze %dma_start3A_498 : memref<1x128xi32, #tpu.memory_space<vmem>> -> memref<128xi32, #tpu.memory_space<vmem>>
        %dma_start3A_500 = arith.constant 0 : i32
        %dma_start3A_501 = arith.constant 0 : i32
        %dma_start3A_502 = tpu.memref_slice %arg3[%dma_start3A_500, %dma_start3A_501] : memref<1015808x32xf32, #tpu.memory_space<hbm>> -> memref<1015808x32xf32, #tpu.memory_space<hbm>>
        tpu.enqueue_indirect_dma source(%dma_start3A_502 : memref<1015808x32xf32, #tpu.memory_space<hbm>>) target(%dma_start3A_496 : memref<128x32xf32, #tpu.memory_space<vmem>>) offsets(%dma_start3A_499 : memref<128xi32, #tpu.memory_space<vmem>>) semaphore(%arg8 : memref<!tpu.dma_semaphore, #tpu.memory_space<semaphore_mem>>)
        %mul3A_503 = arith.constant 10 : i32
        %mul3A_504 = arith.muli %add3A_313, %mul3A_503 : i32
        %add3A_505 = arith.constant 9 : i32
        %add3A_506 = arith.addi %mul3A_504, %add3A_505 : i32
        %dma_start3A_507 = arith.constant 1 : i32
        %dma_start3A_508 = arith.constant 9 : i32
        %dma_start3A_509 = arith.constant 0 : i32
        %dma_start3A_510 = arith.constant 0 : i32
        %dma_start3A_511 = arith.constant 0 : i32
        %dma_start3A_512 = tpu.memref_slice %arg6[%dma_start3A_507, %dma_start3A_509, %dma_start3A_510, %dma_start3A_511] : memref<2x10x128x32xf32, #tpu.memory_space<vmem>> -> memref<1x10x128x32xf32, #tpu.memory_space<vmem>>
        %dma_start3A_513 = tpu.memref_squeeze %dma_start3A_512 : memref<1x10x128x32xf32, #tpu.memory_space<vmem>> -> memref<10x128x32xf32, #tpu.memory_space<vmem>>
        %dma_start3A_514 = arith.constant 0 : i32
        %dma_start3A_515 = arith.constant 0 : i32
        %dma_start3A_516 = tpu.memref_slice %dma_start3A_513[%dma_start3A_508, %dma_start3A_514, %dma_start3A_515] : memref<10x128x32xf32, #tpu.memory_space<vmem>> -> memref<1x128x32xf32, #tpu.memory_space<vmem>>
        %dma_start3A_517 = tpu.memref_squeeze %dma_start3A_516 : memref<1x128x32xf32, #tpu.memory_space<vmem>> -> memref<128x32xf32, #tpu.memory_space<vmem>>
        %dma_start3A_518 = arith.constant 0 : i32
        %dma_start3A_519 = tpu.memref_slice %arg5[%add3A_506, %dma_start3A_518] : memref<200x128xi32, #tpu.memory_space<vmem>> -> memref<1x128xi32, #tpu.memory_space<vmem>>
        %dma_start3A_520 = tpu.memref_squeeze %dma_start3A_519 : memref<1x128xi32, #tpu.memory_space<vmem>> -> memref<128xi32, #tpu.memory_space<vmem>>
        %dma_start3A_521 = arith.constant 0 : i32
        %dma_start3A_522 = arith.constant 0 : i32
        %dma_start3A_523 = tpu.memref_slice %arg3[%dma_start3A_521, %dma_start3A_522] : memref<1015808x32xf32, #tpu.memory_space<hbm>> -> memref<1015808x32xf32, #tpu.memory_space<hbm>>
        tpu.enqueue_indirect_dma source(%dma_start3A_523 : memref<1015808x32xf32, #tpu.memory_space<hbm>>) target(%dma_start3A_517 : memref<128x32xf32, #tpu.memory_space<vmem>>) offsets(%dma_start3A_520 : memref<128xi32, #tpu.memory_space<vmem>>) semaphore(%arg8 : memref<!tpu.dma_semaphore, #tpu.memory_space<semaphore_mem>>)
      } else {
      }
      %dma_wait3A_218 = arith.constant 0 : i32
      %dma_wait3A_219 = arith.constant 0 : i32
      %dma_wait3A_220 = arith.constant 0 : i32
      %dma_wait3A_221 = arith.constant 0 : i32
      %dma_wait3A_222 = tpu.memref_slice %arg6[%dma_wait3A_218, %dma_wait3A_219, %dma_wait3A_220, %dma_wait3A_221] : memref<2x10x128x32xf32, #tpu.memory_space<vmem>> -> memref<1x10x128x32xf32, #tpu.memory_space<vmem>>
      %dma_wait3A_223 = tpu.memref_squeeze %dma_wait3A_222 : memref<1x10x128x32xf32, #tpu.memory_space<vmem>> -> memref<10x128x32xf32, #tpu.memory_space<vmem>>
      %dma_wait3A_224 = arith.constant 0 : i32
      %dma_wait3A_225 = arith.constant 0 : i32
      %dma_wait3A_226 = arith.constant 0 : i32
      %dma_wait3A_227 = tpu.memref_slice %arg4[%dma_wait3A_224, %dma_wait3A_225, %dma_wait3A_226] : memref<6400x128x32xf32, #tpu.memory_space<hbm>> -> memref<10x128x32xf32, #tpu.memory_space<hbm>>
      %dma_wait3A_228 = arith.constant 0 : i32
      %dma_wait3A_229 = arith.constant 0 : i32
      %dma_wait3A_230 = arith.constant 0 : i32
      %dma_wait3A_231 = tpu.memref_slice %arg6[%dma_wait3A_218, %dma_wait3A_228, %dma_wait3A_229, %dma_wait3A_230] : memref<2x10x128x32xf32, #tpu.memory_space<vmem>> -> memref<1x10x128x32xf32, #tpu.memory_space<vmem>>
      %dma_wait3A_232 = tpu.memref_squeeze %dma_wait3A_231 : memref<1x10x128x32xf32, #tpu.memory_space<vmem>> -> memref<10x128x32xf32, #tpu.memory_space<vmem>>
      %dma_wait3A_233 = arith.constant 0 : i32
      %dma_wait3A_234 = arith.constant 0 : i32
      %dma_wait3A_235 = arith.constant 0 : i32
      %dma_wait3A_236 = tpu.memref_slice %arg4[%dma_wait3A_233, %dma_wait3A_234, %dma_wait3A_235] : memref<6400x128x32xf32, #tpu.memory_space<hbm>> -> memref<10x128x32xf32, #tpu.memory_space<hbm>>
      tpu.wait_dma2 semaphore(%arg7 : memref<!tpu.dma_semaphore, #tpu.memory_space<semaphore_mem>>) src(%dma_wait3A_236 : memref<10x128x32xf32, #tpu.memory_space<hbm>>) dst(%dma_wait3A_232 : memref<10x128x32xf32, #tpu.memory_space<vmem>>)
      %mul3A_237 = arith.constant 10 : i32
      %mul3A_238 = arith.muli %add3A_209, %mul3A_237 : i32
      %add3A_239 = arith.addi %mul3A_2, %mul3A_238 : i32
      %dma_start3A_240 = arith.constant 0 : i32
      %dma_start3A_241 = arith.constant 0 : i32
      %dma_start3A_242 = arith.constant 0 : i32
      %dma_start3A_243 = arith.constant 0 : i32
      %dma_start3A_244 = tpu.memref_slice %arg6[%dma_start3A_240, %dma_start3A_241, %dma_start3A_242, %dma_start3A_243] : memref<2x10x128x32xf32, #tpu.memory_space<vmem>> -> memref<1x10x128x32xf32, #tpu.memory_space<vmem>>
      %dma_start3A_245 = tpu.memref_squeeze %dma_start3A_244 : memref<1x10x128x32xf32, #tpu.memory_space<vmem>> -> memref<10x128x32xf32, #tpu.memory_space<vmem>>
      %dma_start3A_246 = arith.constant 0 : i32
      %dma_start3A_247 = arith.constant 0 : i32
      %dma_start3A_248 = tpu.memref_slice %arg4[%add3A_239, %dma_start3A_246, %dma_start3A_247] : memref<6400x128x32xf32, #tpu.memory_space<hbm>> -> memref<10x128x32xf32, #tpu.memory_space<hbm>>
      %dma_start3A_249 = arith.constant 0 : i32
      %dma_start3A_250 = arith.constant 0 : i32
      %dma_start3A_251 = tpu.memref_slice %arg4[%add3A_239, %dma_start3A_249, %dma_start3A_250] : memref<6400x128x32xf32, #tpu.memory_space<hbm>> -> memref<10x128x32xf32, #tpu.memory_space<hbm>>
      %dma_start3A_252 = arith.constant 0 : i32
      %dma_start3A_253 = arith.constant 0 : i32
      %dma_start3A_254 = arith.constant 0 : i32
      %dma_start3A_255 = tpu.memref_slice %arg6[%dma_start3A_240, %dma_start3A_252, %dma_start3A_253, %dma_start3A_254] : memref<2x10x128x32xf32, #tpu.memory_space<vmem>> -> memref<1x10x128x32xf32, #tpu.memory_space<vmem>>
      %dma_start3A_256 = tpu.memref_squeeze %dma_start3A_255 : memref<1x10x128x32xf32, #tpu.memory_space<vmem>> -> memref<10x128x32xf32, #tpu.memory_space<vmem>>
      tpu.enqueue_dma source(%dma_start3A_256 : memref<10x128x32xf32, #tpu.memory_space<vmem>>) target(%dma_start3A_251 : memref<10x128x32xf32, #tpu.memory_space<hbm>>) target_semaphore(%arg9 : memref<!tpu.dma_semaphore, #tpu.memory_space<semaphore_mem>>)
      %mul3A_257 = arith.constant 2 : i32
      %mul3A_258 = arith.muli %mul3A_257, %scan3A_205 : i32
      %add3A_259 = arith.constant 1 : i32
      %add3A_260 = arith.addi %mul3A_258, %add3A_259 : i32
      %ge3A_261 = arith.constant 1 : i32
      %ge3A_262 = arith.cmpi sge, %add3A_260, %ge3A_261 : i32
      %convert_element_type3A_263 = arith.extui %ge3A_262 : i1 to i32
      %cond3A_264 = arith.constant 0 : i32
      %cond3A_265 = arith.cmpi ne, %convert_element_type3A_263, %cond3A_264 : i32
      scf.if %cond3A_265 {
        %dma_wait3A_312 = arith.constant 0 : i32
        %dma_wait3A_313 = arith.constant 0 : i32
        %dma_wait3A_314 = arith.constant 0 : i32
        %dma_wait3A_315 = arith.constant 0 : i32
        %dma_wait3A_316 = tpu.memref_slice %arg6[%dma_wait3A_312, %dma_wait3A_313, %dma_wait3A_314, %dma_wait3A_315] : memref<2x10x128x32xf32, #tpu.memory_space<vmem>> -> memref<1x10x128x32xf32, #tpu.memory_space<vmem>>
        %dma_wait3A_317 = tpu.memref_squeeze %dma_wait3A_316 : memref<1x10x128x32xf32, #tpu.memory_space<vmem>> -> memref<10x128x32xf32, #tpu.memory_space<vmem>>
        %dma_wait3A_318 = arith.constant 0 : i32
        %dma_wait3A_319 = arith.constant 0 : i32
        %dma_wait3A_320 = arith.constant 0 : i32
        %dma_wait3A_321 = tpu.memref_slice %arg4[%dma_wait3A_318, %dma_wait3A_319, %dma_wait3A_320] : memref<6400x128x32xf32, #tpu.memory_space<hbm>> -> memref<10x128x32xf32, #tpu.memory_space<hbm>>
        %dma_wait3A_322 = arith.constant 0 : i32
        %dma_wait3A_323 = arith.constant 0 : i32
        %dma_wait3A_324 = arith.constant 0 : i32
        %dma_wait3A_325 = tpu.memref_slice %arg4[%dma_wait3A_322, %dma_wait3A_323, %dma_wait3A_324] : memref<6400x128x32xf32, #tpu.memory_space<hbm>> -> memref<10x128x32xf32, #tpu.memory_space<hbm>>
        %dma_wait3A_326 = arith.constant 0 : i32
        %dma_wait3A_327 = arith.constant 0 : i32
        %dma_wait3A_328 = arith.constant 0 : i32
        %dma_wait3A_329 = tpu.memref_slice %arg6[%dma_wait3A_312, %dma_wait3A_326, %dma_wait3A_327, %dma_wait3A_328] : memref<2x10x128x32xf32, #tpu.memory_space<vmem>> -> memref<1x10x128x32xf32, #tpu.memory_space<vmem>>
        %dma_wait3A_330 = tpu.memref_squeeze %dma_wait3A_329 : memref<1x10x128x32xf32, #tpu.memory_space<vmem>> -> memref<10x128x32xf32, #tpu.memory_space<vmem>>
        tpu.wait_dma2 semaphore(%arg9 : memref<!tpu.dma_semaphore, #tpu.memory_space<semaphore_mem>>) src(%dma_wait3A_330 : memref<10x128x32xf32, #tpu.memory_space<vmem>>) dst(%dma_wait3A_325 : memref<10x128x32xf32, #tpu.memory_space<hbm>>)
      } else {
      }
      %add3A_266 = arith.constant 1 : i32
      %add3A_267 = arith.addi %add3A_260, %add3A_266 : i32
      %lt3A_268 = arith.constant 20 : i32
      %lt3A_269 = arith.cmpi slt, %add3A_267, %lt3A_268 : i32
      %convert_element_type3A_270 = arith.extui %lt3A_269 : i1 to i32
      %cond3A_271 = arith.constant 0 : i32
      %cond3A_272 = arith.cmpi ne, %convert_element_type3A_270, %cond3A_271 : i32
      scf.if %cond3A_272 {
        %add3A_312 = arith.constant 1 : i32
        %add3A_313 = arith.addi %add3A_260, %add3A_312 : i32
        %mul3A_314 = arith.constant 10 : i32
        %mul3A_315 = arith.muli %add3A_313, %mul3A_314 : i32
        %add3A_316 = arith.constant 0 : i32
        %add3A_317 = arith.addi %mul3A_315, %add3A_316 : i32
        %dma_start3A_318 = arith.constant 0 : i32
        %dma_start3A_319 = arith.constant 0 : i32
        %dma_start3A_320 = arith.constant 0 : i32
        %dma_start3A_321 = arith.constant 0 : i32
        %dma_start3A_322 = arith.constant 0 : i32
        %dma_start3A_323 = tpu.memref_slice %arg6[%dma_start3A_318, %dma_start3A_320, %dma_start3A_321, %dma_start3A_322] : memref<2x10x128x32xf32, #tpu.memory_space<vmem>> -> memref<1x10x128x32xf32, #tpu.memory_space<vmem>>
        %dma_start3A_324 = tpu.memref_squeeze %dma_start3A_323 : memref<1x10x128x32xf32, #tpu.memory_space<vmem>> -> memref<10x128x32xf32, #tpu.memory_space<vmem>>
        %dma_start3A_325 = arith.constant 0 : i32
        %dma_start3A_326 = arith.constant 0 : i32
        %dma_start3A_327 = tpu.memref_slice %dma_start3A_324[%dma_start3A_319, %dma_start3A_325, %dma_start3A_326] : memref<10x128x32xf32, #tpu.memory_space<vmem>> -> memref<1x128x32xf32, #tpu.memory_space<vmem>>
        %dma_start3A_328 = tpu.memref_squeeze %dma_start3A_327 : memref<1x128x32xf32, #tpu.memory_space<vmem>> -> memref<128x32xf32, #tpu.memory_space<vmem>>
        %dma_start3A_329 = arith.constant 0 : i32
        %dma_start3A_330 = tpu.memref_slice %arg5[%add3A_317, %dma_start3A_329] : memref<200x128xi32, #tpu.memory_space<vmem>> -> memref<1x128xi32, #tpu.memory_space<vmem>>
        %dma_start3A_331 = tpu.memref_squeeze %dma_start3A_330 : memref<1x128xi32, #tpu.memory_space<vmem>> -> memref<128xi32, #tpu.memory_space<vmem>>
        %dma_start3A_332 = arith.constant 0 : i32
        %dma_start3A_333 = arith.constant 0 : i32
        %dma_start3A_334 = tpu.memref_slice %arg3[%dma_start3A_332, %dma_start3A_333] : memref<1015808x32xf32, #tpu.memory_space<hbm>> -> memref<1015808x32xf32, #tpu.memory_space<hbm>>
        tpu.enqueue_indirect_dma source(%dma_start3A_334 : memref<1015808x32xf32, #tpu.memory_space<hbm>>) target(%dma_start3A_328 : memref<128x32xf32, #tpu.memory_space<vmem>>) offsets(%dma_start3A_331 : memref<128xi32, #tpu.memory_space<vmem>>) semaphore(%arg7 : memref<!tpu.dma_semaphore, #tpu.memory_space<semaphore_mem>>)
        %mul3A_335 = arith.constant 10 : i32
        %mul3A_336 = arith.muli %add3A_313, %mul3A_335 : i32
        %add3A_337 = arith.constant 1 : i32
        %add3A_338 = arith.addi %mul3A_336, %add3A_337 : i32
        %dma_start3A_339 = arith.constant 0 : i32
        %dma_start3A_340 = arith.constant 1 : i32
        %dma_start3A_341 = arith.constant 0 : i32
        %dma_start3A_342 = arith.constant 0 : i32
        %dma_start3A_343 = arith.constant 0 : i32
        %dma_start3A_344 = tpu.memref_slice %arg6[%dma_start3A_339, %dma_start3A_341, %dma_start3A_342, %dma_start3A_343] : memref<2x10x128x32xf32, #tpu.memory_space<vmem>> -> memref<1x10x128x32xf32, #tpu.memory_space<vmem>>
        %dma_start3A_345 = tpu.memref_squeeze %dma_start3A_344 : memref<1x10x128x32xf32, #tpu.memory_space<vmem>> -> memref<10x128x32xf32, #tpu.memory_space<vmem>>
        %dma_start3A_346 = arith.constant 0 : i32
        %dma_start3A_347 = arith.constant 0 : i32
        %dma_start3A_348 = tpu.memref_slice %dma_start3A_345[%dma_start3A_340, %dma_start3A_346, %dma_start3A_347] : memref<10x128x32xf32, #tpu.memory_space<vmem>> -> memref<1x128x32xf32, #tpu.memory_space<vmem>>
        %dma_start3A_349 = tpu.memref_squeeze %dma_start3A_348 : memref<1x128x32xf32, #tpu.memory_space<vmem>> -> memref<128x32xf32, #tpu.memory_space<vmem>>
        %dma_start3A_350 = arith.constant 0 : i32
        %dma_start3A_351 = tpu.memref_slice %arg5[%add3A_338, %dma_start3A_350] : memref<200x128xi32, #tpu.memory_space<vmem>> -> memref<1x128xi32, #tpu.memory_space<vmem>>
        %dma_start3A_352 = tpu.memref_squeeze %dma_start3A_351 : memref<1x128xi32, #tpu.memory_space<vmem>> -> memref<128xi32, #tpu.memory_space<vmem>>
        %dma_start3A_353 = arith.constant 0 : i32
        %dma_start3A_354 = arith.constant 0 : i32
        %dma_start3A_355 = tpu.memref_slice %arg3[%dma_start3A_353, %dma_start3A_354] : memref<1015808x32xf32, #tpu.memory_space<hbm>> -> memref<1015808x32xf32, #tpu.memory_space<hbm>>
        tpu.enqueue_indirect_dma source(%dma_start3A_355 : memref<1015808x32xf32, #tpu.memory_space<hbm>>) target(%dma_start3A_349 : memref<128x32xf32, #tpu.memory_space<vmem>>) offsets(%dma_start3A_352 : memref<128xi32, #tpu.memory_space<vmem>>) semaphore(%arg7 : memref<!tpu.dma_semaphore, #tpu.memory_space<semaphore_mem>>)
        %mul3A_356 = arith.constant 10 : i32
        %mul3A_357 = arith.muli %add3A_313, %mul3A_356 : i32
        %add3A_358 = arith.constant 2 : i32
        %add3A_359 = arith.addi %mul3A_357, %add3A_358 : i32
        %dma_start3A_360 = arith.constant 0 : i32
        %dma_start3A_361 = arith.constant 2 : i32
        %dma_start3A_362 = arith.constant 0 : i32
        %dma_start3A_363 = arith.constant 0 : i32
        %dma_start3A_364 = arith.constant 0 : i32
        %dma_start3A_365 = tpu.memref_slice %arg6[%dma_start3A_360, %dma_start3A_362, %dma_start3A_363, %dma_start3A_364] : memref<2x10x128x32xf32, #tpu.memory_space<vmem>> -> memref<1x10x128x32xf32, #tpu.memory_space<vmem>>
        %dma_start3A_366 = tpu.memref_squeeze %dma_start3A_365 : memref<1x10x128x32xf32, #tpu.memory_space<vmem>> -> memref<10x128x32xf32, #tpu.memory_space<vmem>>
        %dma_start3A_367 = arith.constant 0 : i32
        %dma_start3A_368 = arith.constant 0 : i32
        %dma_start3A_369 = tpu.memref_slice %dma_start3A_366[%dma_start3A_361, %dma_start3A_367, %dma_start3A_368] : memref<10x128x32xf32, #tpu.memory_space<vmem>> -> memref<1x128x32xf32, #tpu.memory_space<vmem>>
        %dma_start3A_370 = tpu.memref_squeeze %dma_start3A_369 : memref<1x128x32xf32, #tpu.memory_space<vmem>> -> memref<128x32xf32, #tpu.memory_space<vmem>>
        %dma_start3A_371 = arith.constant 0 : i32
        %dma_start3A_372 = tpu.memref_slice %arg5[%add3A_359, %dma_start3A_371] : memref<200x128xi32, #tpu.memory_space<vmem>> -> memref<1x128xi32, #tpu.memory_space<vmem>>
        %dma_start3A_373 = tpu.memref_squeeze %dma_start3A_372 : memref<1x128xi32, #tpu.memory_space<vmem>> -> memref<128xi32, #tpu.memory_space<vmem>>
        %dma_start3A_374 = arith.constant 0 : i32
        %dma_start3A_375 = arith.constant 0 : i32
        %dma_start3A_376 = tpu.memref_slice %arg3[%dma_start3A_374, %dma_start3A_375] : memref<1015808x32xf32, #tpu.memory_space<hbm>> -> memref<1015808x32xf32, #tpu.memory_space<hbm>>
        tpu.enqueue_indirect_dma source(%dma_start3A_376 : memref<1015808x32xf32, #tpu.memory_space<hbm>>) target(%dma_start3A_370 : memref<128x32xf32, #tpu.memory_space<vmem>>) offsets(%dma_start3A_373 : memref<128xi32, #tpu.memory_space<vmem>>) semaphore(%arg7 : memref<!tpu.dma_semaphore, #tpu.memory_space<semaphore_mem>>)
        %mul3A_377 = arith.constant 10 : i32
        %mul3A_378 = arith.muli %add3A_313, %mul3A_377 : i32
        %add3A_379 = arith.constant 3 : i32
        %add3A_380 = arith.addi %mul3A_378, %add3A_379 : i32
        %dma_start3A_381 = arith.constant 0 : i32
        %dma_start3A_382 = arith.constant 3 : i32
        %dma_start3A_383 = arith.constant 0 : i32
        %dma_start3A_384 = arith.constant 0 : i32
        %dma_start3A_385 = arith.constant 0 : i32
        %dma_start3A_386 = tpu.memref_slice %arg6[%dma_start3A_381, %dma_start3A_383, %dma_start3A_384, %dma_start3A_385] : memref<2x10x128x32xf32, #tpu.memory_space<vmem>> -> memref<1x10x128x32xf32, #tpu.memory_space<vmem>>
        %dma_start3A_387 = tpu.memref_squeeze %dma_start3A_386 : memref<1x10x128x32xf32, #tpu.memory_space<vmem>> -> memref<10x128x32xf32, #tpu.memory_space<vmem>>
        %dma_start3A_388 = arith.constant 0 : i32
        %dma_start3A_389 = arith.constant 0 : i32
        %dma_start3A_390 = tpu.memref_slice %dma_start3A_387[%dma_start3A_382, %dma_start3A_388, %dma_start3A_389] : memref<10x128x32xf32, #tpu.memory_space<vmem>> -> memref<1x128x32xf32, #tpu.memory_space<vmem>>
        %dma_start3A_391 = tpu.memref_squeeze %dma_start3A_390 : memref<1x128x32xf32, #tpu.memory_space<vmem>> -> memref<128x32xf32, #tpu.memory_space<vmem>>
        %dma_start3A_392 = arith.constant 0 : i32
        %dma_start3A_393 = tpu.memref_slice %arg5[%add3A_380, %dma_start3A_392] : memref<200x128xi32, #tpu.memory_space<vmem>> -> memref<1x128xi32, #tpu.memory_space<vmem>>
        %dma_start3A_394 = tpu.memref_squeeze %dma_start3A_393 : memref<1x128xi32, #tpu.memory_space<vmem>> -> memref<128xi32, #tpu.memory_space<vmem>>
        %dma_start3A_395 = arith.constant 0 : i32
        %dma_start3A_396 = arith.constant 0 : i32
        %dma_start3A_397 = tpu.memref_slice %arg3[%dma_start3A_395, %dma_start3A_396] : memref<1015808x32xf32, #tpu.memory_space<hbm>> -> memref<1015808x32xf32, #tpu.memory_space<hbm>>
        tpu.enqueue_indirect_dma source(%dma_start3A_397 : memref<1015808x32xf32, #tpu.memory_space<hbm>>) target(%dma_start3A_391 : memref<128x32xf32, #tpu.memory_space<vmem>>) offsets(%dma_start3A_394 : memref<128xi32, #tpu.memory_space<vmem>>) semaphore(%arg7 : memref<!tpu.dma_semaphore, #tpu.memory_space<semaphore_mem>>)
        %mul3A_398 = arith.constant 10 : i32
        %mul3A_399 = arith.muli %add3A_313, %mul3A_398 : i32
        %add3A_400 = arith.constant 4 : i32
        %add3A_401 = arith.addi %mul3A_399, %add3A_400 : i32
        %dma_start3A_402 = arith.constant 0 : i32
        %dma_start3A_403 = arith.constant 4 : i32
        %dma_start3A_404 = arith.constant 0 : i32
        %dma_start3A_405 = arith.constant 0 : i32
        %dma_start3A_406 = arith.constant 0 : i32
        %dma_start3A_407 = tpu.memref_slice %arg6[%dma_start3A_402, %dma_start3A_404, %dma_start3A_405, %dma_start3A_406] : memref<2x10x128x32xf32, #tpu.memory_space<vmem>> -> memref<1x10x128x32xf32, #tpu.memory_space<vmem>>
        %dma_start3A_408 = tpu.memref_squeeze %dma_start3A_407 : memref<1x10x128x32xf32, #tpu.memory_space<vmem>> -> memref<10x128x32xf32, #tpu.memory_space<vmem>>
        %dma_start3A_409 = arith.constant 0 : i32
        %dma_start3A_410 = arith.constant 0 : i32
        %dma_start3A_411 = tpu.memref_slice %dma_start3A_408[%dma_start3A_403, %dma_start3A_409, %dma_start3A_410] : memref<10x128x32xf32, #tpu.memory_space<vmem>> -> memref<1x128x32xf32, #tpu.memory_space<vmem>>
        %dma_start3A_412 = tpu.memref_squeeze %dma_start3A_411 : memref<1x128x32xf32, #tpu.memory_space<vmem>> -> memref<128x32xf32, #tpu.memory_space<vmem>>
        %dma_start3A_413 = arith.constant 0 : i32
        %dma_start3A_414 = tpu.memref_slice %arg5[%add3A_401, %dma_start3A_413] : memref<200x128xi32, #tpu.memory_space<vmem>> -> memref<1x128xi32, #tpu.memory_space<vmem>>
        %dma_start3A_415 = tpu.memref_squeeze %dma_start3A_414 : memref<1x128xi32, #tpu.memory_space<vmem>> -> memref<128xi32, #tpu.memory_space<vmem>>
        %dma_start3A_416 = arith.constant 0 : i32
        %dma_start3A_417 = arith.constant 0 : i32
        %dma_start3A_418 = tpu.memref_slice %arg3[%dma_start3A_416, %dma_start3A_417] : memref<1015808x32xf32, #tpu.memory_space<hbm>> -> memref<1015808x32xf32, #tpu.memory_space<hbm>>
        tpu.enqueue_indirect_dma source(%dma_start3A_418 : memref<1015808x32xf32, #tpu.memory_space<hbm>>) target(%dma_start3A_412 : memref<128x32xf32, #tpu.memory_space<vmem>>) offsets(%dma_start3A_415 : memref<128xi32, #tpu.memory_space<vmem>>) semaphore(%arg7 : memref<!tpu.dma_semaphore, #tpu.memory_space<semaphore_mem>>)
        %mul3A_419 = arith.constant 10 : i32
        %mul3A_420 = arith.muli %add3A_313, %mul3A_419 : i32
        %add3A_421 = arith.constant 5 : i32
        %add3A_422 = arith.addi %mul3A_420, %add3A_421 : i32
        %dma_start3A_423 = arith.constant 0 : i32
        %dma_start3A_424 = arith.constant 5 : i32
        %dma_start3A_425 = arith.constant 0 : i32
        %dma_start3A_426 = arith.constant 0 : i32
        %dma_start3A_427 = arith.constant 0 : i32
        %dma_start3A_428 = tpu.memref_slice %arg6[%dma_start3A_423, %dma_start3A_425, %dma_start3A_426, %dma_start3A_427] : memref<2x10x128x32xf32, #tpu.memory_space<vmem>> -> memref<1x10x128x32xf32, #tpu.memory_space<vmem>>
        %dma_start3A_429 = tpu.memref_squeeze %dma_start3A_428 : memref<1x10x128x32xf32, #tpu.memory_space<vmem>> -> memref<10x128x32xf32, #tpu.memory_space<vmem>>
        %dma_start3A_430 = arith.constant 0 : i32
        %dma_start3A_431 = arith.constant 0 : i32
        %dma_start3A_432 = tpu.memref_slice %dma_start3A_429[%dma_start3A_424, %dma_start3A_430, %dma_start3A_431] : memref<10x128x32xf32, #tpu.memory_space<vmem>> -> memref<1x128x32xf32, #tpu.memory_space<vmem>>
        %dma_start3A_433 = tpu.memref_squeeze %dma_start3A_432 : memref<1x128x32xf32, #tpu.memory_space<vmem>> -> memref<128x32xf32, #tpu.memory_space<vmem>>
        %dma_start3A_434 = arith.constant 0 : i32
        %dma_start3A_435 = tpu.memref_slice %arg5[%add3A_422, %dma_start3A_434] : memref<200x128xi32, #tpu.memory_space<vmem>> -> memref<1x128xi32, #tpu.memory_space<vmem>>
        %dma_start3A_436 = tpu.memref_squeeze %dma_start3A_435 : memref<1x128xi32, #tpu.memory_space<vmem>> -> memref<128xi32, #tpu.memory_space<vmem>>
        %dma_start3A_437 = arith.constant 0 : i32
        %dma_start3A_438 = arith.constant 0 : i32
        %dma_start3A_439 = tpu.memref_slice %arg3[%dma_start3A_437, %dma_start3A_438] : memref<1015808x32xf32, #tpu.memory_space<hbm>> -> memref<1015808x32xf32, #tpu.memory_space<hbm>>
        tpu.enqueue_indirect_dma source(%dma_start3A_439 : memref<1015808x32xf32, #tpu.memory_space<hbm>>) target(%dma_start3A_433 : memref<128x32xf32, #tpu.memory_space<vmem>>) offsets(%dma_start3A_436 : memref<128xi32, #tpu.memory_space<vmem>>) semaphore(%arg7 : memref<!tpu.dma_semaphore, #tpu.memory_space<semaphore_mem>>)
        %mul3A_440 = arith.constant 10 : i32
        %mul3A_441 = arith.muli %add3A_313, %mul3A_440 : i32
        %add3A_442 = arith.constant 6 : i32
        %add3A_443 = arith.addi %mul3A_441, %add3A_442 : i32
        %dma_start3A_444 = arith.constant 0 : i32
        %dma_start3A_445 = arith.constant 6 : i32
        %dma_start3A_446 = arith.constant 0 : i32
        %dma_start3A_447 = arith.constant 0 : i32
        %dma_start3A_448 = arith.constant 0 : i32
        %dma_start3A_449 = tpu.memref_slice %arg6[%dma_start3A_444, %dma_start3A_446, %dma_start3A_447, %dma_start3A_448] : memref<2x10x128x32xf32, #tpu.memory_space<vmem>> -> memref<1x10x128x32xf32, #tpu.memory_space<vmem>>
        %dma_start3A_450 = tpu.memref_squeeze %dma_start3A_449 : memref<1x10x128x32xf32, #tpu.memory_space<vmem>> -> memref<10x128x32xf32, #tpu.memory_space<vmem>>
        %dma_start3A_451 = arith.constant 0 : i32
        %dma_start3A_452 = arith.constant 0 : i32
        %dma_start3A_453 = tpu.memref_slice %dma_start3A_450[%dma_start3A_445, %dma_start3A_451, %dma_start3A_452] : memref<10x128x32xf32, #tpu.memory_space<vmem>> -> memref<1x128x32xf32, #tpu.memory_space<vmem>>
        %dma_start3A_454 = tpu.memref_squeeze %dma_start3A_453 : memref<1x128x32xf32, #tpu.memory_space<vmem>> -> memref<128x32xf32, #tpu.memory_space<vmem>>
        %dma_start3A_455 = arith.constant 0 : i32
        %dma_start3A_456 = tpu.memref_slice %arg5[%add3A_443, %dma_start3A_455] : memref<200x128xi32, #tpu.memory_space<vmem>> -> memref<1x128xi32, #tpu.memory_space<vmem>>
        %dma_start3A_457 = tpu.memref_squeeze %dma_start3A_456 : memref<1x128xi32, #tpu.memory_space<vmem>> -> memref<128xi32, #tpu.memory_space<vmem>>
        %dma_start3A_458 = arith.constant 0 : i32
        %dma_start3A_459 = arith.constant 0 : i32
        %dma_start3A_460 = tpu.memref_slice %arg3[%dma_start3A_458, %dma_start3A_459] : memref<1015808x32xf32, #tpu.memory_space<hbm>> -> memref<1015808x32xf32, #tpu.memory_space<hbm>>
        tpu.enqueue_indirect_dma source(%dma_start3A_460 : memref<1015808x32xf32, #tpu.memory_space<hbm>>) target(%dma_start3A_454 : memref<128x32xf32, #tpu.memory_space<vmem>>) offsets(%dma_start3A_457 : memref<128xi32, #tpu.memory_space<vmem>>) semaphore(%arg7 : memref<!tpu.dma_semaphore, #tpu.memory_space<semaphore_mem>>)
        %mul3A_461 = arith.constant 10 : i32
        %mul3A_462 = arith.muli %add3A_313, %mul3A_461 : i32
        %add3A_463 = arith.constant 7 : i32
        %add3A_464 = arith.addi %mul3A_462, %add3A_463 : i32
        %dma_start3A_465 = arith.constant 0 : i32
        %dma_start3A_466 = arith.constant 7 : i32
        %dma_start3A_467 = arith.constant 0 : i32
        %dma_start3A_468 = arith.constant 0 : i32
        %dma_start3A_469 = arith.constant 0 : i32
        %dma_start3A_470 = tpu.memref_slice %arg6[%dma_start3A_465, %dma_start3A_467, %dma_start3A_468, %dma_start3A_469] : memref<2x10x128x32xf32, #tpu.memory_space<vmem>> -> memref<1x10x128x32xf32, #tpu.memory_space<vmem>>
        %dma_start3A_471 = tpu.memref_squeeze %dma_start3A_470 : memref<1x10x128x32xf32, #tpu.memory_space<vmem>> -> memref<10x128x32xf32, #tpu.memory_space<vmem>>
        %dma_start3A_472 = arith.constant 0 : i32
        %dma_start3A_473 = arith.constant 0 : i32
        %dma_start3A_474 = tpu.memref_slice %dma_start3A_471[%dma_start3A_466, %dma_start3A_472, %dma_start3A_473] : memref<10x128x32xf32, #tpu.memory_space<vmem>> -> memref<1x128x32xf32, #tpu.memory_space<vmem>>
        %dma_start3A_475 = tpu.memref_squeeze %dma_start3A_474 : memref<1x128x32xf32, #tpu.memory_space<vmem>> -> memref<128x32xf32, #tpu.memory_space<vmem>>
        %dma_start3A_476 = arith.constant 0 : i32
        %dma_start3A_477 = tpu.memref_slice %arg5[%add3A_464, %dma_start3A_476] : memref<200x128xi32, #tpu.memory_space<vmem>> -> memref<1x128xi32, #tpu.memory_space<vmem>>
        %dma_start3A_478 = tpu.memref_squeeze %dma_start3A_477 : memref<1x128xi32, #tpu.memory_space<vmem>> -> memref<128xi32, #tpu.memory_space<vmem>>
        %dma_start3A_479 = arith.constant 0 : i32
        %dma_start3A_480 = arith.constant 0 : i32
        %dma_start3A_481 = tpu.memref_slice %arg3[%dma_start3A_479, %dma_start3A_480] : memref<1015808x32xf32, #tpu.memory_space<hbm>> -> memref<1015808x32xf32, #tpu.memory_space<hbm>>
        tpu.enqueue_indirect_dma source(%dma_start3A_481 : memref<1015808x32xf32, #tpu.memory_space<hbm>>) target(%dma_start3A_475 : memref<128x32xf32, #tpu.memory_space<vmem>>) offsets(%dma_start3A_478 : memref<128xi32, #tpu.memory_space<vmem>>) semaphore(%arg7 : memref<!tpu.dma_semaphore, #tpu.memory_space<semaphore_mem>>)
        %mul3A_482 = arith.constant 10 : i32
        %mul3A_483 = arith.muli %add3A_313, %mul3A_482 : i32
        %add3A_484 = arith.constant 8 : i32
        %add3A_485 = arith.addi %mul3A_483, %add3A_484 : i32
        %dma_start3A_486 = arith.constant 0 : i32
        %dma_start3A_487 = arith.constant 8 : i32
        %dma_start3A_488 = arith.constant 0 : i32
        %dma_start3A_489 = arith.constant 0 : i32
        %dma_start3A_490 = arith.constant 0 : i32
        %dma_start3A_491 = tpu.memref_slice %arg6[%dma_start3A_486, %dma_start3A_488, %dma_start3A_489, %dma_start3A_490] : memref<2x10x128x32xf32, #tpu.memory_space<vmem>> -> memref<1x10x128x32xf32, #tpu.memory_space<vmem>>
        %dma_start3A_492 = tpu.memref_squeeze %dma_start3A_491 : memref<1x10x128x32xf32, #tpu.memory_space<vmem>> -> memref<10x128x32xf32, #tpu.memory_space<vmem>>
        %dma_start3A_493 = arith.constant 0 : i32
        %dma_start3A_494 = arith.constant 0 : i32
        %dma_start3A_495 = tpu.memref_slice %dma_start3A_492[%dma_start3A_487, %dma_start3A_493, %dma_start3A_494] : memref<10x128x32xf32, #tpu.memory_space<vmem>> -> memref<1x128x32xf32, #tpu.memory_space<vmem>>
        %dma_start3A_496 = tpu.memref_squeeze %dma_start3A_495 : memref<1x128x32xf32, #tpu.memory_space<vmem>> -> memref<128x32xf32, #tpu.memory_space<vmem>>
        %dma_start3A_497 = arith.constant 0 : i32
        %dma_start3A_498 = tpu.memref_slice %arg5[%add3A_485, %dma_start3A_497] : memref<200x128xi32, #tpu.memory_space<vmem>> -> memref<1x128xi32, #tpu.memory_space<vmem>>
        %dma_start3A_499 = tpu.memref_squeeze %dma_start3A_498 : memref<1x128xi32, #tpu.memory_space<vmem>> -> memref<128xi32, #tpu.memory_space<vmem>>
        %dma_start3A_500 = arith.constant 0 : i32
        %dma_start3A_501 = arith.constant 0 : i32
        %dma_start3A_502 = tpu.memref_slice %arg3[%dma_start3A_500, %dma_start3A_501] : memref<1015808x32xf32, #tpu.memory_space<hbm>> -> memref<1015808x32xf32, #tpu.memory_space<hbm>>
        tpu.enqueue_indirect_dma source(%dma_start3A_502 : memref<1015808x32xf32, #tpu.memory_space<hbm>>) target(%dma_start3A_496 : memref<128x32xf32, #tpu.memory_space<vmem>>) offsets(%dma_start3A_499 : memref<128xi32, #tpu.memory_space<vmem>>) semaphore(%arg7 : memref<!tpu.dma_semaphore, #tpu.memory_space<semaphore_mem>>)
        %mul3A_503 = arith.constant 10 : i32
        %mul3A_504 = arith.muli %add3A_313, %mul3A_503 : i32
        %add3A_505 = arith.constant 9 : i32
        %add3A_506 = arith.addi %mul3A_504, %add3A_505 : i32
        %dma_start3A_507 = arith.constant 0 : i32
        %dma_start3A_508 = arith.constant 9 : i32
        %dma_start3A_509 = arith.constant 0 : i32
        %dma_start3A_510 = arith.constant 0 : i32
        %dma_start3A_511 = arith.constant 0 : i32
        %dma_start3A_512 = tpu.memref_slice %arg6[%dma_start3A_507, %dma_start3A_509, %dma_start3A_510, %dma_start3A_511] : memref<2x10x128x32xf32, #tpu.memory_space<vmem>> -> memref<1x10x128x32xf32, #tpu.memory_space<vmem>>
        %dma_start3A_513 = tpu.memref_squeeze %dma_start3A_512 : memref<1x10x128x32xf32, #tpu.memory_space<vmem>> -> memref<10x128x32xf32, #tpu.memory_space<vmem>>
        %dma_start3A_514 = arith.constant 0 : i32
        %dma_start3A_515 = arith.constant 0 : i32
        %dma_start3A_516 = tpu.memref_slice %dma_start3A_513[%dma_start3A_508, %dma_start3A_514, %dma_start3A_515] : memref<10x128x32xf32, #tpu.memory_space<vmem>> -> memref<1x128x32xf32, #tpu.memory_space<vmem>>
        %dma_start3A_517 = tpu.memref_squeeze %dma_start3A_516 : memref<1x128x32xf32, #tpu.memory_space<vmem>> -> memref<128x32xf32, #tpu.memory_space<vmem>>
        %dma_start3A_518 = arith.constant 0 : i32
        %dma_start3A_519 = tpu.memref_slice %arg5[%add3A_506, %dma_start3A_518] : memref<200x128xi32, #tpu.memory_space<vmem>> -> memref<1x128xi32, #tpu.memory_space<vmem>>
        %dma_start3A_520 = tpu.memref_squeeze %dma_start3A_519 : memref<1x128xi32, #tpu.memory_space<vmem>> -> memref<128xi32, #tpu.memory_space<vmem>>
        %dma_start3A_521 = arith.constant 0 : i32
        %dma_start3A_522 = arith.constant 0 : i32
        %dma_start3A_523 = tpu.memref_slice %arg3[%dma_start3A_521, %dma_start3A_522] : memref<1015808x32xf32, #tpu.memory_space<hbm>> -> memref<1015808x32xf32, #tpu.memory_space<hbm>>
        tpu.enqueue_indirect_dma source(%dma_start3A_523 : memref<1015808x32xf32, #tpu.memory_space<hbm>>) target(%dma_start3A_517 : memref<128x32xf32, #tpu.memory_space<vmem>>) offsets(%dma_start3A_520 : memref<128xi32, #tpu.memory_space<vmem>>) semaphore(%arg7 : memref<!tpu.dma_semaphore, #tpu.memory_space<semaphore_mem>>)
      } else {
      }
      %dma_wait3A_273 = arith.constant 1 : i32
      %dma_wait3A_274 = arith.constant 0 : i32
      %dma_wait3A_275 = arith.constant 0 : i32
      %dma_wait3A_276 = arith.constant 0 : i32
      %dma_wait3A_277 = tpu.memref_slice %arg6[%dma_wait3A_273, %dma_wait3A_274, %dma_wait3A_275, %dma_wait3A_276] : memref<2x10x128x32xf32, #tpu.memory_space<vmem>> -> memref<1x10x128x32xf32, #tpu.memory_space<vmem>>
      %dma_wait3A_278 = tpu.memref_squeeze %dma_wait3A_277 : memref<1x10x128x32xf32, #tpu.memory_space<vmem>> -> memref<10x128x32xf32, #tpu.memory_space<vmem>>
      %dma_wait3A_279 = arith.constant 0 : i32
      %dma_wait3A_280 = arith.constant 0 : i32
      %dma_wait3A_281 = arith.constant 0 : i32
      %dma_wait3A_282 = tpu.memref_slice %arg4[%dma_wait3A_279, %dma_wait3A_280, %dma_wait3A_281] : memref<6400x128x32xf32, #tpu.memory_space<hbm>> -> memref<10x128x32xf32, #tpu.memory_space<hbm>>
      %dma_wait3A_283 = arith.constant 0 : i32
      %dma_wait3A_284 = arith.constant 0 : i32
      %dma_wait3A_285 = arith.constant 0 : i32
      %dma_wait3A_286 = tpu.memref_slice %arg6[%dma_wait3A_273, %dma_wait3A_283, %dma_wait3A_284, %dma_wait3A_285] : memref<2x10x128x32xf32, #tpu.memory_space<vmem>> -> memref<1x10x128x32xf32, #tpu.memory_space<vmem>>
      %dma_wait3A_287 = tpu.memref_squeeze %dma_wait3A_286 : memref<1x10x128x32xf32, #tpu.memory_space<vmem>> -> memref<10x128x32xf32, #tpu.memory_space<vmem>>
      %dma_wait3A_288 = arith.constant 0 : i32
      %dma_wait3A_289 = arith.constant 0 : i32
      %dma_wait3A_290 = arith.constant 0 : i32
      %dma_wait3A_291 = tpu.memref_slice %arg4[%dma_wait3A_288, %dma_wait3A_289, %dma_wait3A_290] : memref<6400x128x32xf32, #tpu.memory_space<hbm>> -> memref<10x128x32xf32, #tpu.memory_space<hbm>>
      tpu.wait_dma2 semaphore(%arg8 : memref<!tpu.dma_semaphore, #tpu.memory_space<semaphore_mem>>) src(%dma_wait3A_291 : memref<10x128x32xf32, #tpu.memory_space<hbm>>) dst(%dma_wait3A_287 : memref<10x128x32xf32, #tpu.memory_space<vmem>>)
      %mul3A_292 = arith.constant 10 : i32
      %mul3A_293 = arith.muli %add3A_260, %mul3A_292 : i32
      %add3A_294 = arith.addi %mul3A_2, %mul3A_293 : i32
      %dma_start3A_295 = arith.constant 1 : i32
      %dma_start3A_296 = arith.constant 0 : i32
      %dma_start3A_297 = arith.constant 0 : i32
      %dma_start3A_298 = arith.constant 0 : i32
      %dma_start3A_299 = tpu.memref_slice %arg6[%dma_start3A_295, %dma_start3A_296, %dma_start3A_297, %dma_start3A_298] : memref<2x10x128x32xf32, #tpu.memory_space<vmem>> -> memref<1x10x128x32xf32, #tpu.memory_space<vmem>>
      %dma_start3A_300 = tpu.memref_squeeze %dma_start3A_299 : memref<1x10x128x32xf32, #tpu.memory_space<vmem>> -> memref<10x128x32xf32, #tpu.memory_space<vmem>>
      %dma_start3A_301 = arith.constant 0 : i32
      %dma_start3A_302 = arith.constant 0 : i32
      %dma_start3A_303 = tpu.memref_slice %arg4[%add3A_294, %dma_start3A_301, %dma_start3A_302] : memref<6400x128x32xf32, #tpu.memory_space<hbm>> -> memref<10x128x32xf32, #tpu.memory_space<hbm>>
      %dma_start3A_304 = arith.constant 0 : i32
      %dma_start3A_305 = arith.constant 0 : i32
      %dma_start3A_306 = tpu.memref_slice %arg4[%add3A_294, %dma_start3A_304, %dma_start3A_305] : memref<6400x128x32xf32, #tpu.memory_space<hbm>> -> memref<10x128x32xf32, #tpu.memory_space<hbm>>
      %dma_start3A_307 = arith.constant 0 : i32
      %dma_start3A_308 = arith.constant 0 : i32
      %dma_start3A_309 = arith.constant 0 : i32
      %dma_start3A_310 = tpu.memref_slice %arg6[%dma_start3A_295, %dma_start3A_307, %dma_start3A_308, %dma_start3A_309] : memref<2x10x128x32xf32, #tpu.memory_space<vmem>> -> memref<1x10x128x32xf32, #tpu.memory_space<vmem>>
      %dma_start3A_311 = tpu.memref_squeeze %dma_start3A_310 : memref<1x10x128x32xf32, #tpu.memory_space<vmem>> -> memref<10x128x32xf32, #tpu.memory_space<vmem>>
      tpu.enqueue_dma source(%dma_start3A_311 : memref<10x128x32xf32, #tpu.memory_space<vmem>>) target(%dma_start3A_306 : memref<10x128x32xf32, #tpu.memory_space<hbm>>) target_semaphore(%arg10 : memref<!tpu.dma_semaphore, #tpu.memory_space<semaphore_mem>>)
    }
    %scan3A_186 = arith.constant 10 : i32
    %dma_wait3A = arith.constant 1 : i32
    %dma_wait3A_187 = arith.constant 0 : i32
    %dma_wait3A_188 = arith.constant 0 : i32
    %dma_wait3A_189 = arith.constant 0 : i32
    %dma_wait3A_190 = tpu.memref_slice %arg6[%dma_wait3A, %dma_wait3A_187, %dma_wait3A_188, %dma_wait3A_189] : memref<2x10x128x32xf32, #tpu.memory_space<vmem>> -> memref<1x10x128x32xf32, #tpu.memory_space<vmem>>
    %dma_wait3A_191 = tpu.memref_squeeze %dma_wait3A_190 : memref<1x10x128x32xf32, #tpu.memory_space<vmem>> -> memref<10x128x32xf32, #tpu.memory_space<vmem>>
    %dma_wait3A_192 = arith.constant 0 : i32
    %dma_wait3A_193 = arith.constant 0 : i32
    %dma_wait3A_194 = arith.constant 0 : i32
    %dma_wait3A_195 = tpu.memref_slice %arg4[%dma_wait3A_192, %dma_wait3A_193, %dma_wait3A_194] : memref<6400x128x32xf32, #tpu.memory_space<hbm>> -> memref<10x128x32xf32, #tpu.memory_space<hbm>>
    %dma_wait3A_196 = arith.constant 0 : i32
    %dma_wait3A_197 = arith.constant 0 : i32
    %dma_wait3A_198 = arith.constant 0 : i32
    %dma_wait3A_199 = tpu.memref_slice %arg4[%dma_wait3A_196, %dma_wait3A_197, %dma_wait3A_198] : memref<6400x128x32xf32, #tpu.memory_space<hbm>> -> memref<10x128x32xf32, #tpu.memory_space<hbm>>
    %dma_wait3A_200 = arith.constant 0 : i32
    %dma_wait3A_201 = arith.constant 0 : i32
    %dma_wait3A_202 = arith.constant 0 : i32
    %dma_wait3A_203 = tpu.memref_slice %arg6[%dma_wait3A, %dma_wait3A_200, %dma_wait3A_201, %dma_wait3A_202] : memref<2x10x128x32xf32, #tpu.memory_space<vmem>> -> memref<1x10x128x32xf32, #tpu.memory_space<vmem>>
    %dma_wait3A_204 = tpu.memref_squeeze %dma_wait3A_203 : memref<1x10x128x32xf32, #tpu.memory_space<vmem>> -> memref<10x128x32xf32, #tpu.memory_space<vmem>>
    tpu.wait_dma2 semaphore(%arg10 : memref<!tpu.dma_semaphore, #tpu.memory_space<semaphore_mem>>) src(%dma_wait3A_204 : memref<10x128x32xf32, #tpu.memory_space<vmem>>) dst(%dma_wait3A_199 : memref<10x128x32xf32, #tpu.memory_space<hbm>>)
    return
  }
}

module attributes {stable_mosaic.version = 14 : i64} {
  func.func @_tpack_body(%arg0: i32, %arg1: memref<32x32768xf32, #tpu.memory_space<vmem>>, %arg2: memref<8192x128xf32, #tpu.memory_space<vmem>>) attributes {dimension_semantics = [#tpu.dimension_semantics<arbitrary>], iteration_bounds = array<i64: 31>, scalar_prefetch = 0 : i64, scratch_operands = 0 : i64, tpu.core_type = #tpu.core_type<tc>, window_params = [{transform_indices = @transform_0, window_bounds = array<i64: 32, 32768>}, {transform_indices = @transform_1, window_bounds = array<i64: 8192, 128>}]} {
    %get3A = arith.constant 0 : index
    %get3A_0 = arith.constant 0 : index
    %get3A_1 = vector.load %arg1[%get3A, %get3A_0] : memref<32x32768xf32, #tpu.memory_space<vmem>>, vector<32x32768xf32>
    %transpose3A = tpu.transpose %get3A_1, [1, 0] : vector<32x32768xf32> -> vector<32768x32xf32>
    %slice3A = vector.extract_strided_slice %transpose3A {offsets = [0, 0], sizes = [8192, 32], strides = [1, 1]} : vector<32768x32xf32> to vector<8192x32xf32>
    %slice3A_2 = vector.extract_strided_slice %transpose3A {offsets = [8192, 0], sizes = [8192, 32], strides = [1, 1]} : vector<32768x32xf32> to vector<8192x32xf32>
    %slice3A_3 = vector.extract_strided_slice %transpose3A {offsets = [16384, 0], sizes = [8192, 32], strides = [1, 1]} : vector<32768x32xf32> to vector<8192x32xf32>
    %slice3A_4 = vector.extract_strided_slice %transpose3A {offsets = [24576, 0], sizes = [8192, 32], strides = [1, 1]} : vector<32768x32xf32> to vector<8192x32xf32>
    %concatenate3A = tpu.concatenate %slice3A, %slice3A_2, %slice3A_3, %slice3A_4 in 1 : vector<8192x32xf32>, vector<8192x32xf32>, vector<8192x32xf32>, vector<8192x32xf32> -> vector<8192x128xf32>
    %swap3A = arith.constant 0 : index
    %swap3A_5 = arith.constant 0 : index
    %swap3A_6 = vector.load %arg2[%swap3A, %swap3A_5] : memref<8192x128xf32, #tpu.memory_space<vmem>>, vector<8192x128xf32>
    tpu.vector_store %arg2[%swap3A, %swap3A_5], %concatenate3A {strides = array<i32>} : memref<8192x128xf32, #tpu.memory_space<vmem>>, vector<8192x128xf32>,
    return
  }
  func.func @transform_0(%arg0: i32) -> (i32, i32) {
    %c0_i32 = arith.constant 0 : i32
    %c0_i32_0 = arith.constant 0 : i32
    return %c0_i32, %arg0 : i32, i32
  }
  func.func @transform_1(%arg0: i32) -> (i32, i32) {
    %c0_i32 = arith.constant 0 : i32
    %c0_i32_0 = arith.constant 0 : i32
    return %arg0, %c0_i32 : i32, i32
  }
}

module attributes {stable_mosaic.version = 14 : i64} {
  func.func @_opack_body(%arg0: i32, %arg1: i32, %arg2: memref<4096x128xf32, #tpu.memory_space<vmem>>, %arg3: memref<1x32x16384xf32, #tpu.memory_space<vmem>>) attributes {dimension_semantics = [#tpu.dimension_semantics<arbitrary>, #tpu.dimension_semantics<arbitrary>], iteration_bounds = array<i64: 50, 1>, scalar_prefetch = 0 : i64, scratch_operands = 0 : i64, tpu.core_type = #tpu.core_type<tc>, window_params = [{transform_indices = @transform_0, window_bounds = array<i64: 4096, 128>}, {transform_indices = @transform_1, window_bounds = array<i64: 1, 32, 16384>}]} {
    %get3A = arith.constant 0 : index
    %get3A_0 = arith.constant 0 : index
    %get3A_1 = vector.load %arg2[%get3A, %get3A_0] : memref<4096x128xf32, #tpu.memory_space<vmem>>, vector<4096x128xf32>
    %slice3A = vector.extract_strided_slice %get3A_1 {offsets = [0, 0], sizes = [32, 128], strides = [1, 1]} : vector<4096x128xf32> to vector<32x128xf32>
    %slice3A_2 = vector.extract_strided_slice %slice3A {offsets = [0, 0], sizes = [32, 32], strides = [1, 1]} : vector<32x128xf32> to vector<32x32xf32>
    %transpose3A = tpu.transpose %slice3A_2, [1, 0] : vector<32x32xf32> -> vector<32x32xf32>
    %slice3A_3 = vector.extract_strided_slice %slice3A {offsets = [0, 32], sizes = [32, 32], strides = [1, 1]} : vector<32x128xf32> to vector<32x32xf32>
    %transpose3A_4 = tpu.transpose %slice3A_3, [1, 0] : vector<32x32xf32> -> vector<32x32xf32>
    %slice3A_5 = vector.extract_strided_slice %slice3A {offsets = [0, 64], sizes = [32, 32], strides = [1, 1]} : vector<32x128xf32> to vector<32x32xf32>
    %transpose3A_6 = tpu.transpose %slice3A_5, [1, 0] : vector<32x32xf32> -> vector<32x32xf32>
    %slice3A_7 = vector.extract_strided_slice %slice3A {offsets = [0, 96], sizes = [32, 32], strides = [1, 1]} : vector<32x128xf32> to vector<32x32xf32>
    %transpose3A_8 = tpu.transpose %slice3A_7, [1, 0] : vector<32x32xf32> -> vector<32x32xf32>
    %slice3A_9 = vector.extract_strided_slice %get3A_1 {offsets = [32, 0], sizes = [32, 128], strides = [1, 1]} : vector<4096x128xf32> to vector<32x128xf32>
    %slice3A_10 = vector.extract_strided_slice %slice3A_9 {offsets = [0, 0], sizes = [32, 32], strides = [1, 1]} : vector<32x128xf32> to vector<32x32xf32>
    %transpose3A_11 = tpu.transpose %slice3A_10, [1, 0] : vector<32x32xf32> -> vector<32x32xf32>
    %slice3A_12 = vector.extract_strided_slice %slice3A_9 {offsets = [0, 32], sizes = [32, 32], strides = [1, 1]} : vector<32x128xf32> to vector<32x32xf32>
    %transpose3A_13 = tpu.transpose %slice3A_12, [1, 0] : vector<32x32xf32> -> vector<32x32xf32>
    %slice3A_14 = vector.extract_strided_slice %slice3A_9 {offsets = [0, 64], sizes = [32, 32], strides = [1, 1]} : vector<32x128xf32> to vector<32x32xf32>
    %transpose3A_15 = tpu.transpose %slice3A_14, [1, 0] : vector<32x32xf32> -> vector<32x32xf32>
    %slice3A_16 = vector.extract_strided_slice %slice3A_9 {offsets = [0, 96], sizes = [32, 32], strides = [1, 1]} : vector<32x128xf32> to vector<32x32xf32>
    %transpose3A_17 = tpu.transpose %slice3A_16, [1, 0] : vector<32x32xf32> -> vector<32x32xf32>
    %slice3A_18 = vector.extract_strided_slice %get3A_1 {offsets = [64, 0], sizes = [32, 128], strides = [1, 1]} : vector<4096x128xf32> to vector<32x128xf32>
    %slice3A_19 = vector.extract_strided_slice %slice3A_18 {offsets = [0, 0], sizes = [32, 32], strides = [1, 1]} : vector<32x128xf32> to vector<32x32xf32>
    %transpose3A_20 = tpu.transpose %slice3A_19, [1, 0] : vector<32x32xf32> -> vector<32x32xf32>
    %slice3A_21 = vector.extract_strided_slice %slice3A_18 {offsets = [0, 32], sizes = [32, 32], strides = [1, 1]} : vector<32x128xf32> to vector<32x32xf32>
    %transpose3A_22 = tpu.transpose %slice3A_21, [1, 0] : vector<32x32xf32> -> vector<32x32xf32>
    %slice3A_23 = vector.extract_strided_slice %slice3A_18 {offsets = [0, 64], sizes = [32, 32], strides = [1, 1]} : vector<32x128xf32> to vector<32x32xf32>
    %transpose3A_24 = tpu.transpose %slice3A_23, [1, 0] : vector<32x32xf32> -> vector<32x32xf32>
    %slice3A_25 = vector.extract_strided_slice %slice3A_18 {offsets = [0, 96], sizes = [32, 32], strides = [1, 1]} : vector<32x128xf32> to vector<32x32xf32>
    %transpose3A_26 = tpu.transpose %slice3A_25, [1, 0] : vector<32x32xf32> -> vector<32x32xf32>
    %slice3A_27 = vector.extract_strided_slice %get3A_1 {offsets = [96, 0], sizes = [32, 128], strides = [1, 1]} : vector<4096x128xf32> to vector<32x128xf32>
    %slice3A_28 = vector.extract_strided_slice %slice3A_27 {offsets = [0, 0], sizes = [32, 32], strides = [1, 1]} : vector<32x128xf32> to vector<32x32xf32>
    %transpose3A_29 = tpu.transpose %slice3A_28, [1, 0] : vector<32x32xf32> -> vector<32x32xf32>
    %slice3A_30 = vector.extract_strided_slice %slice3A_27 {offsets = [0, 32], sizes = [32, 32], strides = [1, 1]} : vector<32x128xf32> to vector<32x32xf32>
    %transpose3A_31 = tpu.transpose %slice3A_30, [1, 0] : vector<32x32xf32> -> vector<32x32xf32>
    %slice3A_32 = vector.extract_strided_slice %slice3A_27 {offsets = [0, 64], sizes = [32, 32], strides = [1, 1]} : vector<32x128xf32> to vector<32x32xf32>
    %transpose3A_33 = tpu.transpose %slice3A_32, [1, 0] : vector<32x32xf32> -> vector<32x32xf32>
    %slice3A_34 = vector.extract_strided_slice %slice3A_27 {offsets = [0, 96], sizes = [32, 32], strides = [1, 1]} : vector<32x128xf32> to vector<32x32xf32>
    %transpose3A_35 = tpu.transpose %slice3A_34, [1, 0] : vector<32x32xf32> -> vector<32x32xf32>
    %slice3A_36 = vector.extract_strided_slice %get3A_1 {offsets = [128, 0], sizes = [32, 128], strides = [1, 1]} : vector<4096x128xf32> to vector<32x128xf32>
    %slice3A_37 = vector.extract_strided_slice %slice3A_36 {offsets = [0, 0], sizes = [32, 32], strides = [1, 1]} : vector<32x128xf32> to vector<32x32xf32>
    %transpose3A_38 = tpu.transpose %slice3A_37, [1, 0] : vector<32x32xf32> -> vector<32x32xf32>
    %slice3A_39 = vector.extract_strided_slice %slice3A_36 {offsets = [0, 32], sizes = [32, 32], strides = [1, 1]} : vector<32x128xf32> to vector<32x32xf32>
    %transpose3A_40 = tpu.transpose %slice3A_39, [1, 0] : vector<32x32xf32> -> vector<32x32xf32>
    %slice3A_41 = vector.extract_strided_slice %slice3A_36 {offsets = [0, 64], sizes = [32, 32], strides = [1, 1]} : vector<32x128xf32> to vector<32x32xf32>
    %transpose3A_42 = tpu.transpose %slice3A_41, [1, 0] : vector<32x32xf32> -> vector<32x32xf32>
    %slice3A_43 = vector.extract_strided_slice %slice3A_36 {offsets = [0, 96], sizes = [32, 32], strides = [1, 1]} : vector<32x128xf32> to vector<32x32xf32>
    %transpose3A_44 = tpu.transpose %slice3A_43, [1, 0] : vector<32x32xf32> -> vector<32x32xf32>
    %slice3A_45 = vector.extract_strided_slice %get3A_1 {offsets = [160, 0], sizes = [32, 128], strides = [1, 1]} : vector<4096x128xf32> to vector<32x128xf32>
    %slice3A_46 = vector.extract_strided_slice %slice3A_45 {offsets = [0, 0], sizes = [32, 32], strides = [1, 1]} : vector<32x128xf32> to vector<32x32xf32>
    %transpose3A_47 = tpu.transpose %slice3A_46, [1, 0] : vector<32x32xf32> -> vector<32x32xf32>
    %slice3A_48 = vector.extract_strided_slice %slice3A_45 {offsets = [0, 32], sizes = [32, 32], strides = [1, 1]} : vector<32x128xf32> to vector<32x32xf32>
    %transpose3A_49 = tpu.transpose %slice3A_48, [1, 0] : vector<32x32xf32> -> vector<32x32xf32>
    %slice3A_50 = vector.extract_strided_slice %slice3A_45 {offsets = [0, 64], sizes = [32, 32], strides = [1, 1]} : vector<32x128xf32> to vector<32x32xf32>
    %transpose3A_51 = tpu.transpose %slice3A_50, [1, 0] : vector<32x32xf32> -> vector<32x32xf32>
    %slice3A_52 = vector.extract_strided_slice %slice3A_45 {offsets = [0, 96], sizes = [32, 32], strides = [1, 1]} : vector<32x128xf32> to vector<32x32xf32>
    %transpose3A_53 = tpu.transpose %slice3A_52, [1, 0] : vector<32x32xf32> -> vector<32x32xf32>
    %slice3A_54 = vector.extract_strided_slice %get3A_1 {offsets = [192, 0], sizes = [32, 128], strides = [1, 1]} : vector<4096x128xf32> to vector<32x128xf32>
    %slice3A_55 = vector.extract_strided_slice %slice3A_54 {offsets = [0, 0], sizes = [32, 32], strides = [1, 1]} : vector<32x128xf32> to vector<32x32xf32>
    %transpose3A_56 = tpu.transpose %slice3A_55, [1, 0] : vector<32x32xf32> -> vector<32x32xf32>
    %slice3A_57 = vector.extract_strided_slice %slice3A_54 {offsets = [0, 32], sizes = [32, 32], strides = [1, 1]} : vector<32x128xf32> to vector<32x32xf32>
    %transpose3A_58 = tpu.transpose %slice3A_57, [1, 0] : vector<32x32xf32> -> vector<32x32xf32>
    %slice3A_59 = vector.extract_strided_slice %slice3A_54 {offsets = [0, 64], sizes = [32, 32], strides = [1, 1]} : vector<32x128xf32> to vector<32x32xf32>
    %transpose3A_60 = tpu.transpose %slice3A_59, [1, 0] : vector<32x32xf32> -> vector<32x32xf32>
    %slice3A_61 = vector.extract_strided_slice %slice3A_54 {offsets = [0, 96], sizes = [32, 32], strides = [1, 1]} : vector<32x128xf32> to vector<32x32xf32>
    %transpose3A_62 = tpu.transpose %slice3A_61, [1, 0] : vector<32x32xf32> -> vector<32x32xf32>
    %slice3A_63 = vector.extract_strided_slice %get3A_1 {offsets = [224, 0], sizes = [32, 128], strides = [1, 1]} : vector<4096x128xf32> to vector<32x128xf32>
    %slice3A_64 = vector.extract_strided_slice %slice3A_63 {offsets = [0, 0], sizes = [32, 32], strides = [1, 1]} : vector<32x128xf32> to vector<32x32xf32>
    %transpose3A_65 = tpu.transpose %slice3A_64, [1, 0] : vector<32x32xf32> -> vector<32x32xf32>
    %slice3A_66 = vector.extract_strided_slice %slice3A_63 {offsets = [0, 32], sizes = [32, 32], strides = [1, 1]} : vector<32x128xf32> to vector<32x32xf32>
    %transpose3A_67 = tpu.transpose %slice3A_66, [1, 0] : vector<32x32xf32> -> vector<32x32xf32>
    %slice3A_68 = vector.extract_strided_slice %slice3A_63 {offsets = [0, 64], sizes = [32, 32], strides = [1, 1]} : vector<32x128xf32> to vector<32x32xf32>
    %transpose3A_69 = tpu.transpose %slice3A_68, [1, 0] : vector<32x32xf32> -> vector<32x32xf32>
    %slice3A_70 = vector.extract_strided_slice %slice3A_63 {offsets = [0, 96], sizes = [32, 32], strides = [1, 1]} : vector<32x128xf32> to vector<32x32xf32>
    %transpose3A_71 = tpu.transpose %slice3A_70, [1, 0] : vector<32x32xf32> -> vector<32x32xf32>
    %slice3A_72 = vector.extract_strided_slice %get3A_1 {offsets = [256, 0], sizes = [32, 128], strides = [1, 1]} : vector<4096x128xf32> to vector<32x128xf32>
    %slice3A_73 = vector.extract_strided_slice %slice3A_72 {offsets = [0, 0], sizes = [32, 32], strides = [1, 1]} : vector<32x128xf32> to vector<32x32xf32>
    %transpose3A_74 = tpu.transpose %slice3A_73, [1, 0] : vector<32x32xf32> -> vector<32x32xf32>
    %slice3A_75 = vector.extract_strided_slice %slice3A_72 {offsets = [0, 32], sizes = [32, 32], strides = [1, 1]} : vector<32x128xf32> to vector<32x32xf32>
    %transpose3A_76 = tpu.transpose %slice3A_75, [1, 0] : vector<32x32xf32> -> vector<32x32xf32>
    %slice3A_77 = vector.extract_strided_slice %slice3A_72 {offsets = [0, 64], sizes = [32, 32], strides = [1, 1]} : vector<32x128xf32> to vector<32x32xf32>
    %transpose3A_78 = tpu.transpose %slice3A_77, [1, 0] : vector<32x32xf32> -> vector<32x32xf32>
    %slice3A_79 = vector.extract_strided_slice %slice3A_72 {offsets = [0, 96], sizes = [32, 32], strides = [1, 1]} : vector<32x128xf32> to vector<32x32xf32>
    %transpose3A_80 = tpu.transpose %slice3A_79, [1, 0] : vector<32x32xf32> -> vector<32x32xf32>
    %slice3A_81 = vector.extract_strided_slice %get3A_1 {offsets = [288, 0], sizes = [32, 128], strides = [1, 1]} : vector<4096x128xf32> to vector<32x128xf32>
    %slice3A_82 = vector.extract_strided_slice %slice3A_81 {offsets = [0, 0], sizes = [32, 32], strides = [1, 1]} : vector<32x128xf32> to vector<32x32xf32>
    %transpose3A_83 = tpu.transpose %slice3A_82, [1, 0] : vector<32x32xf32> -> vector<32x32xf32>
    %slice3A_84 = vector.extract_strided_slice %slice3A_81 {offsets = [0, 32], sizes = [32, 32], strides = [1, 1]} : vector<32x128xf32> to vector<32x32xf32>
    %transpose3A_85 = tpu.transpose %slice3A_84, [1, 0] : vector<32x32xf32> -> vector<32x32xf32>
    %slice3A_86 = vector.extract_strided_slice %slice3A_81 {offsets = [0, 64], sizes = [32, 32], strides = [1, 1]} : vector<32x128xf32> to vector<32x32xf32>
    %transpose3A_87 = tpu.transpose %slice3A_86, [1, 0] : vector<32x32xf32> -> vector<32x32xf32>
    %slice3A_88 = vector.extract_strided_slice %slice3A_81 {offsets = [0, 96], sizes = [32, 32], strides = [1, 1]} : vector<32x128xf32> to vector<32x32xf32>
    %transpose3A_89 = tpu.transpose %slice3A_88, [1, 0] : vector<32x32xf32> -> vector<32x32xf32>
    %slice3A_90 = vector.extract_strided_slice %get3A_1 {offsets = [320, 0], sizes = [32, 128], strides = [1, 1]} : vector<4096x128xf32> to vector<32x128xf32>
    %slice3A_91 = vector.extract_strided_slice %slice3A_90 {offsets = [0, 0], sizes = [32, 32], strides = [1, 1]} : vector<32x128xf32> to vector<32x32xf32>
    %transpose3A_92 = tpu.transpose %slice3A_91, [1, 0] : vector<32x32xf32> -> vector<32x32xf32>
    %slice3A_93 = vector.extract_strided_slice %slice3A_90 {offsets = [0, 32], sizes = [32, 32], strides = [1, 1]} : vector<32x128xf32> to vector<32x32xf32>
    %transpose3A_94 = tpu.transpose %slice3A_93, [1, 0] : vector<32x32xf32> -> vector<32x32xf32>
    %slice3A_95 = vector.extract_strided_slice %slice3A_90 {offsets = [0, 64], sizes = [32, 32], strides = [1, 1]} : vector<32x128xf32> to vector<32x32xf32>
    %transpose3A_96 = tpu.transpose %slice3A_95, [1, 0] : vector<32x32xf32> -> vector<32x32xf32>
    %slice3A_97 = vector.extract_strided_slice %slice3A_90 {offsets = [0, 96], sizes = [32, 32], strides = [1, 1]} : vector<32x128xf32> to vector<32x32xf32>
    %transpose3A_98 = tpu.transpose %slice3A_97, [1, 0] : vector<32x32xf32> -> vector<32x32xf32>
    %slice3A_99 = vector.extract_strided_slice %get3A_1 {offsets = [352, 0], sizes = [32, 128], strides = [1, 1]} : vector<4096x128xf32> to vector<32x128xf32>
    %slice3A_100 = vector.extract_strided_slice %slice3A_99 {offsets = [0, 0], sizes = [32, 32], strides = [1, 1]} : vector<32x128xf32> to vector<32x32xf32>
    %transpose3A_101 = tpu.transpose %slice3A_100, [1, 0] : vector<32x32xf32> -> vector<32x32xf32>
    %slice3A_102 = vector.extract_strided_slice %slice3A_99 {offsets = [0, 32], sizes = [32, 32], strides = [1, 1]} : vector<32x128xf32> to vector<32x32xf32>
    %transpose3A_103 = tpu.transpose %slice3A_102, [1, 0] : vector<32x32xf32> -> vector<32x32xf32>
    %slice3A_104 = vector.extract_strided_slice %slice3A_99 {offsets = [0, 64], sizes = [32, 32], strides = [1, 1]} : vector<32x128xf32> to vector<32x32xf32>
    %transpose3A_105 = tpu.transpose %slice3A_104, [1, 0] : vector<32x32xf32> -> vector<32x32xf32>
    %slice3A_106 = vector.extract_strided_slice %slice3A_99 {offsets = [0, 96], sizes = [32, 32], strides = [1, 1]} : vector<32x128xf32> to vector<32x32xf32>
    %transpose3A_107 = tpu.transpose %slice3A_106, [1, 0] : vector<32x32xf32> -> vector<32x32xf32>
    %slice3A_108 = vector.extract_strided_slice %get3A_1 {offsets = [384, 0], sizes = [32, 128], strides = [1, 1]} : vector<4096x128xf32> to vector<32x128xf32>
    %slice3A_109 = vector.extract_strided_slice %slice3A_108 {offsets = [0, 0], sizes = [32, 32], strides = [1, 1]} : vector<32x128xf32> to vector<32x32xf32>
    %transpose3A_110 = tpu.transpose %slice3A_109, [1, 0] : vector<32x32xf32> -> vector<32x32xf32>
    %slice3A_111 = vector.extract_strided_slice %slice3A_108 {offsets = [0, 32], sizes = [32, 32], strides = [1, 1]} : vector<32x128xf32> to vector<32x32xf32>
    %transpose3A_112 = tpu.transpose %slice3A_111, [1, 0] : vector<32x32xf32> -> vector<32x32xf32>
    %slice3A_113 = vector.extract_strided_slice %slice3A_108 {offsets = [0, 64], sizes = [32, 32], strides = [1, 1]} : vector<32x128xf32> to vector<32x32xf32>
    %transpose3A_114 = tpu.transpose %slice3A_113, [1, 0] : vector<32x32xf32> -> vector<32x32xf32>
    %slice3A_115 = vector.extract_strided_slice %slice3A_108 {offsets = [0, 96], sizes = [32, 32], strides = [1, 1]} : vector<32x128xf32> to vector<32x32xf32>
    %transpose3A_116 = tpu.transpose %slice3A_115, [1, 0] : vector<32x32xf32> -> vector<32x32xf32>
    %slice3A_117 = vector.extract_strided_slice %get3A_1 {offsets = [416, 0], sizes = [32, 128], strides = [1, 1]} : vector<4096x128xf32> to vector<32x128xf32>
    %slice3A_118 = vector.extract_strided_slice %slice3A_117 {offsets = [0, 0], sizes = [32, 32], strides = [1, 1]} : vector<32x128xf32> to vector<32x32xf32>
    %transpose3A_119 = tpu.transpose %slice3A_118, [1, 0] : vector<32x32xf32> -> vector<32x32xf32>
    %slice3A_120 = vector.extract_strided_slice %slice3A_117 {offsets = [0, 32], sizes = [32, 32], strides = [1, 1]} : vector<32x128xf32> to vector<32x32xf32>
    %transpose3A_121 = tpu.transpose %slice3A_120, [1, 0] : vector<32x32xf32> -> vector<32x32xf32>
    %slice3A_122 = vector.extract_strided_slice %slice3A_117 {offsets = [0, 64], sizes = [32, 32], strides = [1, 1]} : vector<32x128xf32> to vector<32x32xf32>
    %transpose3A_123 = tpu.transpose %slice3A_122, [1, 0] : vector<32x32xf32> -> vector<32x32xf32>
    %slice3A_124 = vector.extract_strided_slice %slice3A_117 {offsets = [0, 96], sizes = [32, 32], strides = [1, 1]} : vector<32x128xf32> to vector<32x32xf32>
    %transpose3A_125 = tpu.transpose %slice3A_124, [1, 0] : vector<32x32xf32> -> vector<32x32xf32>
    %slice3A_126 = vector.extract_strided_slice %get3A_1 {offsets = [448, 0], sizes = [32, 128], strides = [1, 1]} : vector<4096x128xf32> to vector<32x128xf32>
    %slice3A_127 = vector.extract_strided_slice %slice3A_126 {offsets = [0, 0], sizes = [32, 32], strides = [1, 1]} : vector<32x128xf32> to vector<32x32xf32>
    %transpose3A_128 = tpu.transpose %slice3A_127, [1, 0] : vector<32x32xf32> -> vector<32x32xf32>
    %slice3A_129 = vector.extract_strided_slice %slice3A_126 {offsets = [0, 32], sizes = [32, 32], strides = [1, 1]} : vector<32x128xf32> to vector<32x32xf32>
    %transpose3A_130 = tpu.transpose %slice3A_129, [1, 0] : vector<32x32xf32> -> vector<32x32xf32>
    %slice3A_131 = vector.extract_strided_slice %slice3A_126 {offsets = [0, 64], sizes = [32, 32], strides = [1, 1]} : vector<32x128xf32> to vector<32x32xf32>
    %transpose3A_132 = tpu.transpose %slice3A_131, [1, 0] : vector<32x32xf32> -> vector<32x32xf32>
    %slice3A_133 = vector.extract_strided_slice %slice3A_126 {offsets = [0, 96], sizes = [32, 32], strides = [1, 1]} : vector<32x128xf32> to vector<32x32xf32>
    %transpose3A_134 = tpu.transpose %slice3A_133, [1, 0] : vector<32x32xf32> -> vector<32x32xf32>
    %slice3A_135 = vector.extract_strided_slice %get3A_1 {offsets = [480, 0], sizes = [32, 128], strides = [1, 1]} : vector<4096x128xf32> to vector<32x128xf32>
    %slice3A_136 = vector.extract_strided_slice %slice3A_135 {offsets = [0, 0], sizes = [32, 32], strides = [1, 1]} : vector<32x128xf32> to vector<32x32xf32>
    %transpose3A_137 = tpu.transpose %slice3A_136, [1, 0] : vector<32x32xf32> -> vector<32x32xf32>
    %slice3A_138 = vector.extract_strided_slice %slice3A_135 {offsets = [0, 32], sizes = [32, 32], strides = [1, 1]} : vector<32x128xf32> to vector<32x32xf32>
    %transpose3A_139 = tpu.transpose %slice3A_138, [1, 0] : vector<32x32xf32> -> vector<32x32xf32>
    %slice3A_140 = vector.extract_strided_slice %slice3A_135 {offsets = [0, 64], sizes = [32, 32], strides = [1, 1]} : vector<32x128xf32> to vector<32x32xf32>
    %transpose3A_141 = tpu.transpose %slice3A_140, [1, 0] : vector<32x32xf32> -> vector<32x32xf32>
    %slice3A_142 = vector.extract_strided_slice %slice3A_135 {offsets = [0, 96], sizes = [32, 32], strides = [1, 1]} : vector<32x128xf32> to vector<32x32xf32>
    %transpose3A_143 = tpu.transpose %slice3A_142, [1, 0] : vector<32x32xf32> -> vector<32x32xf32>
    %slice3A_144 = vector.extract_strided_slice %get3A_1 {offsets = [512, 0], sizes = [32, 128], strides = [1, 1]} : vector<4096x128xf32> to vector<32x128xf32>
    %slice3A_145 = vector.extract_strided_slice %slice3A_144 {offsets = [0, 0], sizes = [32, 32], strides = [1, 1]} : vector<32x128xf32> to vector<32x32xf32>
    %transpose3A_146 = tpu.transpose %slice3A_145, [1, 0] : vector<32x32xf32> -> vector<32x32xf32>
    %slice3A_147 = vector.extract_strided_slice %slice3A_144 {offsets = [0, 32], sizes = [32, 32], strides = [1, 1]} : vector<32x128xf32> to vector<32x32xf32>
    %transpose3A_148 = tpu.transpose %slice3A_147, [1, 0] : vector<32x32xf32> -> vector<32x32xf32>
    %slice3A_149 = vector.extract_strided_slice %slice3A_144 {offsets = [0, 64], sizes = [32, 32], strides = [1, 1]} : vector<32x128xf32> to vector<32x32xf32>
    %transpose3A_150 = tpu.transpose %slice3A_149, [1, 0] : vector<32x32xf32> -> vector<32x32xf32>
    %slice3A_151 = vector.extract_strided_slice %slice3A_144 {offsets = [0, 96], sizes = [32, 32], strides = [1, 1]} : vector<32x128xf32> to vector<32x32xf32>
    %transpose3A_152 = tpu.transpose %slice3A_151, [1, 0] : vector<32x32xf32> -> vector<32x32xf32>
    %slice3A_153 = vector.extract_strided_slice %get3A_1 {offsets = [544, 0], sizes = [32, 128], strides = [1, 1]} : vector<4096x128xf32> to vector<32x128xf32>
    %slice3A_154 = vector.extract_strided_slice %slice3A_153 {offsets = [0, 0], sizes = [32, 32], strides = [1, 1]} : vector<32x128xf32> to vector<32x32xf32>
    %transpose3A_155 = tpu.transpose %slice3A_154, [1, 0] : vector<32x32xf32> -> vector<32x32xf32>
    %slice3A_156 = vector.extract_strided_slice %slice3A_153 {offsets = [0, 32], sizes = [32, 32], strides = [1, 1]} : vector<32x128xf32> to vector<32x32xf32>
    %transpose3A_157 = tpu.transpose %slice3A_156, [1, 0] : vector<32x32xf32> -> vector<32x32xf32>
    %slice3A_158 = vector.extract_strided_slice %slice3A_153 {offsets = [0, 64], sizes = [32, 32], strides = [1, 1]} : vector<32x128xf32> to vector<32x32xf32>
    %transpose3A_159 = tpu.transpose %slice3A_158, [1, 0] : vector<32x32xf32> -> vector<32x32xf32>
    %slice3A_160 = vector.extract_strided_slice %slice3A_153 {offsets = [0, 96], sizes = [32, 32], strides = [1, 1]} : vector<32x128xf32> to vector<32x32xf32>
    %transpose3A_161 = tpu.transpose %slice3A_160, [1, 0] : vector<32x32xf32> -> vector<32x32xf32>
    %slice3A_162 = vector.extract_strided_slice %get3A_1 {offsets = [576, 0], sizes = [32, 128], strides = [1, 1]} : vector<4096x128xf32> to vector<32x128xf32>
    %slice3A_163 = vector.extract_strided_slice %slice3A_162 {offsets = [0, 0], sizes = [32, 32], strides = [1, 1]} : vector<32x128xf32> to vector<32x32xf32>
    %transpose3A_164 = tpu.transpose %slice3A_163, [1, 0] : vector<32x32xf32> -> vector<32x32xf32>
    %slice3A_165 = vector.extract_strided_slice %slice3A_162 {offsets = [0, 32], sizes = [32, 32], strides = [1, 1]} : vector<32x128xf32> to vector<32x32xf32>
    %transpose3A_166 = tpu.transpose %slice3A_165, [1, 0] : vector<32x32xf32> -> vector<32x32xf32>
    %slice3A_167 = vector.extract_strided_slice %slice3A_162 {offsets = [0, 64], sizes = [32, 32], strides = [1, 1]} : vector<32x128xf32> to vector<32x32xf32>
    %transpose3A_168 = tpu.transpose %slice3A_167, [1, 0] : vector<32x32xf32> -> vector<32x32xf32>
    %slice3A_169 = vector.extract_strided_slice %slice3A_162 {offsets = [0, 96], sizes = [32, 32], strides = [1, 1]} : vector<32x128xf32> to vector<32x32xf32>
    %transpose3A_170 = tpu.transpose %slice3A_169, [1, 0] : vector<32x32xf32> -> vector<32x32xf32>
    %slice3A_171 = vector.extract_strided_slice %get3A_1 {offsets = [608, 0], sizes = [32, 128], strides = [1, 1]} : vector<4096x128xf32> to vector<32x128xf32>
    %slice3A_172 = vector.extract_strided_slice %slice3A_171 {offsets = [0, 0], sizes = [32, 32], strides = [1, 1]} : vector<32x128xf32> to vector<32x32xf32>
    %transpose3A_173 = tpu.transpose %slice3A_172, [1, 0] : vector<32x32xf32> -> vector<32x32xf32>
    %slice3A_174 = vector.extract_strided_slice %slice3A_171 {offsets = [0, 32], sizes = [32, 32], strides = [1, 1]} : vector<32x128xf32> to vector<32x32xf32>
    %transpose3A_175 = tpu.transpose %slice3A_174, [1, 0] : vector<32x32xf32> -> vector<32x32xf32>
    %slice3A_176 = vector.extract_strided_slice %slice3A_171 {offsets = [0, 64], sizes = [32, 32], strides = [1, 1]} : vector<32x128xf32> to vector<32x32xf32>
    %transpose3A_177 = tpu.transpose %slice3A_176, [1, 0] : vector<32x32xf32> -> vector<32x32xf32>
    %slice3A_178 = vector.extract_strided_slice %slice3A_171 {offsets = [0, 96], sizes = [32, 32], strides = [1, 1]} : vector<32x128xf32> to vector<32x32xf32>
    %transpose3A_179 = tpu.transpose %slice3A_178, [1, 0] : vector<32x32xf32> -> vector<32x32xf32>
    %slice3A_180 = vector.extract_strided_slice %get3A_1 {offsets = [640, 0], sizes = [32, 128], strides = [1, 1]} : vector<4096x128xf32> to vector<32x128xf32>
    %slice3A_181 = vector.extract_strided_slice %slice3A_180 {offsets = [0, 0], sizes = [32, 32], strides = [1, 1]} : vector<32x128xf32> to vector<32x32xf32>
    %transpose3A_182 = tpu.transpose %slice3A_181, [1, 0] : vector<32x32xf32> -> vector<32x32xf32>
    %slice3A_183 = vector.extract_strided_slice %slice3A_180 {offsets = [0, 32], sizes = [32, 32], strides = [1, 1]} : vector<32x128xf32> to vector<32x32xf32>
    %transpose3A_184 = tpu.transpose %slice3A_183, [1, 0] : vector<32x32xf32> -> vector<32x32xf32>
    %slice3A_185 = vector.extract_strided_slice %slice3A_180 {offsets = [0, 64], sizes = [32, 32], strides = [1, 1]} : vector<32x128xf32> to vector<32x32xf32>
    %transpose3A_186 = tpu.transpose %slice3A_185, [1, 0] : vector<32x32xf32> -> vector<32x32xf32>
    %slice3A_187 = vector.extract_strided_slice %slice3A_180 {offsets = [0, 96], sizes = [32, 32], strides = [1, 1]} : vector<32x128xf32> to vector<32x32xf32>
    %transpose3A_188 = tpu.transpose %slice3A_187, [1, 0] : vector<32x32xf32> -> vector<32x32xf32>
    %slice3A_189 = vector.extract_strided_slice %get3A_1 {offsets = [672, 0], sizes = [32, 128], strides = [1, 1]} : vector<4096x128xf32> to vector<32x128xf32>
    %slice3A_190 = vector.extract_strided_slice %slice3A_189 {offsets = [0, 0], sizes = [32, 32], strides = [1, 1]} : vector<32x128xf32> to vector<32x32xf32>
    %transpose3A_191 = tpu.transpose %slice3A_190, [1, 0] : vector<32x32xf32> -> vector<32x32xf32>
    %slice3A_192 = vector.extract_strided_slice %slice3A_189 {offsets = [0, 32], sizes = [32, 32], strides = [1, 1]} : vector<32x128xf32> to vector<32x32xf32>
    %transpose3A_193 = tpu.transpose %slice3A_192, [1, 0] : vector<32x32xf32> -> vector<32x32xf32>
    %slice3A_194 = vector.extract_strided_slice %slice3A_189 {offsets = [0, 64], sizes = [32, 32], strides = [1, 1]} : vector<32x128xf32> to vector<32x32xf32>
    %transpose3A_195 = tpu.transpose %slice3A_194, [1, 0] : vector<32x32xf32> -> vector<32x32xf32>
    %slice3A_196 = vector.extract_strided_slice %slice3A_189 {offsets = [0, 96], sizes = [32, 32], strides = [1, 1]} : vector<32x128xf32> to vector<32x32xf32>
    %transpose3A_197 = tpu.transpose %slice3A_196, [1, 0] : vector<32x32xf32> -> vector<32x32xf32>
    %slice3A_198 = vector.extract_strided_slice %get3A_1 {offsets = [704, 0], sizes = [32, 128], strides = [1, 1]} : vector<4096x128xf32> to vector<32x128xf32>
    %slice3A_199 = vector.extract_strided_slice %slice3A_198 {offsets = [0, 0], sizes = [32, 32], strides = [1, 1]} : vector<32x128xf32> to vector<32x32xf32>
    %transpose3A_200 = tpu.transpose %slice3A_199, [1, 0] : vector<32x32xf32> -> vector<32x32xf32>
    %slice3A_201 = vector.extract_strided_slice %slice3A_198 {offsets = [0, 32], sizes = [32, 32], strides = [1, 1]} : vector<32x128xf32> to vector<32x32xf32>
    %transpose3A_202 = tpu.transpose %slice3A_201, [1, 0] : vector<32x32xf32> -> vector<32x32xf32>
    %slice3A_203 = vector.extract_strided_slice %slice3A_198 {offsets = [0, 64], sizes = [32, 32], strides = [1, 1]} : vector<32x128xf32> to vector<32x32xf32>
    %transpose3A_204 = tpu.transpose %slice3A_203, [1, 0] : vector<32x32xf32> -> vector<32x32xf32>
    %slice3A_205 = vector.extract_strided_slice %slice3A_198 {offsets = [0, 96], sizes = [32, 32], strides = [1, 1]} : vector<32x128xf32> to vector<32x32xf32>
    %transpose3A_206 = tpu.transpose %slice3A_205, [1, 0] : vector<32x32xf32> -> vector<32x32xf32>
    %slice3A_207 = vector.extract_strided_slice %get3A_1 {offsets = [736, 0], sizes = [32, 128], strides = [1, 1]} : vector<4096x128xf32> to vector<32x128xf32>
    %slice3A_208 = vector.extract_strided_slice %slice3A_207 {offsets = [0, 0], sizes = [32, 32], strides = [1, 1]} : vector<32x128xf32> to vector<32x32xf32>
    %transpose3A_209 = tpu.transpose %slice3A_208, [1, 0] : vector<32x32xf32> -> vector<32x32xf32>
    %slice3A_210 = vector.extract_strided_slice %slice3A_207 {offsets = [0, 32], sizes = [32, 32], strides = [1, 1]} : vector<32x128xf32> to vector<32x32xf32>
    %transpose3A_211 = tpu.transpose %slice3A_210, [1, 0] : vector<32x32xf32> -> vector<32x32xf32>
    %slice3A_212 = vector.extract_strided_slice %slice3A_207 {offsets = [0, 64], sizes = [32, 32], strides = [1, 1]} : vector<32x128xf32> to vector<32x32xf32>
    %transpose3A_213 = tpu.transpose %slice3A_212, [1, 0] : vector<32x32xf32> -> vector<32x32xf32>
    %slice3A_214 = vector.extract_strided_slice %slice3A_207 {offsets = [0, 96], sizes = [32, 32], strides = [1, 1]} : vector<32x128xf32> to vector<32x32xf32>
    %transpose3A_215 = tpu.transpose %slice3A_214, [1, 0] : vector<32x32xf32> -> vector<32x32xf32>
    %slice3A_216 = vector.extract_strided_slice %get3A_1 {offsets = [768, 0], sizes = [32, 128], strides = [1, 1]} : vector<4096x128xf32> to vector<32x128xf32>
    %slice3A_217 = vector.extract_strided_slice %slice3A_216 {offsets = [0, 0], sizes = [32, 32], strides = [1, 1]} : vector<32x128xf32> to vector<32x32xf32>
    %transpose3A_218 = tpu.transpose %slice3A_217, [1, 0] : vector<32x32xf32> -> vector<32x32xf32>
    %slice3A_219 = vector.extract_strided_slice %slice3A_216 {offsets = [0, 32], sizes = [32, 32], strides = [1, 1]} : vector<32x128xf32> to vector<32x32xf32>
    %transpose3A_220 = tpu.transpose %slice3A_219, [1, 0] : vector<32x32xf32> -> vector<32x32xf32>
    %slice3A_221 = vector.extract_strided_slice %slice3A_216 {offsets = [0, 64], sizes = [32, 32], strides = [1, 1]} : vector<32x128xf32> to vector<32x32xf32>
    %transpose3A_222 = tpu.transpose %slice3A_221, [1, 0] : vector<32x32xf32> -> vector<32x32xf32>
    %slice3A_223 = vector.extract_strided_slice %slice3A_216 {offsets = [0, 96], sizes = [32, 32], strides = [1, 1]} : vector<32x128xf32> to vector<32x32xf32>
    %transpose3A_224 = tpu.transpose %slice3A_223, [1, 0] : vector<32x32xf32> -> vector<32x32xf32>
    %slice3A_225 = vector.extract_strided_slice %get3A_1 {offsets = [800, 0], sizes = [32, 128], strides = [1, 1]} : vector<4096x128xf32> to vector<32x128xf32>
    %slice3A_226 = vector.extract_strided_slice %slice3A_225 {offsets = [0, 0], sizes = [32, 32], strides = [1, 1]} : vector<32x128xf32> to vector<32x32xf32>
    %transpose3A_227 = tpu.transpose %slice3A_226, [1, 0] : vector<32x32xf32> -> vector<32x32xf32>
    %slice3A_228 = vector.extract_strided_slice %slice3A_225 {offsets = [0, 32], sizes = [32, 32], strides = [1, 1]} : vector<32x128xf32> to vector<32x32xf32>
    %transpose3A_229 = tpu.transpose %slice3A_228, [1, 0] : vector<32x32xf32> -> vector<32x32xf32>
    %slice3A_230 = vector.extract_strided_slice %slice3A_225 {offsets = [0, 64], sizes = [32, 32], strides = [1, 1]} : vector<32x128xf32> to vector<32x32xf32>
    %transpose3A_231 = tpu.transpose %slice3A_230, [1, 0] : vector<32x32xf32> -> vector<32x32xf32>
    %slice3A_232 = vector.extract_strided_slice %slice3A_225 {offsets = [0, 96], sizes = [32, 32], strides = [1, 1]} : vector<32x128xf32> to vector<32x32xf32>
    %transpose3A_233 = tpu.transpose %slice3A_232, [1, 0] : vector<32x32xf32> -> vector<32x32xf32>
    %slice3A_234 = vector.extract_strided_slice %get3A_1 {offsets = [832, 0], sizes = [32, 128], strides = [1, 1]} : vector<4096x128xf32> to vector<32x128xf32>
    %slice3A_235 = vector.extract_strided_slice %slice3A_234 {offsets = [0, 0], sizes = [32, 32], strides = [1, 1]} : vector<32x128xf32> to vector<32x32xf32>
    %transpose3A_236 = tpu.transpose %slice3A_235, [1, 0] : vector<32x32xf32> -> vector<32x32xf32>
    %slice3A_237 = vector.extract_strided_slice %slice3A_234 {offsets = [0, 32], sizes = [32, 32], strides = [1, 1]} : vector<32x128xf32> to vector<32x32xf32>
    %transpose3A_238 = tpu.transpose %slice3A_237, [1, 0] : vector<32x32xf32> -> vector<32x32xf32>
    %slice3A_239 = vector.extract_strided_slice %slice3A_234 {offsets = [0, 64], sizes = [32, 32], strides = [1, 1]} : vector<32x128xf32> to vector<32x32xf32>
    %transpose3A_240 = tpu.transpose %slice3A_239, [1, 0] : vector<32x32xf32> -> vector<32x32xf32>
    %slice3A_241 = vector.extract_strided_slice %slice3A_234 {offsets = [0, 96], sizes = [32, 32], strides = [1, 1]} : vector<32x128xf32> to vector<32x32xf32>
    %transpose3A_242 = tpu.transpose %slice3A_241, [1, 0] : vector<32x32xf32> -> vector<32x32xf32>
    %slice3A_243 = vector.extract_strided_slice %get3A_1 {offsets = [864, 0], sizes = [32, 128], strides = [1, 1]} : vector<4096x128xf32> to vector<32x128xf32>
    %slice3A_244 = vector.extract_strided_slice %slice3A_243 {offsets = [0, 0], sizes = [32, 32], strides = [1, 1]} : vector<32x128xf32> to vector<32x32xf32>
    %transpose3A_245 = tpu.transpose %slice3A_244, [1, 0] : vector<32x32xf32> -> vector<32x32xf32>
    %slice3A_246 = vector.extract_strided_slice %slice3A_243 {offsets = [0, 32], sizes = [32, 32], strides = [1, 1]} : vector<32x128xf32> to vector<32x32xf32>
    %transpose3A_247 = tpu.transpose %slice3A_246, [1, 0] : vector<32x32xf32> -> vector<32x32xf32>
    %slice3A_248 = vector.extract_strided_slice %slice3A_243 {offsets = [0, 64], sizes = [32, 32], strides = [1, 1]} : vector<32x128xf32> to vector<32x32xf32>
    %transpose3A_249 = tpu.transpose %slice3A_248, [1, 0] : vector<32x32xf32> -> vector<32x32xf32>
    %slice3A_250 = vector.extract_strided_slice %slice3A_243 {offsets = [0, 96], sizes = [32, 32], strides = [1, 1]} : vector<32x128xf32> to vector<32x32xf32>
    %transpose3A_251 = tpu.transpose %slice3A_250, [1, 0] : vector<32x32xf32> -> vector<32x32xf32>
    %slice3A_252 = vector.extract_strided_slice %get3A_1 {offsets = [896, 0], sizes = [32, 128], strides = [1, 1]} : vector<4096x128xf32> to vector<32x128xf32>
    %slice3A_253 = vector.extract_strided_slice %slice3A_252 {offsets = [0, 0], sizes = [32, 32], strides = [1, 1]} : vector<32x128xf32> to vector<32x32xf32>
    %transpose3A_254 = tpu.transpose %slice3A_253, [1, 0] : vector<32x32xf32> -> vector<32x32xf32>
    %slice3A_255 = vector.extract_strided_slice %slice3A_252 {offsets = [0, 32], sizes = [32, 32], strides = [1, 1]} : vector<32x128xf32> to vector<32x32xf32>
    %transpose3A_256 = tpu.transpose %slice3A_255, [1, 0] : vector<32x32xf32> -> vector<32x32xf32>
    %slice3A_257 = vector.extract_strided_slice %slice3A_252 {offsets = [0, 64], sizes = [32, 32], strides = [1, 1]} : vector<32x128xf32> to vector<32x32xf32>
    %transpose3A_258 = tpu.transpose %slice3A_257, [1, 0] : vector<32x32xf32> -> vector<32x32xf32>
    %slice3A_259 = vector.extract_strided_slice %slice3A_252 {offsets = [0, 96], sizes = [32, 32], strides = [1, 1]} : vector<32x128xf32> to vector<32x32xf32>
    %transpose3A_260 = tpu.transpose %slice3A_259, [1, 0] : vector<32x32xf32> -> vector<32x32xf32>
    %slice3A_261 = vector.extract_strided_slice %get3A_1 {offsets = [928, 0], sizes = [32, 128], strides = [1, 1]} : vector<4096x128xf32> to vector<32x128xf32>
    %slice3A_262 = vector.extract_strided_slice %slice3A_261 {offsets = [0, 0], sizes = [32, 32], strides = [1, 1]} : vector<32x128xf32> to vector<32x32xf32>
    %transpose3A_263 = tpu.transpose %slice3A_262, [1, 0] : vector<32x32xf32> -> vector<32x32xf32>
    %slice3A_264 = vector.extract_strided_slice %slice3A_261 {offsets = [0, 32], sizes = [32, 32], strides = [1, 1]} : vector<32x128xf32> to vector<32x32xf32>
    %transpose3A_265 = tpu.transpose %slice3A_264, [1, 0] : vector<32x32xf32> -> vector<32x32xf32>
    %slice3A_266 = vector.extract_strided_slice %slice3A_261 {offsets = [0, 64], sizes = [32, 32], strides = [1, 1]} : vector<32x128xf32> to vector<32x32xf32>
    %transpose3A_267 = tpu.transpose %slice3A_266, [1, 0] : vector<32x32xf32> -> vector<32x32xf32>
    %slice3A_268 = vector.extract_strided_slice %slice3A_261 {offsets = [0, 96], sizes = [32, 32], strides = [1, 1]} : vector<32x128xf32> to vector<32x32xf32>
    %transpose3A_269 = tpu.transpose %slice3A_268, [1, 0] : vector<32x32xf32> -> vector<32x32xf32>
    %slice3A_270 = vector.extract_strided_slice %get3A_1 {offsets = [960, 0], sizes = [32, 128], strides = [1, 1]} : vector<4096x128xf32> to vector<32x128xf32>
    %slice3A_271 = vector.extract_strided_slice %slice3A_270 {offsets = [0, 0], sizes = [32, 32], strides = [1, 1]} : vector<32x128xf32> to vector<32x32xf32>
    %transpose3A_272 = tpu.transpose %slice3A_271, [1, 0] : vector<32x32xf32> -> vector<32x32xf32>
    %slice3A_273 = vector.extract_strided_slice %slice3A_270 {offsets = [0, 32], sizes = [32, 32], strides = [1, 1]} : vector<32x128xf32> to vector<32x32xf32>
    %transpose3A_274 = tpu.transpose %slice3A_273, [1, 0] : vector<32x32xf32> -> vector<32x32xf32>
    %slice3A_275 = vector.extract_strided_slice %slice3A_270 {offsets = [0, 64], sizes = [32, 32], strides = [1, 1]} : vector<32x128xf32> to vector<32x32xf32>
    %transpose3A_276 = tpu.transpose %slice3A_275, [1, 0] : vector<32x32xf32> -> vector<32x32xf32>
    %slice3A_277 = vector.extract_strided_slice %slice3A_270 {offsets = [0, 96], sizes = [32, 32], strides = [1, 1]} : vector<32x128xf32> to vector<32x32xf32>
    %transpose3A_278 = tpu.transpose %slice3A_277, [1, 0] : vector<32x32xf32> -> vector<32x32xf32>
    %slice3A_279 = vector.extract_strided_slice %get3A_1 {offsets = [992, 0], sizes = [32, 128], strides = [1, 1]} : vector<4096x128xf32> to vector<32x128xf32>
    %slice3A_280 = vector.extract_strided_slice %slice3A_279 {offsets = [0, 0], sizes = [32, 32], strides = [1, 1]} : vector<32x128xf32> to vector<32x32xf32>
    %transpose3A_281 = tpu.transpose %slice3A_280, [1, 0] : vector<32x32xf32> -> vector<32x32xf32>
    %slice3A_282 = vector.extract_strided_slice %slice3A_279 {offsets = [0, 32], sizes = [32, 32], strides = [1, 1]} : vector<32x128xf32> to vector<32x32xf32>
    %transpose3A_283 = tpu.transpose %slice3A_282, [1, 0] : vector<32x32xf32> -> vector<32x32xf32>
    %slice3A_284 = vector.extract_strided_slice %slice3A_279 {offsets = [0, 64], sizes = [32, 32], strides = [1, 1]} : vector<32x128xf32> to vector<32x32xf32>
    %transpose3A_285 = tpu.transpose %slice3A_284, [1, 0] : vector<32x32xf32> -> vector<32x32xf32>
    %slice3A_286 = vector.extract_strided_slice %slice3A_279 {offsets = [0, 96], sizes = [32, 32], strides = [1, 1]} : vector<32x128xf32> to vector<32x32xf32>
    %transpose3A_287 = tpu.transpose %slice3A_286, [1, 0] : vector<32x32xf32> -> vector<32x32xf32>
    %slice3A_288 = vector.extract_strided_slice %get3A_1 {offsets = [1024, 0], sizes = [32, 128], strides = [1, 1]} : vector<4096x128xf32> to vector<32x128xf32>
    %slice3A_289 = vector.extract_strided_slice %slice3A_288 {offsets = [0, 0], sizes = [32, 32], strides = [1, 1]} : vector<32x128xf32> to vector<32x32xf32>
    %transpose3A_290 = tpu.transpose %slice3A_289, [1, 0] : vector<32x32xf32> -> vector<32x32xf32>
    %slice3A_291 = vector.extract_strided_slice %slice3A_288 {offsets = [0, 32], sizes = [32, 32], strides = [1, 1]} : vector<32x128xf32> to vector<32x32xf32>
    %transpose3A_292 = tpu.transpose %slice3A_291, [1, 0] : vector<32x32xf32> -> vector<32x32xf32>
    %slice3A_293 = vector.extract_strided_slice %slice3A_288 {offsets = [0, 64], sizes = [32, 32], strides = [1, 1]} : vector<32x128xf32> to vector<32x32xf32>
    %transpose3A_294 = tpu.transpose %slice3A_293, [1, 0] : vector<32x32xf32> -> vector<32x32xf32>
    %slice3A_295 = vector.extract_strided_slice %slice3A_288 {offsets = [0, 96], sizes = [32, 32], strides = [1, 1]} : vector<32x128xf32> to vector<32x32xf32>
    %transpose3A_296 = tpu.transpose %slice3A_295, [1, 0] : vector<32x32xf32> -> vector<32x32xf32>
    %slice3A_297 = vector.extract_strided_slice %get3A_1 {offsets = [1056, 0], sizes = [32, 128], strides = [1, 1]} : vector<4096x128xf32> to vector<32x128xf32>
    %slice3A_298 = vector.extract_strided_slice %slice3A_297 {offsets = [0, 0], sizes = [32, 32], strides = [1, 1]} : vector<32x128xf32> to vector<32x32xf32>
    %transpose3A_299 = tpu.transpose %slice3A_298, [1, 0] : vector<32x32xf32> -> vector<32x32xf32>
    %slice3A_300 = vector.extract_strided_slice %slice3A_297 {offsets = [0, 32], sizes = [32, 32], strides = [1, 1]} : vector<32x128xf32> to vector<32x32xf32>
    %transpose3A_301 = tpu.transpose %slice3A_300, [1, 0] : vector<32x32xf32> -> vector<32x32xf32>
    %slice3A_302 = vector.extract_strided_slice %slice3A_297 {offsets = [0, 64], sizes = [32, 32], strides = [1, 1]} : vector<32x128xf32> to vector<32x32xf32>
    %transpose3A_303 = tpu.transpose %slice3A_302, [1, 0] : vector<32x32xf32> -> vector<32x32xf32>
    %slice3A_304 = vector.extract_strided_slice %slice3A_297 {offsets = [0, 96], sizes = [32, 32], strides = [1, 1]} : vector<32x128xf32> to vector<32x32xf32>
    %transpose3A_305 = tpu.transpose %slice3A_304, [1, 0] : vector<32x32xf32> -> vector<32x32xf32>
    %slice3A_306 = vector.extract_strided_slice %get3A_1 {offsets = [1088, 0], sizes = [32, 128], strides = [1, 1]} : vector<4096x128xf32> to vector<32x128xf32>
    %slice3A_307 = vector.extract_strided_slice %slice3A_306 {offsets = [0, 0], sizes = [32, 32], strides = [1, 1]} : vector<32x128xf32> to vector<32x32xf32>
    %transpose3A_308 = tpu.transpose %slice3A_307, [1, 0] : vector<32x32xf32> -> vector<32x32xf32>
    %slice3A_309 = vector.extract_strided_slice %slice3A_306 {offsets = [0, 32], sizes = [32, 32], strides = [1, 1]} : vector<32x128xf32> to vector<32x32xf32>
    %transpose3A_310 = tpu.transpose %slice3A_309, [1, 0] : vector<32x32xf32> -> vector<32x32xf32>
    %slice3A_311 = vector.extract_strided_slice %slice3A_306 {offsets = [0, 64], sizes = [32, 32], strides = [1, 1]} : vector<32x128xf32> to vector<32x32xf32>
    %transpose3A_312 = tpu.transpose %slice3A_311, [1, 0] : vector<32x32xf32> -> vector<32x32xf32>
    %slice3A_313 = vector.extract_strided_slice %slice3A_306 {offsets = [0, 96], sizes = [32, 32], strides = [1, 1]} : vector<32x128xf32> to vector<32x32xf32>
    %transpose3A_314 = tpu.transpose %slice3A_313, [1, 0] : vector<32x32xf32> -> vector<32x32xf32>
    %slice3A_315 = vector.extract_strided_slice %get3A_1 {offsets = [1120, 0], sizes = [32, 128], strides = [1, 1]} : vector<4096x128xf32> to vector<32x128xf32>
    %slice3A_316 = vector.extract_strided_slice %slice3A_315 {offsets = [0, 0], sizes = [32, 32], strides = [1, 1]} : vector<32x128xf32> to vector<32x32xf32>
    %transpose3A_317 = tpu.transpose %slice3A_316, [1, 0] : vector<32x32xf32> -> vector<32x32xf32>
    %slice3A_318 = vector.extract_strided_slice %slice3A_315 {offsets = [0, 32], sizes = [32, 32], strides = [1, 1]} : vector<32x128xf32> to vector<32x32xf32>
    %transpose3A_319 = tpu.transpose %slice3A_318, [1, 0] : vector<32x32xf32> -> vector<32x32xf32>
    %slice3A_320 = vector.extract_strided_slice %slice3A_315 {offsets = [0, 64], sizes = [32, 32], strides = [1, 1]} : vector<32x128xf32> to vector<32x32xf32>
    %transpose3A_321 = tpu.transpose %slice3A_320, [1, 0] : vector<32x32xf32> -> vector<32x32xf32>
    %slice3A_322 = vector.extract_strided_slice %slice3A_315 {offsets = [0, 96], sizes = [32, 32], strides = [1, 1]} : vector<32x128xf32> to vector<32x32xf32>
    %transpose3A_323 = tpu.transpose %slice3A_322, [1, 0] : vector<32x32xf32> -> vector<32x32xf32>
    %slice3A_324 = vector.extract_strided_slice %get3A_1 {offsets = [1152, 0], sizes = [32, 128], strides = [1, 1]} : vector<4096x128xf32> to vector<32x128xf32>
    %slice3A_325 = vector.extract_strided_slice %slice3A_324 {offsets = [0, 0], sizes = [32, 32], strides = [1, 1]} : vector<32x128xf32> to vector<32x32xf32>
    %transpose3A_326 = tpu.transpose %slice3A_325, [1, 0] : vector<32x32xf32> -> vector<32x32xf32>
    %slice3A_327 = vector.extract_strided_slice %slice3A_324 {offsets = [0, 32], sizes = [32, 32], strides = [1, 1]} : vector<32x128xf32> to vector<32x32xf32>
    %transpose3A_328 = tpu.transpose %slice3A_327, [1, 0] : vector<32x32xf32> -> vector<32x32xf32>
    %slice3A_329 = vector.extract_strided_slice %slice3A_324 {offsets = [0, 64], sizes = [32, 32], strides = [1, 1]} : vector<32x128xf32> to vector<32x32xf32>
    %transpose3A_330 = tpu.transpose %slice3A_329, [1, 0] : vector<32x32xf32> -> vector<32x32xf32>
    %slice3A_331 = vector.extract_strided_slice %slice3A_324 {offsets = [0, 96], sizes = [32, 32], strides = [1, 1]} : vector<32x128xf32> to vector<32x32xf32>
    %transpose3A_332 = tpu.transpose %slice3A_331, [1, 0] : vector<32x32xf32> -> vector<32x32xf32>
    %slice3A_333 = vector.extract_strided_slice %get3A_1 {offsets = [1184, 0], sizes = [32, 128], strides = [1, 1]} : vector<4096x128xf32> to vector<32x128xf32>
    %slice3A_334 = vector.extract_strided_slice %slice3A_333 {offsets = [0, 0], sizes = [32, 32], strides = [1, 1]} : vector<32x128xf32> to vector<32x32xf32>
    %transpose3A_335 = tpu.transpose %slice3A_334, [1, 0] : vector<32x32xf32> -> vector<32x32xf32>
    %slice3A_336 = vector.extract_strided_slice %slice3A_333 {offsets = [0, 32], sizes = [32, 32], strides = [1, 1]} : vector<32x128xf32> to vector<32x32xf32>
    %transpose3A_337 = tpu.transpose %slice3A_336, [1, 0] : vector<32x32xf32> -> vector<32x32xf32>
    %slice3A_338 = vector.extract_strided_slice %slice3A_333 {offsets = [0, 64], sizes = [32, 32], strides = [1, 1]} : vector<32x128xf32> to vector<32x32xf32>
    %transpose3A_339 = tpu.transpose %slice3A_338, [1, 0] : vector<32x32xf32> -> vector<32x32xf32>
    %slice3A_340 = vector.extract_strided_slice %slice3A_333 {offsets = [0, 96], sizes = [32, 32], strides = [1, 1]} : vector<32x128xf32> to vector<32x32xf32>
    %transpose3A_341 = tpu.transpose %slice3A_340, [1, 0] : vector<32x32xf32> -> vector<32x32xf32>
    %slice3A_342 = vector.extract_strided_slice %get3A_1 {offsets = [1216, 0], sizes = [32, 128], strides = [1, 1]} : vector<4096x128xf32> to vector<32x128xf32>
    %slice3A_343 = vector.extract_strided_slice %slice3A_342 {offsets = [0, 0], sizes = [32, 32], strides = [1, 1]} : vector<32x128xf32> to vector<32x32xf32>
    %transpose3A_344 = tpu.transpose %slice3A_343, [1, 0] : vector<32x32xf32> -> vector<32x32xf32>
    %slice3A_345 = vector.extract_strided_slice %slice3A_342 {offsets = [0, 32], sizes = [32, 32], strides = [1, 1]} : vector<32x128xf32> to vector<32x32xf32>
    %transpose3A_346 = tpu.transpose %slice3A_345, [1, 0] : vector<32x32xf32> -> vector<32x32xf32>
    %slice3A_347 = vector.extract_strided_slice %slice3A_342 {offsets = [0, 64], sizes = [32, 32], strides = [1, 1]} : vector<32x128xf32> to vector<32x32xf32>
    %transpose3A_348 = tpu.transpose %slice3A_347, [1, 0] : vector<32x32xf32> -> vector<32x32xf32>
    %slice3A_349 = vector.extract_strided_slice %slice3A_342 {offsets = [0, 96], sizes = [32, 32], strides = [1, 1]} : vector<32x128xf32> to vector<32x32xf32>
    %transpose3A_350 = tpu.transpose %slice3A_349, [1, 0] : vector<32x32xf32> -> vector<32x32xf32>
    %slice3A_351 = vector.extract_strided_slice %get3A_1 {offsets = [1248, 0], sizes = [32, 128], strides = [1, 1]} : vector<4096x128xf32> to vector<32x128xf32>
    %slice3A_352 = vector.extract_strided_slice %slice3A_351 {offsets = [0, 0], sizes = [32, 32], strides = [1, 1]} : vector<32x128xf32> to vector<32x32xf32>
    %transpose3A_353 = tpu.transpose %slice3A_352, [1, 0] : vector<32x32xf32> -> vector<32x32xf32>
    %slice3A_354 = vector.extract_strided_slice %slice3A_351 {offsets = [0, 32], sizes = [32, 32], strides = [1, 1]} : vector<32x128xf32> to vector<32x32xf32>
    %transpose3A_355 = tpu.transpose %slice3A_354, [1, 0] : vector<32x32xf32> -> vector<32x32xf32>
    %slice3A_356 = vector.extract_strided_slice %slice3A_351 {offsets = [0, 64], sizes = [32, 32], strides = [1, 1]} : vector<32x128xf32> to vector<32x32xf32>
    %transpose3A_357 = tpu.transpose %slice3A_356, [1, 0] : vector<32x32xf32> -> vector<32x32xf32>
    %slice3A_358 = vector.extract_strided_slice %slice3A_351 {offsets = [0, 96], sizes = [32, 32], strides = [1, 1]} : vector<32x128xf32> to vector<32x32xf32>
    %transpose3A_359 = tpu.transpose %slice3A_358, [1, 0] : vector<32x32xf32> -> vector<32x32xf32>
    %slice3A_360 = vector.extract_strided_slice %get3A_1 {offsets = [1280, 0], sizes = [32, 128], strides = [1, 1]} : vector<4096x128xf32> to vector<32x128xf32>
    %slice3A_361 = vector.extract_strided_slice %slice3A_360 {offsets = [0, 0], sizes = [32, 32], strides = [1, 1]} : vector<32x128xf32> to vector<32x32xf32>
    %transpose3A_362 = tpu.transpose %slice3A_361, [1, 0] : vector<32x32xf32> -> vector<32x32xf32>
    %slice3A_363 = vector.extract_strided_slice %slice3A_360 {offsets = [0, 32], sizes = [32, 32], strides = [1, 1]} : vector<32x128xf32> to vector<32x32xf32>
    %transpose3A_364 = tpu.transpose %slice3A_363, [1, 0] : vector<32x32xf32> -> vector<32x32xf32>
    %slice3A_365 = vector.extract_strided_slice %slice3A_360 {offsets = [0, 64], sizes = [32, 32], strides = [1, 1]} : vector<32x128xf32> to vector<32x32xf32>
    %transpose3A_366 = tpu.transpose %slice3A_365, [1, 0] : vector<32x32xf32> -> vector<32x32xf32>
    %slice3A_367 = vector.extract_strided_slice %slice3A_360 {offsets = [0, 96], sizes = [32, 32], strides = [1, 1]} : vector<32x128xf32> to vector<32x32xf32>
    %transpose3A_368 = tpu.transpose %slice3A_367, [1, 0] : vector<32x32xf32> -> vector<32x32xf32>
    %slice3A_369 = vector.extract_strided_slice %get3A_1 {offsets = [1312, 0], sizes = [32, 128], strides = [1, 1]} : vector<4096x128xf32> to vector<32x128xf32>
    %slice3A_370 = vector.extract_strided_slice %slice3A_369 {offsets = [0, 0], sizes = [32, 32], strides = [1, 1]} : vector<32x128xf32> to vector<32x32xf32>
    %transpose3A_371 = tpu.transpose %slice3A_370, [1, 0] : vector<32x32xf32> -> vector<32x32xf32>
    %slice3A_372 = vector.extract_strided_slice %slice3A_369 {offsets = [0, 32], sizes = [32, 32], strides = [1, 1]} : vector<32x128xf32> to vector<32x32xf32>
    %transpose3A_373 = tpu.transpose %slice3A_372, [1, 0] : vector<32x32xf32> -> vector<32x32xf32>
    %slice3A_374 = vector.extract_strided_slice %slice3A_369 {offsets = [0, 64], sizes = [32, 32], strides = [1, 1]} : vector<32x128xf32> to vector<32x32xf32>
    %transpose3A_375 = tpu.transpose %slice3A_374, [1, 0] : vector<32x32xf32> -> vector<32x32xf32>
    %slice3A_376 = vector.extract_strided_slice %slice3A_369 {offsets = [0, 96], sizes = [32, 32], strides = [1, 1]} : vector<32x128xf32> to vector<32x32xf32>
    %transpose3A_377 = tpu.transpose %slice3A_376, [1, 0] : vector<32x32xf32> -> vector<32x32xf32>
    %slice3A_378 = vector.extract_strided_slice %get3A_1 {offsets = [1344, 0], sizes = [32, 128], strides = [1, 1]} : vector<4096x128xf32> to vector<32x128xf32>
    %slice3A_379 = vector.extract_strided_slice %slice3A_378 {offsets = [0, 0], sizes = [32, 32], strides = [1, 1]} : vector<32x128xf32> to vector<32x32xf32>
    %transpose3A_380 = tpu.transpose %slice3A_379, [1, 0] : vector<32x32xf32> -> vector<32x32xf32>
    %slice3A_381 = vector.extract_strided_slice %slice3A_378 {offsets = [0, 32], sizes = [32, 32], strides = [1, 1]} : vector<32x128xf32> to vector<32x32xf32>
    %transpose3A_382 = tpu.transpose %slice3A_381, [1, 0] : vector<32x32xf32> -> vector<32x32xf32>
    %slice3A_383 = vector.extract_strided_slice %slice3A_378 {offsets = [0, 64], sizes = [32, 32], strides = [1, 1]} : vector<32x128xf32> to vector<32x32xf32>
    %transpose3A_384 = tpu.transpose %slice3A_383, [1, 0] : vector<32x32xf32> -> vector<32x32xf32>
    %slice3A_385 = vector.extract_strided_slice %slice3A_378 {offsets = [0, 96], sizes = [32, 32], strides = [1, 1]} : vector<32x128xf32> to vector<32x32xf32>
    %transpose3A_386 = tpu.transpose %slice3A_385, [1, 0] : vector<32x32xf32> -> vector<32x32xf32>
    %slice3A_387 = vector.extract_strided_slice %get3A_1 {offsets = [1376, 0], sizes = [32, 128], strides = [1, 1]} : vector<4096x128xf32> to vector<32x128xf32>
    %slice3A_388 = vector.extract_strided_slice %slice3A_387 {offsets = [0, 0], sizes = [32, 32], strides = [1, 1]} : vector<32x128xf32> to vector<32x32xf32>
    %transpose3A_389 = tpu.transpose %slice3A_388, [1, 0] : vector<32x32xf32> -> vector<32x32xf32>
    %slice3A_390 = vector.extract_strided_slice %slice3A_387 {offsets = [0, 32], sizes = [32, 32], strides = [1, 1]} : vector<32x128xf32> to vector<32x32xf32>
    %transpose3A_391 = tpu.transpose %slice3A_390, [1, 0] : vector<32x32xf32> -> vector<32x32xf32>
    %slice3A_392 = vector.extract_strided_slice %slice3A_387 {offsets = [0, 64], sizes = [32, 32], strides = [1, 1]} : vector<32x128xf32> to vector<32x32xf32>
    %transpose3A_393 = tpu.transpose %slice3A_392, [1, 0] : vector<32x32xf32> -> vector<32x32xf32>
    %slice3A_394 = vector.extract_strided_slice %slice3A_387 {offsets = [0, 96], sizes = [32, 32], strides = [1, 1]} : vector<32x128xf32> to vector<32x32xf32>
    %transpose3A_395 = tpu.transpose %slice3A_394, [1, 0] : vector<32x32xf32> -> vector<32x32xf32>
    %slice3A_396 = vector.extract_strided_slice %get3A_1 {offsets = [1408, 0], sizes = [32, 128], strides = [1, 1]} : vector<4096x128xf32> to vector<32x128xf32>
    %slice3A_397 = vector.extract_strided_slice %slice3A_396 {offsets = [0, 0], sizes = [32, 32], strides = [1, 1]} : vector<32x128xf32> to vector<32x32xf32>
    %transpose3A_398 = tpu.transpose %slice3A_397, [1, 0] : vector<32x32xf32> -> vector<32x32xf32>
    %slice3A_399 = vector.extract_strided_slice %slice3A_396 {offsets = [0, 32], sizes = [32, 32], strides = [1, 1]} : vector<32x128xf32> to vector<32x32xf32>
    %transpose3A_400 = tpu.transpose %slice3A_399, [1, 0] : vector<32x32xf32> -> vector<32x32xf32>
    %slice3A_401 = vector.extract_strided_slice %slice3A_396 {offsets = [0, 64], sizes = [32, 32], strides = [1, 1]} : vector<32x128xf32> to vector<32x32xf32>
    %transpose3A_402 = tpu.transpose %slice3A_401, [1, 0] : vector<32x32xf32> -> vector<32x32xf32>
    %slice3A_403 = vector.extract_strided_slice %slice3A_396 {offsets = [0, 96], sizes = [32, 32], strides = [1, 1]} : vector<32x128xf32> to vector<32x32xf32>
    %transpose3A_404 = tpu.transpose %slice3A_403, [1, 0] : vector<32x32xf32> -> vector<32x32xf32>
    %slice3A_405 = vector.extract_strided_slice %get3A_1 {offsets = [1440, 0], sizes = [32, 128], strides = [1, 1]} : vector<4096x128xf32> to vector<32x128xf32>
    %slice3A_406 = vector.extract_strided_slice %slice3A_405 {offsets = [0, 0], sizes = [32, 32], strides = [1, 1]} : vector<32x128xf32> to vector<32x32xf32>
    %transpose3A_407 = tpu.transpose %slice3A_406, [1, 0] : vector<32x32xf32> -> vector<32x32xf32>
    %slice3A_408 = vector.extract_strided_slice %slice3A_405 {offsets = [0, 32], sizes = [32, 32], strides = [1, 1]} : vector<32x128xf32> to vector<32x32xf32>
    %transpose3A_409 = tpu.transpose %slice3A_408, [1, 0] : vector<32x32xf32> -> vector<32x32xf32>
    %slice3A_410 = vector.extract_strided_slice %slice3A_405 {offsets = [0, 64], sizes = [32, 32], strides = [1, 1]} : vector<32x128xf32> to vector<32x32xf32>
    %transpose3A_411 = tpu.transpose %slice3A_410, [1, 0] : vector<32x32xf32> -> vector<32x32xf32>
    %slice3A_412 = vector.extract_strided_slice %slice3A_405 {offsets = [0, 96], sizes = [32, 32], strides = [1, 1]} : vector<32x128xf32> to vector<32x32xf32>
    %transpose3A_413 = tpu.transpose %slice3A_412, [1, 0] : vector<32x32xf32> -> vector<32x32xf32>
    %slice3A_414 = vector.extract_strided_slice %get3A_1 {offsets = [1472, 0], sizes = [32, 128], strides = [1, 1]} : vector<4096x128xf32> to vector<32x128xf32>
    %slice3A_415 = vector.extract_strided_slice %slice3A_414 {offsets = [0, 0], sizes = [32, 32], strides = [1, 1]} : vector<32x128xf32> to vector<32x32xf32>
    %transpose3A_416 = tpu.transpose %slice3A_415, [1, 0] : vector<32x32xf32> -> vector<32x32xf32>
    %slice3A_417 = vector.extract_strided_slice %slice3A_414 {offsets = [0, 32], sizes = [32, 32], strides = [1, 1]} : vector<32x128xf32> to vector<32x32xf32>
    %transpose3A_418 = tpu.transpose %slice3A_417, [1, 0] : vector<32x32xf32> -> vector<32x32xf32>
    %slice3A_419 = vector.extract_strided_slice %slice3A_414 {offsets = [0, 64], sizes = [32, 32], strides = [1, 1]} : vector<32x128xf32> to vector<32x32xf32>
    %transpose3A_420 = tpu.transpose %slice3A_419, [1, 0] : vector<32x32xf32> -> vector<32x32xf32>
    %slice3A_421 = vector.extract_strided_slice %slice3A_414 {offsets = [0, 96], sizes = [32, 32], strides = [1, 1]} : vector<32x128xf32> to vector<32x32xf32>
    %transpose3A_422 = tpu.transpose %slice3A_421, [1, 0] : vector<32x32xf32> -> vector<32x32xf32>
    %slice3A_423 = vector.extract_strided_slice %get3A_1 {offsets = [1504, 0], sizes = [32, 128], strides = [1, 1]} : vector<4096x128xf32> to vector<32x128xf32>
    %slice3A_424 = vector.extract_strided_slice %slice3A_423 {offsets = [0, 0], sizes = [32, 32], strides = [1, 1]} : vector<32x128xf32> to vector<32x32xf32>
    %transpose3A_425 = tpu.transpose %slice3A_424, [1, 0] : vector<32x32xf32> -> vector<32x32xf32>
    %slice3A_426 = vector.extract_strided_slice %slice3A_423 {offsets = [0, 32], sizes = [32, 32], strides = [1, 1]} : vector<32x128xf32> to vector<32x32xf32>
    %transpose3A_427 = tpu.transpose %slice3A_426, [1, 0] : vector<32x32xf32> -> vector<32x32xf32>
    %slice3A_428 = vector.extract_strided_slice %slice3A_423 {offsets = [0, 64], sizes = [32, 32], strides = [1, 1]} : vector<32x128xf32> to vector<32x32xf32>
    %transpose3A_429 = tpu.transpose %slice3A_428, [1, 0] : vector<32x32xf32> -> vector<32x32xf32>
    %slice3A_430 = vector.extract_strided_slice %slice3A_423 {offsets = [0, 96], sizes = [32, 32], strides = [1, 1]} : vector<32x128xf32> to vector<32x32xf32>
    %transpose3A_431 = tpu.transpose %slice3A_430, [1, 0] : vector<32x32xf32> -> vector<32x32xf32>
    %slice3A_432 = vector.extract_strided_slice %get3A_1 {offsets = [1536, 0], sizes = [32, 128], strides = [1, 1]} : vector<4096x128xf32> to vector<32x128xf32>
    %slice3A_433 = vector.extract_strided_slice %slice3A_432 {offsets = [0, 0], sizes = [32, 32], strides = [1, 1]} : vector<32x128xf32> to vector<32x32xf32>
    %transpose3A_434 = tpu.transpose %slice3A_433, [1, 0] : vector<32x32xf32> -> vector<32x32xf32>
    %slice3A_435 = vector.extract_strided_slice %slice3A_432 {offsets = [0, 32], sizes = [32, 32], strides = [1, 1]} : vector<32x128xf32> to vector<32x32xf32>
    %transpose3A_436 = tpu.transpose %slice3A_435, [1, 0] : vector<32x32xf32> -> vector<32x32xf32>
    %slice3A_437 = vector.extract_strided_slice %slice3A_432 {offsets = [0, 64], sizes = [32, 32], strides = [1, 1]} : vector<32x128xf32> to vector<32x32xf32>
    %transpose3A_438 = tpu.transpose %slice3A_437, [1, 0] : vector<32x32xf32> -> vector<32x32xf32>
    %slice3A_439 = vector.extract_strided_slice %slice3A_432 {offsets = [0, 96], sizes = [32, 32], strides = [1, 1]} : vector<32x128xf32> to vector<32x32xf32>
    %transpose3A_440 = tpu.transpose %slice3A_439, [1, 0] : vector<32x32xf32> -> vector<32x32xf32>
    %slice3A_441 = vector.extract_strided_slice %get3A_1 {offsets = [1568, 0], sizes = [32, 128], strides = [1, 1]} : vector<4096x128xf32> to vector<32x128xf32>
    %slice3A_442 = vector.extract_strided_slice %slice3A_441 {offsets = [0, 0], sizes = [32, 32], strides = [1, 1]} : vector<32x128xf32> to vector<32x32xf32>
    %transpose3A_443 = tpu.transpose %slice3A_442, [1, 0] : vector<32x32xf32> -> vector<32x32xf32>
    %slice3A_444 = vector.extract_strided_slice %slice3A_441 {offsets = [0, 32], sizes = [32, 32], strides = [1, 1]} : vector<32x128xf32> to vector<32x32xf32>
    %transpose3A_445 = tpu.transpose %slice3A_444, [1, 0] : vector<32x32xf32> -> vector<32x32xf32>
    %slice3A_446 = vector.extract_strided_slice %slice3A_441 {offsets = [0, 64], sizes = [32, 32], strides = [1, 1]} : vector<32x128xf32> to vector<32x32xf32>
    %transpose3A_447 = tpu.transpose %slice3A_446, [1, 0] : vector<32x32xf32> -> vector<32x32xf32>
    %slice3A_448 = vector.extract_strided_slice %slice3A_441 {offsets = [0, 96], sizes = [32, 32], strides = [1, 1]} : vector<32x128xf32> to vector<32x32xf32>
    %transpose3A_449 = tpu.transpose %slice3A_448, [1, 0] : vector<32x32xf32> -> vector<32x32xf32>
    %slice3A_450 = vector.extract_strided_slice %get3A_1 {offsets = [1600, 0], sizes = [32, 128], strides = [1, 1]} : vector<4096x128xf32> to vector<32x128xf32>
    %slice3A_451 = vector.extract_strided_slice %slice3A_450 {offsets = [0, 0], sizes = [32, 32], strides = [1, 1]} : vector<32x128xf32> to vector<32x32xf32>
    %transpose3A_452 = tpu.transpose %slice3A_451, [1, 0] : vector<32x32xf32> -> vector<32x32xf32>
    %slice3A_453 = vector.extract_strided_slice %slice3A_450 {offsets = [0, 32], sizes = [32, 32], strides = [1, 1]} : vector<32x128xf32> to vector<32x32xf32>
    %transpose3A_454 = tpu.transpose %slice3A_453, [1, 0] : vector<32x32xf32> -> vector<32x32xf32>
    %slice3A_455 = vector.extract_strided_slice %slice3A_450 {offsets = [0, 64], sizes = [32, 32], strides = [1, 1]} : vector<32x128xf32> to vector<32x32xf32>
    %transpose3A_456 = tpu.transpose %slice3A_455, [1, 0] : vector<32x32xf32> -> vector<32x32xf32>
    %slice3A_457 = vector.extract_strided_slice %slice3A_450 {offsets = [0, 96], sizes = [32, 32], strides = [1, 1]} : vector<32x128xf32> to vector<32x32xf32>
    %transpose3A_458 = tpu.transpose %slice3A_457, [1, 0] : vector<32x32xf32> -> vector<32x32xf32>
    %slice3A_459 = vector.extract_strided_slice %get3A_1 {offsets = [1632, 0], sizes = [32, 128], strides = [1, 1]} : vector<4096x128xf32> to vector<32x128xf32>
    %slice3A_460 = vector.extract_strided_slice %slice3A_459 {offsets = [0, 0], sizes = [32, 32], strides = [1, 1]} : vector<32x128xf32> to vector<32x32xf32>
    %transpose3A_461 = tpu.transpose %slice3A_460, [1, 0] : vector<32x32xf32> -> vector<32x32xf32>
    %slice3A_462 = vector.extract_strided_slice %slice3A_459 {offsets = [0, 32], sizes = [32, 32], strides = [1, 1]} : vector<32x128xf32> to vector<32x32xf32>
    %transpose3A_463 = tpu.transpose %slice3A_462, [1, 0] : vector<32x32xf32> -> vector<32x32xf32>
    %slice3A_464 = vector.extract_strided_slice %slice3A_459 {offsets = [0, 64], sizes = [32, 32], strides = [1, 1]} : vector<32x128xf32> to vector<32x32xf32>
    %transpose3A_465 = tpu.transpose %slice3A_464, [1, 0] : vector<32x32xf32> -> vector<32x32xf32>
    %slice3A_466 = vector.extract_strided_slice %slice3A_459 {offsets = [0, 96], sizes = [32, 32], strides = [1, 1]} : vector<32x128xf32> to vector<32x32xf32>
    %transpose3A_467 = tpu.transpose %slice3A_466, [1, 0] : vector<32x32xf32> -> vector<32x32xf32>
    %slice3A_468 = vector.extract_strided_slice %get3A_1 {offsets = [1664, 0], sizes = [32, 128], strides = [1, 1]} : vector<4096x128xf32> to vector<32x128xf32>
    %slice3A_469 = vector.extract_strided_slice %slice3A_468 {offsets = [0, 0], sizes = [32, 32], strides = [1, 1]} : vector<32x128xf32> to vector<32x32xf32>
    %transpose3A_470 = tpu.transpose %slice3A_469, [1, 0] : vector<32x32xf32> -> vector<32x32xf32>
    %slice3A_471 = vector.extract_strided_slice %slice3A_468 {offsets = [0, 32], sizes = [32, 32], strides = [1, 1]} : vector<32x128xf32> to vector<32x32xf32>
    %transpose3A_472 = tpu.transpose %slice3A_471, [1, 0] : vector<32x32xf32> -> vector<32x32xf32>
    %slice3A_473 = vector.extract_strided_slice %slice3A_468 {offsets = [0, 64], sizes = [32, 32], strides = [1, 1]} : vector<32x128xf32> to vector<32x32xf32>
    %transpose3A_474 = tpu.transpose %slice3A_473, [1, 0] : vector<32x32xf32> -> vector<32x32xf32>
    %slice3A_475 = vector.extract_strided_slice %slice3A_468 {offsets = [0, 96], sizes = [32, 32], strides = [1, 1]} : vector<32x128xf32> to vector<32x32xf32>
    %transpose3A_476 = tpu.transpose %slice3A_475, [1, 0] : vector<32x32xf32> -> vector<32x32xf32>
    %slice3A_477 = vector.extract_strided_slice %get3A_1 {offsets = [1696, 0], sizes = [32, 128], strides = [1, 1]} : vector<4096x128xf32> to vector<32x128xf32>
    %slice3A_478 = vector.extract_strided_slice %slice3A_477 {offsets = [0, 0], sizes = [32, 32], strides = [1, 1]} : vector<32x128xf32> to vector<32x32xf32>
    %transpose3A_479 = tpu.transpose %slice3A_478, [1, 0] : vector<32x32xf32> -> vector<32x32xf32>
    %slice3A_480 = vector.extract_strided_slice %slice3A_477 {offsets = [0, 32], sizes = [32, 32], strides = [1, 1]} : vector<32x128xf32> to vector<32x32xf32>
    %transpose3A_481 = tpu.transpose %slice3A_480, [1, 0] : vector<32x32xf32> -> vector<32x32xf32>
    %slice3A_482 = vector.extract_strided_slice %slice3A_477 {offsets = [0, 64], sizes = [32, 32], strides = [1, 1]} : vector<32x128xf32> to vector<32x32xf32>
    %transpose3A_483 = tpu.transpose %slice3A_482, [1, 0] : vector<32x32xf32> -> vector<32x32xf32>
    %slice3A_484 = vector.extract_strided_slice %slice3A_477 {offsets = [0, 96], sizes = [32, 32], strides = [1, 1]} : vector<32x128xf32> to vector<32x32xf32>
    %transpose3A_485 = tpu.transpose %slice3A_484, [1, 0] : vector<32x32xf32> -> vector<32x32xf32>
    %slice3A_486 = vector.extract_strided_slice %get3A_1 {offsets = [1728, 0], sizes = [32, 128], strides = [1, 1]} : vector<4096x128xf32> to vector<32x128xf32>
    %slice3A_487 = vector.extract_strided_slice %slice3A_486 {offsets = [0, 0], sizes = [32, 32], strides = [1, 1]} : vector<32x128xf32> to vector<32x32xf32>
    %transpose3A_488 = tpu.transpose %slice3A_487, [1, 0] : vector<32x32xf32> -> vector<32x32xf32>
    %slice3A_489 = vector.extract_strided_slice %slice3A_486 {offsets = [0, 32], sizes = [32, 32], strides = [1, 1]} : vector<32x128xf32> to vector<32x32xf32>
    %transpose3A_490 = tpu.transpose %slice3A_489, [1, 0] : vector<32x32xf32> -> vector<32x32xf32>
    %slice3A_491 = vector.extract_strided_slice %slice3A_486 {offsets = [0, 64], sizes = [32, 32], strides = [1, 1]} : vector<32x128xf32> to vector<32x32xf32>
    %transpose3A_492 = tpu.transpose %slice3A_491, [1, 0] : vector<32x32xf32> -> vector<32x32xf32>
    %slice3A_493 = vector.extract_strided_slice %slice3A_486 {offsets = [0, 96], sizes = [32, 32], strides = [1, 1]} : vector<32x128xf32> to vector<32x32xf32>
    %transpose3A_494 = tpu.transpose %slice3A_493, [1, 0] : vector<32x32xf32> -> vector<32x32xf32>
    %slice3A_495 = vector.extract_strided_slice %get3A_1 {offsets = [1760, 0], sizes = [32, 128], strides = [1, 1]} : vector<4096x128xf32> to vector<32x128xf32>
    %slice3A_496 = vector.extract_strided_slice %slice3A_495 {offsets = [0, 0], sizes = [32, 32], strides = [1, 1]} : vector<32x128xf32> to vector<32x32xf32>
    %transpose3A_497 = tpu.transpose %slice3A_496, [1, 0] : vector<32x32xf32> -> vector<32x32xf32>
    %slice3A_498 = vector.extract_strided_slice %slice3A_495 {offsets = [0, 32], sizes = [32, 32], strides = [1, 1]} : vector<32x128xf32> to vector<32x32xf32>
    %transpose3A_499 = tpu.transpose %slice3A_498, [1, 0] : vector<32x32xf32> -> vector<32x32xf32>
    %slice3A_500 = vector.extract_strided_slice %slice3A_495 {offsets = [0, 64], sizes = [32, 32], strides = [1, 1]} : vector<32x128xf32> to vector<32x32xf32>
    %transpose3A_501 = tpu.transpose %slice3A_500, [1, 0] : vector<32x32xf32> -> vector<32x32xf32>
    %slice3A_502 = vector.extract_strided_slice %slice3A_495 {offsets = [0, 96], sizes = [32, 32], strides = [1, 1]} : vector<32x128xf32> to vector<32x32xf32>
    %transpose3A_503 = tpu.transpose %slice3A_502, [1, 0] : vector<32x32xf32> -> vector<32x32xf32>
    %slice3A_504 = vector.extract_strided_slice %get3A_1 {offsets = [1792, 0], sizes = [32, 128], strides = [1, 1]} : vector<4096x128xf32> to vector<32x128xf32>
    %slice3A_505 = vector.extract_strided_slice %slice3A_504 {offsets = [0, 0], sizes = [32, 32], strides = [1, 1]} : vector<32x128xf32> to vector<32x32xf32>
    %transpose3A_506 = tpu.transpose %slice3A_505, [1, 0] : vector<32x32xf32> -> vector<32x32xf32>
    %slice3A_507 = vector.extract_strided_slice %slice3A_504 {offsets = [0, 32], sizes = [32, 32], strides = [1, 1]} : vector<32x128xf32> to vector<32x32xf32>
    %transpose3A_508 = tpu.transpose %slice3A_507, [1, 0] : vector<32x32xf32> -> vector<32x32xf32>
    %slice3A_509 = vector.extract_strided_slice %slice3A_504 {offsets = [0, 64], sizes = [32, 32], strides = [1, 1]} : vector<32x128xf32> to vector<32x32xf32>
    %transpose3A_510 = tpu.transpose %slice3A_509, [1, 0] : vector<32x32xf32> -> vector<32x32xf32>
    %slice3A_511 = vector.extract_strided_slice %slice3A_504 {offsets = [0, 96], sizes = [32, 32], strides = [1, 1]} : vector<32x128xf32> to vector<32x32xf32>
    %transpose3A_512 = tpu.transpose %slice3A_511, [1, 0] : vector<32x32xf32> -> vector<32x32xf32>
    %slice3A_513 = vector.extract_strided_slice %get3A_1 {offsets = [1824, 0], sizes = [32, 128], strides = [1, 1]} : vector<4096x128xf32> to vector<32x128xf32>
    %slice3A_514 = vector.extract_strided_slice %slice3A_513 {offsets = [0, 0], sizes = [32, 32], strides = [1, 1]} : vector<32x128xf32> to vector<32x32xf32>
    %transpose3A_515 = tpu.transpose %slice3A_514, [1, 0] : vector<32x32xf32> -> vector<32x32xf32>
    %slice3A_516 = vector.extract_strided_slice %slice3A_513 {offsets = [0, 32], sizes = [32, 32], strides = [1, 1]} : vector<32x128xf32> to vector<32x32xf32>
    %transpose3A_517 = tpu.transpose %slice3A_516, [1, 0] : vector<32x32xf32> -> vector<32x32xf32>
    %slice3A_518 = vector.extract_strided_slice %slice3A_513 {offsets = [0, 64], sizes = [32, 32], strides = [1, 1]} : vector<32x128xf32> to vector<32x32xf32>
    %transpose3A_519 = tpu.transpose %slice3A_518, [1, 0] : vector<32x32xf32> -> vector<32x32xf32>
    %slice3A_520 = vector.extract_strided_slice %slice3A_513 {offsets = [0, 96], sizes = [32, 32], strides = [1, 1]} : vector<32x128xf32> to vector<32x32xf32>
    %transpose3A_521 = tpu.transpose %slice3A_520, [1, 0] : vector<32x32xf32> -> vector<32x32xf32>
    %slice3A_522 = vector.extract_strided_slice %get3A_1 {offsets = [1856, 0], sizes = [32, 128], strides = [1, 1]} : vector<4096x128xf32> to vector<32x128xf32>
    %slice3A_523 = vector.extract_strided_slice %slice3A_522 {offsets = [0, 0], sizes = [32, 32], strides = [1, 1]} : vector<32x128xf32> to vector<32x32xf32>
    %transpose3A_524 = tpu.transpose %slice3A_523, [1, 0] : vector<32x32xf32> -> vector<32x32xf32>
    %slice3A_525 = vector.extract_strided_slice %slice3A_522 {offsets = [0, 32], sizes = [32, 32], strides = [1, 1]} : vector<32x128xf32> to vector<32x32xf32>
    %transpose3A_526 = tpu.transpose %slice3A_525, [1, 0] : vector<32x32xf32> -> vector<32x32xf32>
    %slice3A_527 = vector.extract_strided_slice %slice3A_522 {offsets = [0, 64], sizes = [32, 32], strides = [1, 1]} : vector<32x128xf32> to vector<32x32xf32>
    %transpose3A_528 = tpu.transpose %slice3A_527, [1, 0] : vector<32x32xf32> -> vector<32x32xf32>
    %slice3A_529 = vector.extract_strided_slice %slice3A_522 {offsets = [0, 96], sizes = [32, 32], strides = [1, 1]} : vector<32x128xf32> to vector<32x32xf32>
    %transpose3A_530 = tpu.transpose %slice3A_529, [1, 0] : vector<32x32xf32> -> vector<32x32xf32>
    %slice3A_531 = vector.extract_strided_slice %get3A_1 {offsets = [1888, 0], sizes = [32, 128], strides = [1, 1]} : vector<4096x128xf32> to vector<32x128xf32>
    %slice3A_532 = vector.extract_strided_slice %slice3A_531 {offsets = [0, 0], sizes = [32, 32], strides = [1, 1]} : vector<32x128xf32> to vector<32x32xf32>
    %transpose3A_533 = tpu.transpose %slice3A_532, [1, 0] : vector<32x32xf32> -> vector<32x32xf32>
    %slice3A_534 = vector.extract_strided_slice %slice3A_531 {offsets = [0, 32], sizes = [32, 32], strides = [1, 1]} : vector<32x128xf32> to vector<32x32xf32>
    %transpose3A_535 = tpu.transpose %slice3A_534, [1, 0] : vector<32x32xf32> -> vector<32x32xf32>
    %slice3A_536 = vector.extract_strided_slice %slice3A_531 {offsets = [0, 64], sizes = [32, 32], strides = [1, 1]} : vector<32x128xf32> to vector<32x32xf32>
    %transpose3A_537 = tpu.transpose %slice3A_536, [1, 0] : vector<32x32xf32> -> vector<32x32xf32>
    %slice3A_538 = vector.extract_strided_slice %slice3A_531 {offsets = [0, 96], sizes = [32, 32], strides = [1, 1]} : vector<32x128xf32> to vector<32x32xf32>
    %transpose3A_539 = tpu.transpose %slice3A_538, [1, 0] : vector<32x32xf32> -> vector<32x32xf32>
    %slice3A_540 = vector.extract_strided_slice %get3A_1 {offsets = [1920, 0], sizes = [32, 128], strides = [1, 1]} : vector<4096x128xf32> to vector<32x128xf32>
    %slice3A_541 = vector.extract_strided_slice %slice3A_540 {offsets = [0, 0], sizes = [32, 32], strides = [1, 1]} : vector<32x128xf32> to vector<32x32xf32>
    %transpose3A_542 = tpu.transpose %slice3A_541, [1, 0] : vector<32x32xf32> -> vector<32x32xf32>
    %slice3A_543 = vector.extract_strided_slice %slice3A_540 {offsets = [0, 32], sizes = [32, 32], strides = [1, 1]} : vector<32x128xf32> to vector<32x32xf32>
    %transpose3A_544 = tpu.transpose %slice3A_543, [1, 0] : vector<32x32xf32> -> vector<32x32xf32>
    %slice3A_545 = vector.extract_strided_slice %slice3A_540 {offsets = [0, 64], sizes = [32, 32], strides = [1, 1]} : vector<32x128xf32> to vector<32x32xf32>
    %transpose3A_546 = tpu.transpose %slice3A_545, [1, 0] : vector<32x32xf32> -> vector<32x32xf32>
    %slice3A_547 = vector.extract_strided_slice %slice3A_540 {offsets = [0, 96], sizes = [32, 32], strides = [1, 1]} : vector<32x128xf32> to vector<32x32xf32>
    %transpose3A_548 = tpu.transpose %slice3A_547, [1, 0] : vector<32x32xf32> -> vector<32x32xf32>
    %slice3A_549 = vector.extract_strided_slice %get3A_1 {offsets = [1952, 0], sizes = [32, 128], strides = [1, 1]} : vector<4096x128xf32> to vector<32x128xf32>
    %slice3A_550 = vector.extract_strided_slice %slice3A_549 {offsets = [0, 0], sizes = [32, 32], strides = [1, 1]} : vector<32x128xf32> to vector<32x32xf32>
    %transpose3A_551 = tpu.transpose %slice3A_550, [1, 0] : vector<32x32xf32> -> vector<32x32xf32>
    %slice3A_552 = vector.extract_strided_slice %slice3A_549 {offsets = [0, 32], sizes = [32, 32], strides = [1, 1]} : vector<32x128xf32> to vector<32x32xf32>
    %transpose3A_553 = tpu.transpose %slice3A_552, [1, 0] : vector<32x32xf32> -> vector<32x32xf32>
    %slice3A_554 = vector.extract_strided_slice %slice3A_549 {offsets = [0, 64], sizes = [32, 32], strides = [1, 1]} : vector<32x128xf32> to vector<32x32xf32>
    %transpose3A_555 = tpu.transpose %slice3A_554, [1, 0] : vector<32x32xf32> -> vector<32x32xf32>
    %slice3A_556 = vector.extract_strided_slice %slice3A_549 {offsets = [0, 96], sizes = [32, 32], strides = [1, 1]} : vector<32x128xf32> to vector<32x32xf32>
    %transpose3A_557 = tpu.transpose %slice3A_556, [1, 0] : vector<32x32xf32> -> vector<32x32xf32>
    %slice3A_558 = vector.extract_strided_slice %get3A_1 {offsets = [1984, 0], sizes = [32, 128], strides = [1, 1]} : vector<4096x128xf32> to vector<32x128xf32>
    %slice3A_559 = vector.extract_strided_slice %slice3A_558 {offsets = [0, 0], sizes = [32, 32], strides = [1, 1]} : vector<32x128xf32> to vector<32x32xf32>
    %transpose3A_560 = tpu.transpose %slice3A_559, [1, 0] : vector<32x32xf32> -> vector<32x32xf32>
    %slice3A_561 = vector.extract_strided_slice %slice3A_558 {offsets = [0, 32], sizes = [32, 32], strides = [1, 1]} : vector<32x128xf32> to vector<32x32xf32>
    %transpose3A_562 = tpu.transpose %slice3A_561, [1, 0] : vector<32x32xf32> -> vector<32x32xf32>
    %slice3A_563 = vector.extract_strided_slice %slice3A_558 {offsets = [0, 64], sizes = [32, 32], strides = [1, 1]} : vector<32x128xf32> to vector<32x32xf32>
    %transpose3A_564 = tpu.transpose %slice3A_563, [1, 0] : vector<32x32xf32> -> vector<32x32xf32>
    %slice3A_565 = vector.extract_strided_slice %slice3A_558 {offsets = [0, 96], sizes = [32, 32], strides = [1, 1]} : vector<32x128xf32> to vector<32x32xf32>
    %transpose3A_566 = tpu.transpose %slice3A_565, [1, 0] : vector<32x32xf32> -> vector<32x32xf32>
    %slice3A_567 = vector.extract_strided_slice %get3A_1 {offsets = [2016, 0], sizes = [32, 128], strides = [1, 1]} : vector<4096x128xf32> to vector<32x128xf32>
    %slice3A_568 = vector.extract_strided_slice %slice3A_567 {offsets = [0, 0], sizes = [32, 32], strides = [1, 1]} : vector<32x128xf32> to vector<32x32xf32>
    %transpose3A_569 = tpu.transpose %slice3A_568, [1, 0] : vector<32x32xf32> -> vector<32x32xf32>
    %slice3A_570 = vector.extract_strided_slice %slice3A_567 {offsets = [0, 32], sizes = [32, 32], strides = [1, 1]} : vector<32x128xf32> to vector<32x32xf32>
    %transpose3A_571 = tpu.transpose %slice3A_570, [1, 0] : vector<32x32xf32> -> vector<32x32xf32>
    %slice3A_572 = vector.extract_strided_slice %slice3A_567 {offsets = [0, 64], sizes = [32, 32], strides = [1, 1]} : vector<32x128xf32> to vector<32x32xf32>
    %transpose3A_573 = tpu.transpose %slice3A_572, [1, 0] : vector<32x32xf32> -> vector<32x32xf32>
    %slice3A_574 = vector.extract_strided_slice %slice3A_567 {offsets = [0, 96], sizes = [32, 32], strides = [1, 1]} : vector<32x128xf32> to vector<32x32xf32>
    %transpose3A_575 = tpu.transpose %slice3A_574, [1, 0] : vector<32x32xf32> -> vector<32x32xf32>
    %slice3A_576 = vector.extract_strided_slice %get3A_1 {offsets = [2048, 0], sizes = [32, 128], strides = [1, 1]} : vector<4096x128xf32> to vector<32x128xf32>
    %slice3A_577 = vector.extract_strided_slice %slice3A_576 {offsets = [0, 0], sizes = [32, 32], strides = [1, 1]} : vector<32x128xf32> to vector<32x32xf32>
    %transpose3A_578 = tpu.transpose %slice3A_577, [1, 0] : vector<32x32xf32> -> vector<32x32xf32>
    %slice3A_579 = vector.extract_strided_slice %slice3A_576 {offsets = [0, 32], sizes = [32, 32], strides = [1, 1]} : vector<32x128xf32> to vector<32x32xf32>
    %transpose3A_580 = tpu.transpose %slice3A_579, [1, 0] : vector<32x32xf32> -> vector<32x32xf32>
    %slice3A_581 = vector.extract_strided_slice %slice3A_576 {offsets = [0, 64], sizes = [32, 32], strides = [1, 1]} : vector<32x128xf32> to vector<32x32xf32>
    %transpose3A_582 = tpu.transpose %slice3A_581, [1, 0] : vector<32x32xf32> -> vector<32x32xf32>
    %slice3A_583 = vector.extract_strided_slice %slice3A_576 {offsets = [0, 96], sizes = [32, 32], strides = [1, 1]} : vector<32x128xf32> to vector<32x32xf32>
    %transpose3A_584 = tpu.transpose %slice3A_583, [1, 0] : vector<32x32xf32> -> vector<32x32xf32>
    %slice3A_585 = vector.extract_strided_slice %get3A_1 {offsets = [2080, 0], sizes = [32, 128], strides = [1, 1]} : vector<4096x128xf32> to vector<32x128xf32>
    %slice3A_586 = vector.extract_strided_slice %slice3A_585 {offsets = [0, 0], sizes = [32, 32], strides = [1, 1]} : vector<32x128xf32> to vector<32x32xf32>
    %transpose3A_587 = tpu.transpose %slice3A_586, [1, 0] : vector<32x32xf32> -> vector<32x32xf32>
    %slice3A_588 = vector.extract_strided_slice %slice3A_585 {offsets = [0, 32], sizes = [32, 32], strides = [1, 1]} : vector<32x128xf32> to vector<32x32xf32>
    %transpose3A_589 = tpu.transpose %slice3A_588, [1, 0] : vector<32x32xf32> -> vector<32x32xf32>
    %slice3A_590 = vector.extract_strided_slice %slice3A_585 {offsets = [0, 64], sizes = [32, 32], strides = [1, 1]} : vector<32x128xf32> to vector<32x32xf32>
    %transpose3A_591 = tpu.transpose %slice3A_590, [1, 0] : vector<32x32xf32> -> vector<32x32xf32>
    %slice3A_592 = vector.extract_strided_slice %slice3A_585 {offsets = [0, 96], sizes = [32, 32], strides = [1, 1]} : vector<32x128xf32> to vector<32x32xf32>
    %transpose3A_593 = tpu.transpose %slice3A_592, [1, 0] : vector<32x32xf32> -> vector<32x32xf32>
    %slice3A_594 = vector.extract_strided_slice %get3A_1 {offsets = [2112, 0], sizes = [32, 128], strides = [1, 1]} : vector<4096x128xf32> to vector<32x128xf32>
    %slice3A_595 = vector.extract_strided_slice %slice3A_594 {offsets = [0, 0], sizes = [32, 32], strides = [1, 1]} : vector<32x128xf32> to vector<32x32xf32>
    %transpose3A_596 = tpu.transpose %slice3A_595, [1, 0] : vector<32x32xf32> -> vector<32x32xf32>
    %slice3A_597 = vector.extract_strided_slice %slice3A_594 {offsets = [0, 32], sizes = [32, 32], strides = [1, 1]} : vector<32x128xf32> to vector<32x32xf32>
    %transpose3A_598 = tpu.transpose %slice3A_597, [1, 0] : vector<32x32xf32> -> vector<32x32xf32>
    %slice3A_599 = vector.extract_strided_slice %slice3A_594 {offsets = [0, 64], sizes = [32, 32], strides = [1, 1]} : vector<32x128xf32> to vector<32x32xf32>
    %transpose3A_600 = tpu.transpose %slice3A_599, [1, 0] : vector<32x32xf32> -> vector<32x32xf32>
    %slice3A_601 = vector.extract_strided_slice %slice3A_594 {offsets = [0, 96], sizes = [32, 32], strides = [1, 1]} : vector<32x128xf32> to vector<32x32xf32>
    %transpose3A_602 = tpu.transpose %slice3A_601, [1, 0] : vector<32x32xf32> -> vector<32x32xf32>
    %slice3A_603 = vector.extract_strided_slice %get3A_1 {offsets = [2144, 0], sizes = [32, 128], strides = [1, 1]} : vector<4096x128xf32> to vector<32x128xf32>
    %slice3A_604 = vector.extract_strided_slice %slice3A_603 {offsets = [0, 0], sizes = [32, 32], strides = [1, 1]} : vector<32x128xf32> to vector<32x32xf32>
    %transpose3A_605 = tpu.transpose %slice3A_604, [1, 0] : vector<32x32xf32> -> vector<32x32xf32>
    %slice3A_606 = vector.extract_strided_slice %slice3A_603 {offsets = [0, 32], sizes = [32, 32], strides = [1, 1]} : vector<32x128xf32> to vector<32x32xf32>
    %transpose3A_607 = tpu.transpose %slice3A_606, [1, 0] : vector<32x32xf32> -> vector<32x32xf32>
    %slice3A_608 = vector.extract_strided_slice %slice3A_603 {offsets = [0, 64], sizes = [32, 32], strides = [1, 1]} : vector<32x128xf32> to vector<32x32xf32>
    %transpose3A_609 = tpu.transpose %slice3A_608, [1, 0] : vector<32x32xf32> -> vector<32x32xf32>
    %slice3A_610 = vector.extract_strided_slice %slice3A_603 {offsets = [0, 96], sizes = [32, 32], strides = [1, 1]} : vector<32x128xf32> to vector<32x32xf32>
    %transpose3A_611 = tpu.transpose %slice3A_610, [1, 0] : vector<32x32xf32> -> vector<32x32xf32>
    %slice3A_612 = vector.extract_strided_slice %get3A_1 {offsets = [2176, 0], sizes = [32, 128], strides = [1, 1]} : vector<4096x128xf32> to vector<32x128xf32>
    %slice3A_613 = vector.extract_strided_slice %slice3A_612 {offsets = [0, 0], sizes = [32, 32], strides = [1, 1]} : vector<32x128xf32> to vector<32x32xf32>
    %transpose3A_614 = tpu.transpose %slice3A_613, [1, 0] : vector<32x32xf32> -> vector<32x32xf32>
    %slice3A_615 = vector.extract_strided_slice %slice3A_612 {offsets = [0, 32], sizes = [32, 32], strides = [1, 1]} : vector<32x128xf32> to vector<32x32xf32>
    %transpose3A_616 = tpu.transpose %slice3A_615, [1, 0] : vector<32x32xf32> -> vector<32x32xf32>
    %slice3A_617 = vector.extract_strided_slice %slice3A_612 {offsets = [0, 64], sizes = [32, 32], strides = [1, 1]} : vector<32x128xf32> to vector<32x32xf32>
    %transpose3A_618 = tpu.transpose %slice3A_617, [1, 0] : vector<32x32xf32> -> vector<32x32xf32>
    %slice3A_619 = vector.extract_strided_slice %slice3A_612 {offsets = [0, 96], sizes = [32, 32], strides = [1, 1]} : vector<32x128xf32> to vector<32x32xf32>
    %transpose3A_620 = tpu.transpose %slice3A_619, [1, 0] : vector<32x32xf32> -> vector<32x32xf32>
    %slice3A_621 = vector.extract_strided_slice %get3A_1 {offsets = [2208, 0], sizes = [32, 128], strides = [1, 1]} : vector<4096x128xf32> to vector<32x128xf32>
    %slice3A_622 = vector.extract_strided_slice %slice3A_621 {offsets = [0, 0], sizes = [32, 32], strides = [1, 1]} : vector<32x128xf32> to vector<32x32xf32>
    %transpose3A_623 = tpu.transpose %slice3A_622, [1, 0] : vector<32x32xf32> -> vector<32x32xf32>
    %slice3A_624 = vector.extract_strided_slice %slice3A_621 {offsets = [0, 32], sizes = [32, 32], strides = [1, 1]} : vector<32x128xf32> to vector<32x32xf32>
    %transpose3A_625 = tpu.transpose %slice3A_624, [1, 0] : vector<32x32xf32> -> vector<32x32xf32>
    %slice3A_626 = vector.extract_strided_slice %slice3A_621 {offsets = [0, 64], sizes = [32, 32], strides = [1, 1]} : vector<32x128xf32> to vector<32x32xf32>
    %transpose3A_627 = tpu.transpose %slice3A_626, [1, 0] : vector<32x32xf32> -> vector<32x32xf32>
    %slice3A_628 = vector.extract_strided_slice %slice3A_621 {offsets = [0, 96], sizes = [32, 32], strides = [1, 1]} : vector<32x128xf32> to vector<32x32xf32>
    %transpose3A_629 = tpu.transpose %slice3A_628, [1, 0] : vector<32x32xf32> -> vector<32x32xf32>
    %slice3A_630 = vector.extract_strided_slice %get3A_1 {offsets = [2240, 0], sizes = [32, 128], strides = [1, 1]} : vector<4096x128xf32> to vector<32x128xf32>
    %slice3A_631 = vector.extract_strided_slice %slice3A_630 {offsets = [0, 0], sizes = [32, 32], strides = [1, 1]} : vector<32x128xf32> to vector<32x32xf32>
    %transpose3A_632 = tpu.transpose %slice3A_631, [1, 0] : vector<32x32xf32> -> vector<32x32xf32>
    %slice3A_633 = vector.extract_strided_slice %slice3A_630 {offsets = [0, 32], sizes = [32, 32], strides = [1, 1]} : vector<32x128xf32> to vector<32x32xf32>
    %transpose3A_634 = tpu.transpose %slice3A_633, [1, 0] : vector<32x32xf32> -> vector<32x32xf32>
    %slice3A_635 = vector.extract_strided_slice %slice3A_630 {offsets = [0, 64], sizes = [32, 32], strides = [1, 1]} : vector<32x128xf32> to vector<32x32xf32>
    %transpose3A_636 = tpu.transpose %slice3A_635, [1, 0] : vector<32x32xf32> -> vector<32x32xf32>
    %slice3A_637 = vector.extract_strided_slice %slice3A_630 {offsets = [0, 96], sizes = [32, 32], strides = [1, 1]} : vector<32x128xf32> to vector<32x32xf32>
    %transpose3A_638 = tpu.transpose %slice3A_637, [1, 0] : vector<32x32xf32> -> vector<32x32xf32>
    %slice3A_639 = vector.extract_strided_slice %get3A_1 {offsets = [2272, 0], sizes = [32, 128], strides = [1, 1]} : vector<4096x128xf32> to vector<32x128xf32>
    %slice3A_640 = vector.extract_strided_slice %slice3A_639 {offsets = [0, 0], sizes = [32, 32], strides = [1, 1]} : vector<32x128xf32> to vector<32x32xf32>
    %transpose3A_641 = tpu.transpose %slice3A_640, [1, 0] : vector<32x32xf32> -> vector<32x32xf32>
    %slice3A_642 = vector.extract_strided_slice %slice3A_639 {offsets = [0, 32], sizes = [32, 32], strides = [1, 1]} : vector<32x128xf32> to vector<32x32xf32>
    %transpose3A_643 = tpu.transpose %slice3A_642, [1, 0] : vector<32x32xf32> -> vector<32x32xf32>
    %slice3A_644 = vector.extract_strided_slice %slice3A_639 {offsets = [0, 64], sizes = [32, 32], strides = [1, 1]} : vector<32x128xf32> to vector<32x32xf32>
    %transpose3A_645 = tpu.transpose %slice3A_644, [1, 0] : vector<32x32xf32> -> vector<32x32xf32>
    %slice3A_646 = vector.extract_strided_slice %slice3A_639 {offsets = [0, 96], sizes = [32, 32], strides = [1, 1]} : vector<32x128xf32> to vector<32x32xf32>
    %transpose3A_647 = tpu.transpose %slice3A_646, [1, 0] : vector<32x32xf32> -> vector<32x32xf32>
    %slice3A_648 = vector.extract_strided_slice %get3A_1 {offsets = [2304, 0], sizes = [32, 128], strides = [1, 1]} : vector<4096x128xf32> to vector<32x128xf32>
    %slice3A_649 = vector.extract_strided_slice %slice3A_648 {offsets = [0, 0], sizes = [32, 32], strides = [1, 1]} : vector<32x128xf32> to vector<32x32xf32>
    %transpose3A_650 = tpu.transpose %slice3A_649, [1, 0] : vector<32x32xf32> -> vector<32x32xf32>
    %slice3A_651 = vector.extract_strided_slice %slice3A_648 {offsets = [0, 32], sizes = [32, 32], strides = [1, 1]} : vector<32x128xf32> to vector<32x32xf32>
    %transpose3A_652 = tpu.transpose %slice3A_651, [1, 0] : vector<32x32xf32> -> vector<32x32xf32>
    %slice3A_653 = vector.extract_strided_slice %slice3A_648 {offsets = [0, 64], sizes = [32, 32], strides = [1, 1]} : vector<32x128xf32> to vector<32x32xf32>
    %transpose3A_654 = tpu.transpose %slice3A_653, [1, 0] : vector<32x32xf32> -> vector<32x32xf32>
    %slice3A_655 = vector.extract_strided_slice %slice3A_648 {offsets = [0, 96], sizes = [32, 32], strides = [1, 1]} : vector<32x128xf32> to vector<32x32xf32>
    %transpose3A_656 = tpu.transpose %slice3A_655, [1, 0] : vector<32x32xf32> -> vector<32x32xf32>
    %slice3A_657 = vector.extract_strided_slice %get3A_1 {offsets = [2336, 0], sizes = [32, 128], strides = [1, 1]} : vector<4096x128xf32> to vector<32x128xf32>
    %slice3A_658 = vector.extract_strided_slice %slice3A_657 {offsets = [0, 0], sizes = [32, 32], strides = [1, 1]} : vector<32x128xf32> to vector<32x32xf32>
    %transpose3A_659 = tpu.transpose %slice3A_658, [1, 0] : vector<32x32xf32> -> vector<32x32xf32>
    %slice3A_660 = vector.extract_strided_slice %slice3A_657 {offsets = [0, 32], sizes = [32, 32], strides = [1, 1]} : vector<32x128xf32> to vector<32x32xf32>
    %transpose3A_661 = tpu.transpose %slice3A_660, [1, 0] : vector<32x32xf32> -> vector<32x32xf32>
    %slice3A_662 = vector.extract_strided_slice %slice3A_657 {offsets = [0, 64], sizes = [32, 32], strides = [1, 1]} : vector<32x128xf32> to vector<32x32xf32>
    %transpose3A_663 = tpu.transpose %slice3A_662, [1, 0] : vector<32x32xf32> -> vector<32x32xf32>
    %slice3A_664 = vector.extract_strided_slice %slice3A_657 {offsets = [0, 96], sizes = [32, 32], strides = [1, 1]} : vector<32x128xf32> to vector<32x32xf32>
    %transpose3A_665 = tpu.transpose %slice3A_664, [1, 0] : vector<32x32xf32> -> vector<32x32xf32>
    %slice3A_666 = vector.extract_strided_slice %get3A_1 {offsets = [2368, 0], sizes = [32, 128], strides = [1, 1]} : vector<4096x128xf32> to vector<32x128xf32>
    %slice3A_667 = vector.extract_strided_slice %slice3A_666 {offsets = [0, 0], sizes = [32, 32], strides = [1, 1]} : vector<32x128xf32> to vector<32x32xf32>
    %transpose3A_668 = tpu.transpose %slice3A_667, [1, 0] : vector<32x32xf32> -> vector<32x32xf32>
    %slice3A_669 = vector.extract_strided_slice %slice3A_666 {offsets = [0, 32], sizes = [32, 32], strides = [1, 1]} : vector<32x128xf32> to vector<32x32xf32>
    %transpose3A_670 = tpu.transpose %slice3A_669, [1, 0] : vector<32x32xf32> -> vector<32x32xf32>
    %slice3A_671 = vector.extract_strided_slice %slice3A_666 {offsets = [0, 64], sizes = [32, 32], strides = [1, 1]} : vector<32x128xf32> to vector<32x32xf32>
    %transpose3A_672 = tpu.transpose %slice3A_671, [1, 0] : vector<32x32xf32> -> vector<32x32xf32>
    %slice3A_673 = vector.extract_strided_slice %slice3A_666 {offsets = [0, 96], sizes = [32, 32], strides = [1, 1]} : vector<32x128xf32> to vector<32x32xf32>
    %transpose3A_674 = tpu.transpose %slice3A_673, [1, 0] : vector<32x32xf32> -> vector<32x32xf32>
    %slice3A_675 = vector.extract_strided_slice %get3A_1 {offsets = [2400, 0], sizes = [32, 128], strides = [1, 1]} : vector<4096x128xf32> to vector<32x128xf32>
    %slice3A_676 = vector.extract_strided_slice %slice3A_675 {offsets = [0, 0], sizes = [32, 32], strides = [1, 1]} : vector<32x128xf32> to vector<32x32xf32>
    %transpose3A_677 = tpu.transpose %slice3A_676, [1, 0] : vector<32x32xf32> -> vector<32x32xf32>
    %slice3A_678 = vector.extract_strided_slice %slice3A_675 {offsets = [0, 32], sizes = [32, 32], strides = [1, 1]} : vector<32x128xf32> to vector<32x32xf32>
    %transpose3A_679 = tpu.transpose %slice3A_678, [1, 0] : vector<32x32xf32> -> vector<32x32xf32>
    %slice3A_680 = vector.extract_strided_slice %slice3A_675 {offsets = [0, 64], sizes = [32, 32], strides = [1, 1]} : vector<32x128xf32> to vector<32x32xf32>
    %transpose3A_681 = tpu.transpose %slice3A_680, [1, 0] : vector<32x32xf32> -> vector<32x32xf32>
    %slice3A_682 = vector.extract_strided_slice %slice3A_675 {offsets = [0, 96], sizes = [32, 32], strides = [1, 1]} : vector<32x128xf32> to vector<32x32xf32>
    %transpose3A_683 = tpu.transpose %slice3A_682, [1, 0] : vector<32x32xf32> -> vector<32x32xf32>
    %slice3A_684 = vector.extract_strided_slice %get3A_1 {offsets = [2432, 0], sizes = [32, 128], strides = [1, 1]} : vector<4096x128xf32> to vector<32x128xf32>
    %slice3A_685 = vector.extract_strided_slice %slice3A_684 {offsets = [0, 0], sizes = [32, 32], strides = [1, 1]} : vector<32x128xf32> to vector<32x32xf32>
    %transpose3A_686 = tpu.transpose %slice3A_685, [1, 0] : vector<32x32xf32> -> vector<32x32xf32>
    %slice3A_687 = vector.extract_strided_slice %slice3A_684 {offsets = [0, 32], sizes = [32, 32], strides = [1, 1]} : vector<32x128xf32> to vector<32x32xf32>
    %transpose3A_688 = tpu.transpose %slice3A_687, [1, 0] : vector<32x32xf32> -> vector<32x32xf32>
    %slice3A_689 = vector.extract_strided_slice %slice3A_684 {offsets = [0, 64], sizes = [32, 32], strides = [1, 1]} : vector<32x128xf32> to vector<32x32xf32>
    %transpose3A_690 = tpu.transpose %slice3A_689, [1, 0] : vector<32x32xf32> -> vector<32x32xf32>
    %slice3A_691 = vector.extract_strided_slice %slice3A_684 {offsets = [0, 96], sizes = [32, 32], strides = [1, 1]} : vector<32x128xf32> to vector<32x32xf32>
    %transpose3A_692 = tpu.transpose %slice3A_691, [1, 0] : vector<32x32xf32> -> vector<32x32xf32>
    %slice3A_693 = vector.extract_strided_slice %get3A_1 {offsets = [2464, 0], sizes = [32, 128], strides = [1, 1]} : vector<4096x128xf32> to vector<32x128xf32>
    %slice3A_694 = vector.extract_strided_slice %slice3A_693 {offsets = [0, 0], sizes = [32, 32], strides = [1, 1]} : vector<32x128xf32> to vector<32x32xf32>
    %transpose3A_695 = tpu.transpose %slice3A_694, [1, 0] : vector<32x32xf32> -> vector<32x32xf32>
    %slice3A_696 = vector.extract_strided_slice %slice3A_693 {offsets = [0, 32], sizes = [32, 32], strides = [1, 1]} : vector<32x128xf32> to vector<32x32xf32>
    %transpose3A_697 = tpu.transpose %slice3A_696, [1, 0] : vector<32x32xf32> -> vector<32x32xf32>
    %slice3A_698 = vector.extract_strided_slice %slice3A_693 {offsets = [0, 64], sizes = [32, 32], strides = [1, 1]} : vector<32x128xf32> to vector<32x32xf32>
    %transpose3A_699 = tpu.transpose %slice3A_698, [1, 0] : vector<32x32xf32> -> vector<32x32xf32>
    %slice3A_700 = vector.extract_strided_slice %slice3A_693 {offsets = [0, 96], sizes = [32, 32], strides = [1, 1]} : vector<32x128xf32> to vector<32x32xf32>
    %transpose3A_701 = tpu.transpose %slice3A_700, [1, 0] : vector<32x32xf32> -> vector<32x32xf32>
    %slice3A_702 = vector.extract_strided_slice %get3A_1 {offsets = [2496, 0], sizes = [32, 128], strides = [1, 1]} : vector<4096x128xf32> to vector<32x128xf32>
    %slice3A_703 = vector.extract_strided_slice %slice3A_702 {offsets = [0, 0], sizes = [32, 32], strides = [1, 1]} : vector<32x128xf32> to vector<32x32xf32>
    %transpose3A_704 = tpu.transpose %slice3A_703, [1, 0] : vector<32x32xf32> -> vector<32x32xf32>
    %slice3A_705 = vector.extract_strided_slice %slice3A_702 {offsets = [0, 32], sizes = [32, 32], strides = [1, 1]} : vector<32x128xf32> to vector<32x32xf32>
    %transpose3A_706 = tpu.transpose %slice3A_705, [1, 0] : vector<32x32xf32> -> vector<32x32xf32>
    %slice3A_707 = vector.extract_strided_slice %slice3A_702 {offsets = [0, 64], sizes = [32, 32], strides = [1, 1]} : vector<32x128xf32> to vector<32x32xf32>
    %transpose3A_708 = tpu.transpose %slice3A_707, [1, 0] : vector<32x32xf32> -> vector<32x32xf32>
    %slice3A_709 = vector.extract_strided_slice %slice3A_702 {offsets = [0, 96], sizes = [32, 32], strides = [1, 1]} : vector<32x128xf32> to vector<32x32xf32>
    %transpose3A_710 = tpu.transpose %slice3A_709, [1, 0] : vector<32x32xf32> -> vector<32x32xf32>
    %slice3A_711 = vector.extract_strided_slice %get3A_1 {offsets = [2528, 0], sizes = [32, 128], strides = [1, 1]} : vector<4096x128xf32> to vector<32x128xf32>
    %slice3A_712 = vector.extract_strided_slice %slice3A_711 {offsets = [0, 0], sizes = [32, 32], strides = [1, 1]} : vector<32x128xf32> to vector<32x32xf32>
    %transpose3A_713 = tpu.transpose %slice3A_712, [1, 0] : vector<32x32xf32> -> vector<32x32xf32>
    %slice3A_714 = vector.extract_strided_slice %slice3A_711 {offsets = [0, 32], sizes = [32, 32], strides = [1, 1]} : vector<32x128xf32> to vector<32x32xf32>
    %transpose3A_715 = tpu.transpose %slice3A_714, [1, 0] : vector<32x32xf32> -> vector<32x32xf32>
    %slice3A_716 = vector.extract_strided_slice %slice3A_711 {offsets = [0, 64], sizes = [32, 32], strides = [1, 1]} : vector<32x128xf32> to vector<32x32xf32>
    %transpose3A_717 = tpu.transpose %slice3A_716, [1, 0] : vector<32x32xf32> -> vector<32x32xf32>
    %slice3A_718 = vector.extract_strided_slice %slice3A_711 {offsets = [0, 96], sizes = [32, 32], strides = [1, 1]} : vector<32x128xf32> to vector<32x32xf32>
    %transpose3A_719 = tpu.transpose %slice3A_718, [1, 0] : vector<32x32xf32> -> vector<32x32xf32>
    %slice3A_720 = vector.extract_strided_slice %get3A_1 {offsets = [2560, 0], sizes = [32, 128], strides = [1, 1]} : vector<4096x128xf32> to vector<32x128xf32>
    %slice3A_721 = vector.extract_strided_slice %slice3A_720 {offsets = [0, 0], sizes = [32, 32], strides = [1, 1]} : vector<32x128xf32> to vector<32x32xf32>
    %transpose3A_722 = tpu.transpose %slice3A_721, [1, 0] : vector<32x32xf32> -> vector<32x32xf32>
    %slice3A_723 = vector.extract_strided_slice %slice3A_720 {offsets = [0, 32], sizes = [32, 32], strides = [1, 1]} : vector<32x128xf32> to vector<32x32xf32>
    %transpose3A_724 = tpu.transpose %slice3A_723, [1, 0] : vector<32x32xf32> -> vector<32x32xf32>
    %slice3A_725 = vector.extract_strided_slice %slice3A_720 {offsets = [0, 64], sizes = [32, 32], strides = [1, 1]} : vector<32x128xf32> to vector<32x32xf32>
    %transpose3A_726 = tpu.transpose %slice3A_725, [1, 0] : vector<32x32xf32> -> vector<32x32xf32>
    %slice3A_727 = vector.extract_strided_slice %slice3A_720 {offsets = [0, 96], sizes = [32, 32], strides = [1, 1]} : vector<32x128xf32> to vector<32x32xf32>
    %transpose3A_728 = tpu.transpose %slice3A_727, [1, 0] : vector<32x32xf32> -> vector<32x32xf32>
    %slice3A_729 = vector.extract_strided_slice %get3A_1 {offsets = [2592, 0], sizes = [32, 128], strides = [1, 1]} : vector<4096x128xf32> to vector<32x128xf32>
    %slice3A_730 = vector.extract_strided_slice %slice3A_729 {offsets = [0, 0], sizes = [32, 32], strides = [1, 1]} : vector<32x128xf32> to vector<32x32xf32>
    %transpose3A_731 = tpu.transpose %slice3A_730, [1, 0] : vector<32x32xf32> -> vector<32x32xf32>
    %slice3A_732 = vector.extract_strided_slice %slice3A_729 {offsets = [0, 32], sizes = [32, 32], strides = [1, 1]} : vector<32x128xf32> to vector<32x32xf32>
    %transpose3A_733 = tpu.transpose %slice3A_732, [1, 0] : vector<32x32xf32> -> vector<32x32xf32>
    %slice3A_734 = vector.extract_strided_slice %slice3A_729 {offsets = [0, 64], sizes = [32, 32], strides = [1, 1]} : vector<32x128xf32> to vector<32x32xf32>
    %transpose3A_735 = tpu.transpose %slice3A_734, [1, 0] : vector<32x32xf32> -> vector<32x32xf32>
    %slice3A_736 = vector.extract_strided_slice %slice3A_729 {offsets = [0, 96], sizes = [32, 32], strides = [1, 1]} : vector<32x128xf32> to vector<32x32xf32>
    %transpose3A_737 = tpu.transpose %slice3A_736, [1, 0] : vector<32x32xf32> -> vector<32x32xf32>
    %slice3A_738 = vector.extract_strided_slice %get3A_1 {offsets = [2624, 0], sizes = [32, 128], strides = [1, 1]} : vector<4096x128xf32> to vector<32x128xf32>
    %slice3A_739 = vector.extract_strided_slice %slice3A_738 {offsets = [0, 0], sizes = [32, 32], strides = [1, 1]} : vector<32x128xf32> to vector<32x32xf32>
    %transpose3A_740 = tpu.transpose %slice3A_739, [1, 0] : vector<32x32xf32> -> vector<32x32xf32>
    %slice3A_741 = vector.extract_strided_slice %slice3A_738 {offsets = [0, 32], sizes = [32, 32], strides = [1, 1]} : vector<32x128xf32> to vector<32x32xf32>
    %transpose3A_742 = tpu.transpose %slice3A_741, [1, 0] : vector<32x32xf32> -> vector<32x32xf32>
    %slice3A_743 = vector.extract_strided_slice %slice3A_738 {offsets = [0, 64], sizes = [32, 32], strides = [1, 1]} : vector<32x128xf32> to vector<32x32xf32>
    %transpose3A_744 = tpu.transpose %slice3A_743, [1, 0] : vector<32x32xf32> -> vector<32x32xf32>
    %slice3A_745 = vector.extract_strided_slice %slice3A_738 {offsets = [0, 96], sizes = [32, 32], strides = [1, 1]} : vector<32x128xf32> to vector<32x32xf32>
    %transpose3A_746 = tpu.transpose %slice3A_745, [1, 0] : vector<32x32xf32> -> vector<32x32xf32>
    %slice3A_747 = vector.extract_strided_slice %get3A_1 {offsets = [2656, 0], sizes = [32, 128], strides = [1, 1]} : vector<4096x128xf32> to vector<32x128xf32>
    %slice3A_748 = vector.extract_strided_slice %slice3A_747 {offsets = [0, 0], sizes = [32, 32], strides = [1, 1]} : vector<32x128xf32> to vector<32x32xf32>
    %transpose3A_749 = tpu.transpose %slice3A_748, [1, 0] : vector<32x32xf32> -> vector<32x32xf32>
    %slice3A_750 = vector.extract_strided_slice %slice3A_747 {offsets = [0, 32], sizes = [32, 32], strides = [1, 1]} : vector<32x128xf32> to vector<32x32xf32>
    %transpose3A_751 = tpu.transpose %slice3A_750, [1, 0] : vector<32x32xf32> -> vector<32x32xf32>
    %slice3A_752 = vector.extract_strided_slice %slice3A_747 {offsets = [0, 64], sizes = [32, 32], strides = [1, 1]} : vector<32x128xf32> to vector<32x32xf32>
    %transpose3A_753 = tpu.transpose %slice3A_752, [1, 0] : vector<32x32xf32> -> vector<32x32xf32>
    %slice3A_754 = vector.extract_strided_slice %slice3A_747 {offsets = [0, 96], sizes = [32, 32], strides = [1, 1]} : vector<32x128xf32> to vector<32x32xf32>
    %transpose3A_755 = tpu.transpose %slice3A_754, [1, 0] : vector<32x32xf32> -> vector<32x32xf32>
    %slice3A_756 = vector.extract_strided_slice %get3A_1 {offsets = [2688, 0], sizes = [32, 128], strides = [1, 1]} : vector<4096x128xf32> to vector<32x128xf32>
    %slice3A_757 = vector.extract_strided_slice %slice3A_756 {offsets = [0, 0], sizes = [32, 32], strides = [1, 1]} : vector<32x128xf32> to vector<32x32xf32>
    %transpose3A_758 = tpu.transpose %slice3A_757, [1, 0] : vector<32x32xf32> -> vector<32x32xf32>
    %slice3A_759 = vector.extract_strided_slice %slice3A_756 {offsets = [0, 32], sizes = [32, 32], strides = [1, 1]} : vector<32x128xf32> to vector<32x32xf32>
    %transpose3A_760 = tpu.transpose %slice3A_759, [1, 0] : vector<32x32xf32> -> vector<32x32xf32>
    %slice3A_761 = vector.extract_strided_slice %slice3A_756 {offsets = [0, 64], sizes = [32, 32], strides = [1, 1]} : vector<32x128xf32> to vector<32x32xf32>
    %transpose3A_762 = tpu.transpose %slice3A_761, [1, 0] : vector<32x32xf32> -> vector<32x32xf32>
    %slice3A_763 = vector.extract_strided_slice %slice3A_756 {offsets = [0, 96], sizes = [32, 32], strides = [1, 1]} : vector<32x128xf32> to vector<32x32xf32>
    %transpose3A_764 = tpu.transpose %slice3A_763, [1, 0] : vector<32x32xf32> -> vector<32x32xf32>
    %slice3A_765 = vector.extract_strided_slice %get3A_1 {offsets = [2720, 0], sizes = [32, 128], strides = [1, 1]} : vector<4096x128xf32> to vector<32x128xf32>
    %slice3A_766 = vector.extract_strided_slice %slice3A_765 {offsets = [0, 0], sizes = [32, 32], strides = [1, 1]} : vector<32x128xf32> to vector<32x32xf32>
    %transpose3A_767 = tpu.transpose %slice3A_766, [1, 0] : vector<32x32xf32> -> vector<32x32xf32>
    %slice3A_768 = vector.extract_strided_slice %slice3A_765 {offsets = [0, 32], sizes = [32, 32], strides = [1, 1]} : vector<32x128xf32> to vector<32x32xf32>
    %transpose3A_769 = tpu.transpose %slice3A_768, [1, 0] : vector<32x32xf32> -> vector<32x32xf32>
    %slice3A_770 = vector.extract_strided_slice %slice3A_765 {offsets = [0, 64], sizes = [32, 32], strides = [1, 1]} : vector<32x128xf32> to vector<32x32xf32>
    %transpose3A_771 = tpu.transpose %slice3A_770, [1, 0] : vector<32x32xf32> -> vector<32x32xf32>
    %slice3A_772 = vector.extract_strided_slice %slice3A_765 {offsets = [0, 96], sizes = [32, 32], strides = [1, 1]} : vector<32x128xf32> to vector<32x32xf32>
    %transpose3A_773 = tpu.transpose %slice3A_772, [1, 0] : vector<32x32xf32> -> vector<32x32xf32>
    %slice3A_774 = vector.extract_strided_slice %get3A_1 {offsets = [2752, 0], sizes = [32, 128], strides = [1, 1]} : vector<4096x128xf32> to vector<32x128xf32>
    %slice3A_775 = vector.extract_strided_slice %slice3A_774 {offsets = [0, 0], sizes = [32, 32], strides = [1, 1]} : vector<32x128xf32> to vector<32x32xf32>
    %transpose3A_776 = tpu.transpose %slice3A_775, [1, 0] : vector<32x32xf32> -> vector<32x32xf32>
    %slice3A_777 = vector.extract_strided_slice %slice3A_774 {offsets = [0, 32], sizes = [32, 32], strides = [1, 1]} : vector<32x128xf32> to vector<32x32xf32>
    %transpose3A_778 = tpu.transpose %slice3A_777, [1, 0] : vector<32x32xf32> -> vector<32x32xf32>
    %slice3A_779 = vector.extract_strided_slice %slice3A_774 {offsets = [0, 64], sizes = [32, 32], strides = [1, 1]} : vector<32x128xf32> to vector<32x32xf32>
    %transpose3A_780 = tpu.transpose %slice3A_779, [1, 0] : vector<32x32xf32> -> vector<32x32xf32>
    %slice3A_781 = vector.extract_strided_slice %slice3A_774 {offsets = [0, 96], sizes = [32, 32], strides = [1, 1]} : vector<32x128xf32> to vector<32x32xf32>
    %transpose3A_782 = tpu.transpose %slice3A_781, [1, 0] : vector<32x32xf32> -> vector<32x32xf32>
    %slice3A_783 = vector.extract_strided_slice %get3A_1 {offsets = [2784, 0], sizes = [32, 128], strides = [1, 1]} : vector<4096x128xf32> to vector<32x128xf32>
    %slice3A_784 = vector.extract_strided_slice %slice3A_783 {offsets = [0, 0], sizes = [32, 32], strides = [1, 1]} : vector<32x128xf32> to vector<32x32xf32>
    %transpose3A_785 = tpu.transpose %slice3A_784, [1, 0] : vector<32x32xf32> -> vector<32x32xf32>
    %slice3A_786 = vector.extract_strided_slice %slice3A_783 {offsets = [0, 32], sizes = [32, 32], strides = [1, 1]} : vector<32x128xf32> to vector<32x32xf32>
    %transpose3A_787 = tpu.transpose %slice3A_786, [1, 0] : vector<32x32xf32> -> vector<32x32xf32>
    %slice3A_788 = vector.extract_strided_slice %slice3A_783 {offsets = [0, 64], sizes = [32, 32], strides = [1, 1]} : vector<32x128xf32> to vector<32x32xf32>
    %transpose3A_789 = tpu.transpose %slice3A_788, [1, 0] : vector<32x32xf32> -> vector<32x32xf32>
    %slice3A_790 = vector.extract_strided_slice %slice3A_783 {offsets = [0, 96], sizes = [32, 32], strides = [1, 1]} : vector<32x128xf32> to vector<32x32xf32>
    %transpose3A_791 = tpu.transpose %slice3A_790, [1, 0] : vector<32x32xf32> -> vector<32x32xf32>
    %slice3A_792 = vector.extract_strided_slice %get3A_1 {offsets = [2816, 0], sizes = [32, 128], strides = [1, 1]} : vector<4096x128xf32> to vector<32x128xf32>
    %slice3A_793 = vector.extract_strided_slice %slice3A_792 {offsets = [0, 0], sizes = [32, 32], strides = [1, 1]} : vector<32x128xf32> to vector<32x32xf32>
    %transpose3A_794 = tpu.transpose %slice3A_793, [1, 0] : vector<32x32xf32> -> vector<32x32xf32>
    %slice3A_795 = vector.extract_strided_slice %slice3A_792 {offsets = [0, 32], sizes = [32, 32], strides = [1, 1]} : vector<32x128xf32> to vector<32x32xf32>
    %transpose3A_796 = tpu.transpose %slice3A_795, [1, 0] : vector<32x32xf32> -> vector<32x32xf32>
    %slice3A_797 = vector.extract_strided_slice %slice3A_792 {offsets = [0, 64], sizes = [32, 32], strides = [1, 1]} : vector<32x128xf32> to vector<32x32xf32>
    %transpose3A_798 = tpu.transpose %slice3A_797, [1, 0] : vector<32x32xf32> -> vector<32x32xf32>
    %slice3A_799 = vector.extract_strided_slice %slice3A_792 {offsets = [0, 96], sizes = [32, 32], strides = [1, 1]} : vector<32x128xf32> to vector<32x32xf32>
    %transpose3A_800 = tpu.transpose %slice3A_799, [1, 0] : vector<32x32xf32> -> vector<32x32xf32>
    %slice3A_801 = vector.extract_strided_slice %get3A_1 {offsets = [2848, 0], sizes = [32, 128], strides = [1, 1]} : vector<4096x128xf32> to vector<32x128xf32>
    %slice3A_802 = vector.extract_strided_slice %slice3A_801 {offsets = [0, 0], sizes = [32, 32], strides = [1, 1]} : vector<32x128xf32> to vector<32x32xf32>
    %transpose3A_803 = tpu.transpose %slice3A_802, [1, 0] : vector<32x32xf32> -> vector<32x32xf32>
    %slice3A_804 = vector.extract_strided_slice %slice3A_801 {offsets = [0, 32], sizes = [32, 32], strides = [1, 1]} : vector<32x128xf32> to vector<32x32xf32>
    %transpose3A_805 = tpu.transpose %slice3A_804, [1, 0] : vector<32x32xf32> -> vector<32x32xf32>
    %slice3A_806 = vector.extract_strided_slice %slice3A_801 {offsets = [0, 64], sizes = [32, 32], strides = [1, 1]} : vector<32x128xf32> to vector<32x32xf32>
    %transpose3A_807 = tpu.transpose %slice3A_806, [1, 0] : vector<32x32xf32> -> vector<32x32xf32>
    %slice3A_808 = vector.extract_strided_slice %slice3A_801 {offsets = [0, 96], sizes = [32, 32], strides = [1, 1]} : vector<32x128xf32> to vector<32x32xf32>
    %transpose3A_809 = tpu.transpose %slice3A_808, [1, 0] : vector<32x32xf32> -> vector<32x32xf32>
    %slice3A_810 = vector.extract_strided_slice %get3A_1 {offsets = [2880, 0], sizes = [32, 128], strides = [1, 1]} : vector<4096x128xf32> to vector<32x128xf32>
    %slice3A_811 = vector.extract_strided_slice %slice3A_810 {offsets = [0, 0], sizes = [32, 32], strides = [1, 1]} : vector<32x128xf32> to vector<32x32xf32>
    %transpose3A_812 = tpu.transpose %slice3A_811, [1, 0] : vector<32x32xf32> -> vector<32x32xf32>
    %slice3A_813 = vector.extract_strided_slice %slice3A_810 {offsets = [0, 32], sizes = [32, 32], strides = [1, 1]} : vector<32x128xf32> to vector<32x32xf32>
    %transpose3A_814 = tpu.transpose %slice3A_813, [1, 0] : vector<32x32xf32> -> vector<32x32xf32>
    %slice3A_815 = vector.extract_strided_slice %slice3A_810 {offsets = [0, 64], sizes = [32, 32], strides = [1, 1]} : vector<32x128xf32> to vector<32x32xf32>
    %transpose3A_816 = tpu.transpose %slice3A_815, [1, 0] : vector<32x32xf32> -> vector<32x32xf32>
    %slice3A_817 = vector.extract_strided_slice %slice3A_810 {offsets = [0, 96], sizes = [32, 32], strides = [1, 1]} : vector<32x128xf32> to vector<32x32xf32>
    %transpose3A_818 = tpu.transpose %slice3A_817, [1, 0] : vector<32x32xf32> -> vector<32x32xf32>
    %slice3A_819 = vector.extract_strided_slice %get3A_1 {offsets = [2912, 0], sizes = [32, 128], strides = [1, 1]} : vector<4096x128xf32> to vector<32x128xf32>
    %slice3A_820 = vector.extract_strided_slice %slice3A_819 {offsets = [0, 0], sizes = [32, 32], strides = [1, 1]} : vector<32x128xf32> to vector<32x32xf32>
    %transpose3A_821 = tpu.transpose %slice3A_820, [1, 0] : vector<32x32xf32> -> vector<32x32xf32>
    %slice3A_822 = vector.extract_strided_slice %slice3A_819 {offsets = [0, 32], sizes = [32, 32], strides = [1, 1]} : vector<32x128xf32> to vector<32x32xf32>
    %transpose3A_823 = tpu.transpose %slice3A_822, [1, 0] : vector<32x32xf32> -> vector<32x32xf32>
    %slice3A_824 = vector.extract_strided_slice %slice3A_819 {offsets = [0, 64], sizes = [32, 32], strides = [1, 1]} : vector<32x128xf32> to vector<32x32xf32>
    %transpose3A_825 = tpu.transpose %slice3A_824, [1, 0] : vector<32x32xf32> -> vector<32x32xf32>
    %slice3A_826 = vector.extract_strided_slice %slice3A_819 {offsets = [0, 96], sizes = [32, 32], strides = [1, 1]} : vector<32x128xf32> to vector<32x32xf32>
    %transpose3A_827 = tpu.transpose %slice3A_826, [1, 0] : vector<32x32xf32> -> vector<32x32xf32>
    %slice3A_828 = vector.extract_strided_slice %get3A_1 {offsets = [2944, 0], sizes = [32, 128], strides = [1, 1]} : vector<4096x128xf32> to vector<32x128xf32>
    %slice3A_829 = vector.extract_strided_slice %slice3A_828 {offsets = [0, 0], sizes = [32, 32], strides = [1, 1]} : vector<32x128xf32> to vector<32x32xf32>
    %transpose3A_830 = tpu.transpose %slice3A_829, [1, 0] : vector<32x32xf32> -> vector<32x32xf32>
    %slice3A_831 = vector.extract_strided_slice %slice3A_828 {offsets = [0, 32], sizes = [32, 32], strides = [1, 1]} : vector<32x128xf32> to vector<32x32xf32>
    %transpose3A_832 = tpu.transpose %slice3A_831, [1, 0] : vector<32x32xf32> -> vector<32x32xf32>
    %slice3A_833 = vector.extract_strided_slice %slice3A_828 {offsets = [0, 64], sizes = [32, 32], strides = [1, 1]} : vector<32x128xf32> to vector<32x32xf32>
    %transpose3A_834 = tpu.transpose %slice3A_833, [1, 0] : vector<32x32xf32> -> vector<32x32xf32>
    %slice3A_835 = vector.extract_strided_slice %slice3A_828 {offsets = [0, 96], sizes = [32, 32], strides = [1, 1]} : vector<32x128xf32> to vector<32x32xf32>
    %transpose3A_836 = tpu.transpose %slice3A_835, [1, 0] : vector<32x32xf32> -> vector<32x32xf32>
    %slice3A_837 = vector.extract_strided_slice %get3A_1 {offsets = [2976, 0], sizes = [32, 128], strides = [1, 1]} : vector<4096x128xf32> to vector<32x128xf32>
    %slice3A_838 = vector.extract_strided_slice %slice3A_837 {offsets = [0, 0], sizes = [32, 32], strides = [1, 1]} : vector<32x128xf32> to vector<32x32xf32>
    %transpose3A_839 = tpu.transpose %slice3A_838, [1, 0] : vector<32x32xf32> -> vector<32x32xf32>
    %slice3A_840 = vector.extract_strided_slice %slice3A_837 {offsets = [0, 32], sizes = [32, 32], strides = [1, 1]} : vector<32x128xf32> to vector<32x32xf32>
    %transpose3A_841 = tpu.transpose %slice3A_840, [1, 0] : vector<32x32xf32> -> vector<32x32xf32>
    %slice3A_842 = vector.extract_strided_slice %slice3A_837 {offsets = [0, 64], sizes = [32, 32], strides = [1, 1]} : vector<32x128xf32> to vector<32x32xf32>
    %transpose3A_843 = tpu.transpose %slice3A_842, [1, 0] : vector<32x32xf32> -> vector<32x32xf32>
    %slice3A_844 = vector.extract_strided_slice %slice3A_837 {offsets = [0, 96], sizes = [32, 32], strides = [1, 1]} : vector<32x128xf32> to vector<32x32xf32>
    %transpose3A_845 = tpu.transpose %slice3A_844, [1, 0] : vector<32x32xf32> -> vector<32x32xf32>
    %slice3A_846 = vector.extract_strided_slice %get3A_1 {offsets = [3008, 0], sizes = [32, 128], strides = [1, 1]} : vector<4096x128xf32> to vector<32x128xf32>
    %slice3A_847 = vector.extract_strided_slice %slice3A_846 {offsets = [0, 0], sizes = [32, 32], strides = [1, 1]} : vector<32x128xf32> to vector<32x32xf32>
    %transpose3A_848 = tpu.transpose %slice3A_847, [1, 0] : vector<32x32xf32> -> vector<32x32xf32>
    %slice3A_849 = vector.extract_strided_slice %slice3A_846 {offsets = [0, 32], sizes = [32, 32], strides = [1, 1]} : vector<32x128xf32> to vector<32x32xf32>
    %transpose3A_850 = tpu.transpose %slice3A_849, [1, 0] : vector<32x32xf32> -> vector<32x32xf32>
    %slice3A_851 = vector.extract_strided_slice %slice3A_846 {offsets = [0, 64], sizes = [32, 32], strides = [1, 1]} : vector<32x128xf32> to vector<32x32xf32>
    %transpose3A_852 = tpu.transpose %slice3A_851, [1, 0] : vector<32x32xf32> -> vector<32x32xf32>
    %slice3A_853 = vector.extract_strided_slice %slice3A_846 {offsets = [0, 96], sizes = [32, 32], strides = [1, 1]} : vector<32x128xf32> to vector<32x32xf32>
    %transpose3A_854 = tpu.transpose %slice3A_853, [1, 0] : vector<32x32xf32> -> vector<32x32xf32>
    %slice3A_855 = vector.extract_strided_slice %get3A_1 {offsets = [3040, 0], sizes = [32, 128], strides = [1, 1]} : vector<4096x128xf32> to vector<32x128xf32>
    %slice3A_856 = vector.extract_strided_slice %slice3A_855 {offsets = [0, 0], sizes = [32, 32], strides = [1, 1]} : vector<32x128xf32> to vector<32x32xf32>
    %transpose3A_857 = tpu.transpose %slice3A_856, [1, 0] : vector<32x32xf32> -> vector<32x32xf32>
    %slice3A_858 = vector.extract_strided_slice %slice3A_855 {offsets = [0, 32], sizes = [32, 32], strides = [1, 1]} : vector<32x128xf32> to vector<32x32xf32>
    %transpose3A_859 = tpu.transpose %slice3A_858, [1, 0] : vector<32x32xf32> -> vector<32x32xf32>
    %slice3A_860 = vector.extract_strided_slice %slice3A_855 {offsets = [0, 64], sizes = [32, 32], strides = [1, 1]} : vector<32x128xf32> to vector<32x32xf32>
    %transpose3A_861 = tpu.transpose %slice3A_860, [1, 0] : vector<32x32xf32> -> vector<32x32xf32>
    %slice3A_862 = vector.extract_strided_slice %slice3A_855 {offsets = [0, 96], sizes = [32, 32], strides = [1, 1]} : vector<32x128xf32> to vector<32x32xf32>
    %transpose3A_863 = tpu.transpose %slice3A_862, [1, 0] : vector<32x32xf32> -> vector<32x32xf32>
    %slice3A_864 = vector.extract_strided_slice %get3A_1 {offsets = [3072, 0], sizes = [32, 128], strides = [1, 1]} : vector<4096x128xf32> to vector<32x128xf32>
    %slice3A_865 = vector.extract_strided_slice %slice3A_864 {offsets = [0, 0], sizes = [32, 32], strides = [1, 1]} : vector<32x128xf32> to vector<32x32xf32>
    %transpose3A_866 = tpu.transpose %slice3A_865, [1, 0] : vector<32x32xf32> -> vector<32x32xf32>
    %slice3A_867 = vector.extract_strided_slice %slice3A_864 {offsets = [0, 32], sizes = [32, 32], strides = [1, 1]} : vector<32x128xf32> to vector<32x32xf32>
    %transpose3A_868 = tpu.transpose %slice3A_867, [1, 0] : vector<32x32xf32> -> vector<32x32xf32>
    %slice3A_869 = vector.extract_strided_slice %slice3A_864 {offsets = [0, 64], sizes = [32, 32], strides = [1, 1]} : vector<32x128xf32> to vector<32x32xf32>
    %transpose3A_870 = tpu.transpose %slice3A_869, [1, 0] : vector<32x32xf32> -> vector<32x32xf32>
    %slice3A_871 = vector.extract_strided_slice %slice3A_864 {offsets = [0, 96], sizes = [32, 32], strides = [1, 1]} : vector<32x128xf32> to vector<32x32xf32>
    %transpose3A_872 = tpu.transpose %slice3A_871, [1, 0] : vector<32x32xf32> -> vector<32x32xf32>
    %slice3A_873 = vector.extract_strided_slice %get3A_1 {offsets = [3104, 0], sizes = [32, 128], strides = [1, 1]} : vector<4096x128xf32> to vector<32x128xf32>
    %slice3A_874 = vector.extract_strided_slice %slice3A_873 {offsets = [0, 0], sizes = [32, 32], strides = [1, 1]} : vector<32x128xf32> to vector<32x32xf32>
    %transpose3A_875 = tpu.transpose %slice3A_874, [1, 0] : vector<32x32xf32> -> vector<32x32xf32>
    %slice3A_876 = vector.extract_strided_slice %slice3A_873 {offsets = [0, 32], sizes = [32, 32], strides = [1, 1]} : vector<32x128xf32> to vector<32x32xf32>
    %transpose3A_877 = tpu.transpose %slice3A_876, [1, 0] : vector<32x32xf32> -> vector<32x32xf32>
    %slice3A_878 = vector.extract_strided_slice %slice3A_873 {offsets = [0, 64], sizes = [32, 32], strides = [1, 1]} : vector<32x128xf32> to vector<32x32xf32>
    %transpose3A_879 = tpu.transpose %slice3A_878, [1, 0] : vector<32x32xf32> -> vector<32x32xf32>
    %slice3A_880 = vector.extract_strided_slice %slice3A_873 {offsets = [0, 96], sizes = [32, 32], strides = [1, 1]} : vector<32x128xf32> to vector<32x32xf32>
    %transpose3A_881 = tpu.transpose %slice3A_880, [1, 0] : vector<32x32xf32> -> vector<32x32xf32>
    %slice3A_882 = vector.extract_strided_slice %get3A_1 {offsets = [3136, 0], sizes = [32, 128], strides = [1, 1]} : vector<4096x128xf32> to vector<32x128xf32>
    %slice3A_883 = vector.extract_strided_slice %slice3A_882 {offsets = [0, 0], sizes = [32, 32], strides = [1, 1]} : vector<32x128xf32> to vector<32x32xf32>
    %transpose3A_884 = tpu.transpose %slice3A_883, [1, 0] : vector<32x32xf32> -> vector<32x32xf32>
    %slice3A_885 = vector.extract_strided_slice %slice3A_882 {offsets = [0, 32], sizes = [32, 32], strides = [1, 1]} : vector<32x128xf32> to vector<32x32xf32>
    %transpose3A_886 = tpu.transpose %slice3A_885, [1, 0] : vector<32x32xf32> -> vector<32x32xf32>
    %slice3A_887 = vector.extract_strided_slice %slice3A_882 {offsets = [0, 64], sizes = [32, 32], strides = [1, 1]} : vector<32x128xf32> to vector<32x32xf32>
    %transpose3A_888 = tpu.transpose %slice3A_887, [1, 0] : vector<32x32xf32> -> vector<32x32xf32>
    %slice3A_889 = vector.extract_strided_slice %slice3A_882 {offsets = [0, 96], sizes = [32, 32], strides = [1, 1]} : vector<32x128xf32> to vector<32x32xf32>
    %transpose3A_890 = tpu.transpose %slice3A_889, [1, 0] : vector<32x32xf32> -> vector<32x32xf32>
    %slice3A_891 = vector.extract_strided_slice %get3A_1 {offsets = [3168, 0], sizes = [32, 128], strides = [1, 1]} : vector<4096x128xf32> to vector<32x128xf32>
    %slice3A_892 = vector.extract_strided_slice %slice3A_891 {offsets = [0, 0], sizes = [32, 32], strides = [1, 1]} : vector<32x128xf32> to vector<32x32xf32>
    %transpose3A_893 = tpu.transpose %slice3A_892, [1, 0] : vector<32x32xf32> -> vector<32x32xf32>
    %slice3A_894 = vector.extract_strided_slice %slice3A_891 {offsets = [0, 32], sizes = [32, 32], strides = [1, 1]} : vector<32x128xf32> to vector<32x32xf32>
    %transpose3A_895 = tpu.transpose %slice3A_894, [1, 0] : vector<32x32xf32> -> vector<32x32xf32>
    %slice3A_896 = vector.extract_strided_slice %slice3A_891 {offsets = [0, 64], sizes = [32, 32], strides = [1, 1]} : vector<32x128xf32> to vector<32x32xf32>
    %transpose3A_897 = tpu.transpose %slice3A_896, [1, 0] : vector<32x32xf32> -> vector<32x32xf32>
    %slice3A_898 = vector.extract_strided_slice %slice3A_891 {offsets = [0, 96], sizes = [32, 32], strides = [1, 1]} : vector<32x128xf32> to vector<32x32xf32>
    %transpose3A_899 = tpu.transpose %slice3A_898, [1, 0] : vector<32x32xf32> -> vector<32x32xf32>
    %slice3A_900 = vector.extract_strided_slice %get3A_1 {offsets = [3200, 0], sizes = [32, 128], strides = [1, 1]} : vector<4096x128xf32> to vector<32x128xf32>
    %slice3A_901 = vector.extract_strided_slice %slice3A_900 {offsets = [0, 0], sizes = [32, 32], strides = [1, 1]} : vector<32x128xf32> to vector<32x32xf32>
    %transpose3A_902 = tpu.transpose %slice3A_901, [1, 0] : vector<32x32xf32> -> vector<32x32xf32>
    %slice3A_903 = vector.extract_strided_slice %slice3A_900 {offsets = [0, 32], sizes = [32, 32], strides = [1, 1]} : vector<32x128xf32> to vector<32x32xf32>
    %transpose3A_904 = tpu.transpose %slice3A_903, [1, 0] : vector<32x32xf32> -> vector<32x32xf32>
    %slice3A_905 = vector.extract_strided_slice %slice3A_900 {offsets = [0, 64], sizes = [32, 32], strides = [1, 1]} : vector<32x128xf32> to vector<32x32xf32>
    %transpose3A_906 = tpu.transpose %slice3A_905, [1, 0] : vector<32x32xf32> -> vector<32x32xf32>
    %slice3A_907 = vector.extract_strided_slice %slice3A_900 {offsets = [0, 96], sizes = [32, 32], strides = [1, 1]} : vector<32x128xf32> to vector<32x32xf32>
    %transpose3A_908 = tpu.transpose %slice3A_907, [1, 0] : vector<32x32xf32> -> vector<32x32xf32>
    %slice3A_909 = vector.extract_strided_slice %get3A_1 {offsets = [3232, 0], sizes = [32, 128], strides = [1, 1]} : vector<4096x128xf32> to vector<32x128xf32>
    %slice3A_910 = vector.extract_strided_slice %slice3A_909 {offsets = [0, 0], sizes = [32, 32], strides = [1, 1]} : vector<32x128xf32> to vector<32x32xf32>
    %transpose3A_911 = tpu.transpose %slice3A_910, [1, 0] : vector<32x32xf32> -> vector<32x32xf32>
    %slice3A_912 = vector.extract_strided_slice %slice3A_909 {offsets = [0, 32], sizes = [32, 32], strides = [1, 1]} : vector<32x128xf32> to vector<32x32xf32>
    %transpose3A_913 = tpu.transpose %slice3A_912, [1, 0] : vector<32x32xf32> -> vector<32x32xf32>
    %slice3A_914 = vector.extract_strided_slice %slice3A_909 {offsets = [0, 64], sizes = [32, 32], strides = [1, 1]} : vector<32x128xf32> to vector<32x32xf32>
    %transpose3A_915 = tpu.transpose %slice3A_914, [1, 0] : vector<32x32xf32> -> vector<32x32xf32>
    %slice3A_916 = vector.extract_strided_slice %slice3A_909 {offsets = [0, 96], sizes = [32, 32], strides = [1, 1]} : vector<32x128xf32> to vector<32x32xf32>
    %transpose3A_917 = tpu.transpose %slice3A_916, [1, 0] : vector<32x32xf32> -> vector<32x32xf32>
    %slice3A_918 = vector.extract_strided_slice %get3A_1 {offsets = [3264, 0], sizes = [32, 128], strides = [1, 1]} : vector<4096x128xf32> to vector<32x128xf32>
    %slice3A_919 = vector.extract_strided_slice %slice3A_918 {offsets = [0, 0], sizes = [32, 32], strides = [1, 1]} : vector<32x128xf32> to vector<32x32xf32>
    %transpose3A_920 = tpu.transpose %slice3A_919, [1, 0] : vector<32x32xf32> -> vector<32x32xf32>
    %slice3A_921 = vector.extract_strided_slice %slice3A_918 {offsets = [0, 32], sizes = [32, 32], strides = [1, 1]} : vector<32x128xf32> to vector<32x32xf32>
    %transpose3A_922 = tpu.transpose %slice3A_921, [1, 0] : vector<32x32xf32> -> vector<32x32xf32>
    %slice3A_923 = vector.extract_strided_slice %slice3A_918 {offsets = [0, 64], sizes = [32, 32], strides = [1, 1]} : vector<32x128xf32> to vector<32x32xf32>
    %transpose3A_924 = tpu.transpose %slice3A_923, [1, 0] : vector<32x32xf32> -> vector<32x32xf32>
    %slice3A_925 = vector.extract_strided_slice %slice3A_918 {offsets = [0, 96], sizes = [32, 32], strides = [1, 1]} : vector<32x128xf32> to vector<32x32xf32>
    %transpose3A_926 = tpu.transpose %slice3A_925, [1, 0] : vector<32x32xf32> -> vector<32x32xf32>
    %slice3A_927 = vector.extract_strided_slice %get3A_1 {offsets = [3296, 0], sizes = [32, 128], strides = [1, 1]} : vector<4096x128xf32> to vector<32x128xf32>
    %slice3A_928 = vector.extract_strided_slice %slice3A_927 {offsets = [0, 0], sizes = [32, 32], strides = [1, 1]} : vector<32x128xf32> to vector<32x32xf32>
    %transpose3A_929 = tpu.transpose %slice3A_928, [1, 0] : vector<32x32xf32> -> vector<32x32xf32>
    %slice3A_930 = vector.extract_strided_slice %slice3A_927 {offsets = [0, 32], sizes = [32, 32], strides = [1, 1]} : vector<32x128xf32> to vector<32x32xf32>
    %transpose3A_931 = tpu.transpose %slice3A_930, [1, 0] : vector<32x32xf32> -> vector<32x32xf32>
    %slice3A_932 = vector.extract_strided_slice %slice3A_927 {offsets = [0, 64], sizes = [32, 32], strides = [1, 1]} : vector<32x128xf32> to vector<32x32xf32>
    %transpose3A_933 = tpu.transpose %slice3A_932, [1, 0] : vector<32x32xf32> -> vector<32x32xf32>
    %slice3A_934 = vector.extract_strided_slice %slice3A_927 {offsets = [0, 96], sizes = [32, 32], strides = [1, 1]} : vector<32x128xf32> to vector<32x32xf32>
    %transpose3A_935 = tpu.transpose %slice3A_934, [1, 0] : vector<32x32xf32> -> vector<32x32xf32>
    %slice3A_936 = vector.extract_strided_slice %get3A_1 {offsets = [3328, 0], sizes = [32, 128], strides = [1, 1]} : vector<4096x128xf32> to vector<32x128xf32>
    %slice3A_937 = vector.extract_strided_slice %slice3A_936 {offsets = [0, 0], sizes = [32, 32], strides = [1, 1]} : vector<32x128xf32> to vector<32x32xf32>
    %transpose3A_938 = tpu.transpose %slice3A_937, [1, 0] : vector<32x32xf32> -> vector<32x32xf32>
    %slice3A_939 = vector.extract_strided_slice %slice3A_936 {offsets = [0, 32], sizes = [32, 32], strides = [1, 1]} : vector<32x128xf32> to vector<32x32xf32>
    %transpose3A_940 = tpu.transpose %slice3A_939, [1, 0] : vector<32x32xf32> -> vector<32x32xf32>
    %slice3A_941 = vector.extract_strided_slice %slice3A_936 {offsets = [0, 64], sizes = [32, 32], strides = [1, 1]} : vector<32x128xf32> to vector<32x32xf32>
    %transpose3A_942 = tpu.transpose %slice3A_941, [1, 0] : vector<32x32xf32> -> vector<32x32xf32>
    %slice3A_943 = vector.extract_strided_slice %slice3A_936 {offsets = [0, 96], sizes = [32, 32], strides = [1, 1]} : vector<32x128xf32> to vector<32x32xf32>
    %transpose3A_944 = tpu.transpose %slice3A_943, [1, 0] : vector<32x32xf32> -> vector<32x32xf32>
    %slice3A_945 = vector.extract_strided_slice %get3A_1 {offsets = [3360, 0], sizes = [32, 128], strides = [1, 1]} : vector<4096x128xf32> to vector<32x128xf32>
    %slice3A_946 = vector.extract_strided_slice %slice3A_945 {offsets = [0, 0], sizes = [32, 32], strides = [1, 1]} : vector<32x128xf32> to vector<32x32xf32>
    %transpose3A_947 = tpu.transpose %slice3A_946, [1, 0] : vector<32x32xf32> -> vector<32x32xf32>
    %slice3A_948 = vector.extract_strided_slice %slice3A_945 {offsets = [0, 32], sizes = [32, 32], strides = [1, 1]} : vector<32x128xf32> to vector<32x32xf32>
    %transpose3A_949 = tpu.transpose %slice3A_948, [1, 0] : vector<32x32xf32> -> vector<32x32xf32>
    %slice3A_950 = vector.extract_strided_slice %slice3A_945 {offsets = [0, 64], sizes = [32, 32], strides = [1, 1]} : vector<32x128xf32> to vector<32x32xf32>
    %transpose3A_951 = tpu.transpose %slice3A_950, [1, 0] : vector<32x32xf32> -> vector<32x32xf32>
    %slice3A_952 = vector.extract_strided_slice %slice3A_945 {offsets = [0, 96], sizes = [32, 32], strides = [1, 1]} : vector<32x128xf32> to vector<32x32xf32>
    %transpose3A_953 = tpu.transpose %slice3A_952, [1, 0] : vector<32x32xf32> -> vector<32x32xf32>
    %slice3A_954 = vector.extract_strided_slice %get3A_1 {offsets = [3392, 0], sizes = [32, 128], strides = [1, 1]} : vector<4096x128xf32> to vector<32x128xf32>
    %slice3A_955 = vector.extract_strided_slice %slice3A_954 {offsets = [0, 0], sizes = [32, 32], strides = [1, 1]} : vector<32x128xf32> to vector<32x32xf32>
    %transpose3A_956 = tpu.transpose %slice3A_955, [1, 0] : vector<32x32xf32> -> vector<32x32xf32>
    %slice3A_957 = vector.extract_strided_slice %slice3A_954 {offsets = [0, 32], sizes = [32, 32], strides = [1, 1]} : vector<32x128xf32> to vector<32x32xf32>
    %transpose3A_958 = tpu.transpose %slice3A_957, [1, 0] : vector<32x32xf32> -> vector<32x32xf32>
    %slice3A_959 = vector.extract_strided_slice %slice3A_954 {offsets = [0, 64], sizes = [32, 32], strides = [1, 1]} : vector<32x128xf32> to vector<32x32xf32>
    %transpose3A_960 = tpu.transpose %slice3A_959, [1, 0] : vector<32x32xf32> -> vector<32x32xf32>
    %slice3A_961 = vector.extract_strided_slice %slice3A_954 {offsets = [0, 96], sizes = [32, 32], strides = [1, 1]} : vector<32x128xf32> to vector<32x32xf32>
    %transpose3A_962 = tpu.transpose %slice3A_961, [1, 0] : vector<32x32xf32> -> vector<32x32xf32>
    %slice3A_963 = vector.extract_strided_slice %get3A_1 {offsets = [3424, 0], sizes = [32, 128], strides = [1, 1]} : vector<4096x128xf32> to vector<32x128xf32>
    %slice3A_964 = vector.extract_strided_slice %slice3A_963 {offsets = [0, 0], sizes = [32, 32], strides = [1, 1]} : vector<32x128xf32> to vector<32x32xf32>
    %transpose3A_965 = tpu.transpose %slice3A_964, [1, 0] : vector<32x32xf32> -> vector<32x32xf32>
    %slice3A_966 = vector.extract_strided_slice %slice3A_963 {offsets = [0, 32], sizes = [32, 32], strides = [1, 1]} : vector<32x128xf32> to vector<32x32xf32>
    %transpose3A_967 = tpu.transpose %slice3A_966, [1, 0] : vector<32x32xf32> -> vector<32x32xf32>
    %slice3A_968 = vector.extract_strided_slice %slice3A_963 {offsets = [0, 64], sizes = [32, 32], strides = [1, 1]} : vector<32x128xf32> to vector<32x32xf32>
    %transpose3A_969 = tpu.transpose %slice3A_968, [1, 0] : vector<32x32xf32> -> vector<32x32xf32>
    %slice3A_970 = vector.extract_strided_slice %slice3A_963 {offsets = [0, 96], sizes = [32, 32], strides = [1, 1]} : vector<32x128xf32> to vector<32x32xf32>
    %transpose3A_971 = tpu.transpose %slice3A_970, [1, 0] : vector<32x32xf32> -> vector<32x32xf32>
    %slice3A_972 = vector.extract_strided_slice %get3A_1 {offsets = [3456, 0], sizes = [32, 128], strides = [1, 1]} : vector<4096x128xf32> to vector<32x128xf32>
    %slice3A_973 = vector.extract_strided_slice %slice3A_972 {offsets = [0, 0], sizes = [32, 32], strides = [1, 1]} : vector<32x128xf32> to vector<32x32xf32>
    %transpose3A_974 = tpu.transpose %slice3A_973, [1, 0] : vector<32x32xf32> -> vector<32x32xf32>
    %slice3A_975 = vector.extract_strided_slice %slice3A_972 {offsets = [0, 32], sizes = [32, 32], strides = [1, 1]} : vector<32x128xf32> to vector<32x32xf32>
    %transpose3A_976 = tpu.transpose %slice3A_975, [1, 0] : vector<32x32xf32> -> vector<32x32xf32>
    %slice3A_977 = vector.extract_strided_slice %slice3A_972 {offsets = [0, 64], sizes = [32, 32], strides = [1, 1]} : vector<32x128xf32> to vector<32x32xf32>
    %transpose3A_978 = tpu.transpose %slice3A_977, [1, 0] : vector<32x32xf32> -> vector<32x32xf32>
    %slice3A_979 = vector.extract_strided_slice %slice3A_972 {offsets = [0, 96], sizes = [32, 32], strides = [1, 1]} : vector<32x128xf32> to vector<32x32xf32>
    %transpose3A_980 = tpu.transpose %slice3A_979, [1, 0] : vector<32x32xf32> -> vector<32x32xf32>
    %slice3A_981 = vector.extract_strided_slice %get3A_1 {offsets = [3488, 0], sizes = [32, 128], strides = [1, 1]} : vector<4096x128xf32> to vector<32x128xf32>
    %slice3A_982 = vector.extract_strided_slice %slice3A_981 {offsets = [0, 0], sizes = [32, 32], strides = [1, 1]} : vector<32x128xf32> to vector<32x32xf32>
    %transpose3A_983 = tpu.transpose %slice3A_982, [1, 0] : vector<32x32xf32> -> vector<32x32xf32>
    %slice3A_984 = vector.extract_strided_slice %slice3A_981 {offsets = [0, 32], sizes = [32, 32], strides = [1, 1]} : vector<32x128xf32> to vector<32x32xf32>
    %transpose3A_985 = tpu.transpose %slice3A_984, [1, 0] : vector<32x32xf32> -> vector<32x32xf32>
    %slice3A_986 = vector.extract_strided_slice %slice3A_981 {offsets = [0, 64], sizes = [32, 32], strides = [1, 1]} : vector<32x128xf32> to vector<32x32xf32>
    %transpose3A_987 = tpu.transpose %slice3A_986, [1, 0] : vector<32x32xf32> -> vector<32x32xf32>
    %slice3A_988 = vector.extract_strided_slice %slice3A_981 {offsets = [0, 96], sizes = [32, 32], strides = [1, 1]} : vector<32x128xf32> to vector<32x32xf32>
    %transpose3A_989 = tpu.transpose %slice3A_988, [1, 0] : vector<32x32xf32> -> vector<32x32xf32>
    %slice3A_990 = vector.extract_strided_slice %get3A_1 {offsets = [3520, 0], sizes = [32, 128], strides = [1, 1]} : vector<4096x128xf32> to vector<32x128xf32>
    %slice3A_991 = vector.extract_strided_slice %slice3A_990 {offsets = [0, 0], sizes = [32, 32], strides = [1, 1]} : vector<32x128xf32> to vector<32x32xf32>
    %transpose3A_992 = tpu.transpose %slice3A_991, [1, 0] : vector<32x32xf32> -> vector<32x32xf32>
    %slice3A_993 = vector.extract_strided_slice %slice3A_990 {offsets = [0, 32], sizes = [32, 32], strides = [1, 1]} : vector<32x128xf32> to vector<32x32xf32>
    %transpose3A_994 = tpu.transpose %slice3A_993, [1, 0] : vector<32x32xf32> -> vector<32x32xf32>
    %slice3A_995 = vector.extract_strided_slice %slice3A_990 {offsets = [0, 64], sizes = [32, 32], strides = [1, 1]} : vector<32x128xf32> to vector<32x32xf32>
    %transpose3A_996 = tpu.transpose %slice3A_995, [1, 0] : vector<32x32xf32> -> vector<32x32xf32>
    %slice3A_997 = vector.extract_strided_slice %slice3A_990 {offsets = [0, 96], sizes = [32, 32], strides = [1, 1]} : vector<32x128xf32> to vector<32x32xf32>
    %transpose3A_998 = tpu.transpose %slice3A_997, [1, 0] : vector<32x32xf32> -> vector<32x32xf32>
    %slice3A_999 = vector.extract_strided_slice %get3A_1 {offsets = [3552, 0], sizes = [32, 128], strides = [1, 1]} : vector<4096x128xf32> to vector<32x128xf32>
    %slice3A_1000 = vector.extract_strided_slice %slice3A_999 {offsets = [0, 0], sizes = [32, 32], strides = [1, 1]} : vector<32x128xf32> to vector<32x32xf32>
    %transpose3A_1001 = tpu.transpose %slice3A_1000, [1, 0] : vector<32x32xf32> -> vector<32x32xf32>
    %slice3A_1002 = vector.extract_strided_slice %slice3A_999 {offsets = [0, 32], sizes = [32, 32], strides = [1, 1]} : vector<32x128xf32> to vector<32x32xf32>
    %transpose3A_1003 = tpu.transpose %slice3A_1002, [1, 0] : vector<32x32xf32> -> vector<32x32xf32>
    %slice3A_1004 = vector.extract_strided_slice %slice3A_999 {offsets = [0, 64], sizes = [32, 32], strides = [1, 1]} : vector<32x128xf32> to vector<32x32xf32>
    %transpose3A_1005 = tpu.transpose %slice3A_1004, [1, 0] : vector<32x32xf32> -> vector<32x32xf32>
    %slice3A_1006 = vector.extract_strided_slice %slice3A_999 {offsets = [0, 96], sizes = [32, 32], strides = [1, 1]} : vector<32x128xf32> to vector<32x32xf32>
    %transpose3A_1007 = tpu.transpose %slice3A_1006, [1, 0] : vector<32x32xf32> -> vector<32x32xf32>
    %slice3A_1008 = vector.extract_strided_slice %get3A_1 {offsets = [3584, 0], sizes = [32, 128], strides = [1, 1]} : vector<4096x128xf32> to vector<32x128xf32>
    %slice3A_1009 = vector.extract_strided_slice %slice3A_1008 {offsets = [0, 0], sizes = [32, 32], strides = [1, 1]} : vector<32x128xf32> to vector<32x32xf32>
    %transpose3A_1010 = tpu.transpose %slice3A_1009, [1, 0] : vector<32x32xf32> -> vector<32x32xf32>
    %slice3A_1011 = vector.extract_strided_slice %slice3A_1008 {offsets = [0, 32], sizes = [32, 32], strides = [1, 1]} : vector<32x128xf32> to vector<32x32xf32>
    %transpose3A_1012 = tpu.transpose %slice3A_1011, [1, 0] : vector<32x32xf32> -> vector<32x32xf32>
    %slice3A_1013 = vector.extract_strided_slice %slice3A_1008 {offsets = [0, 64], sizes = [32, 32], strides = [1, 1]} : vector<32x128xf32> to vector<32x32xf32>
    %transpose3A_1014 = tpu.transpose %slice3A_1013, [1, 0] : vector<32x32xf32> -> vector<32x32xf32>
    %slice3A_1015 = vector.extract_strided_slice %slice3A_1008 {offsets = [0, 96], sizes = [32, 32], strides = [1, 1]} : vector<32x128xf32> to vector<32x32xf32>
    %transpose3A_1016 = tpu.transpose %slice3A_1015, [1, 0] : vector<32x32xf32> -> vector<32x32xf32>
    %slice3A_1017 = vector.extract_strided_slice %get3A_1 {offsets = [3616, 0], sizes = [32, 128], strides = [1, 1]} : vector<4096x128xf32> to vector<32x128xf32>
    %slice3A_1018 = vector.extract_strided_slice %slice3A_1017 {offsets = [0, 0], sizes = [32, 32], strides = [1, 1]} : vector<32x128xf32> to vector<32x32xf32>
    %transpose3A_1019 = tpu.transpose %slice3A_1018, [1, 0] : vector<32x32xf32> -> vector<32x32xf32>
    %slice3A_1020 = vector.extract_strided_slice %slice3A_1017 {offsets = [0, 32], sizes = [32, 32], strides = [1, 1]} : vector<32x128xf32> to vector<32x32xf32>
    %transpose3A_1021 = tpu.transpose %slice3A_1020, [1, 0] : vector<32x32xf32> -> vector<32x32xf32>
    %slice3A_1022 = vector.extract_strided_slice %slice3A_1017 {offsets = [0, 64], sizes = [32, 32], strides = [1, 1]} : vector<32x128xf32> to vector<32x32xf32>
    %transpose3A_1023 = tpu.transpose %slice3A_1022, [1, 0] : vector<32x32xf32> -> vector<32x32xf32>
    %slice3A_1024 = vector.extract_strided_slice %slice3A_1017 {offsets = [0, 96], sizes = [32, 32], strides = [1, 1]} : vector<32x128xf32> to vector<32x32xf32>
    %transpose3A_1025 = tpu.transpose %slice3A_1024, [1, 0] : vector<32x32xf32> -> vector<32x32xf32>
    %slice3A_1026 = vector.extract_strided_slice %get3A_1 {offsets = [3648, 0], sizes = [32, 128], strides = [1, 1]} : vector<4096x128xf32> to vector<32x128xf32>
    %slice3A_1027 = vector.extract_strided_slice %slice3A_1026 {offsets = [0, 0], sizes = [32, 32], strides = [1, 1]} : vector<32x128xf32> to vector<32x32xf32>
    %transpose3A_1028 = tpu.transpose %slice3A_1027, [1, 0] : vector<32x32xf32> -> vector<32x32xf32>
    %slice3A_1029 = vector.extract_strided_slice %slice3A_1026 {offsets = [0, 32], sizes = [32, 32], strides = [1, 1]} : vector<32x128xf32> to vector<32x32xf32>
    %transpose3A_1030 = tpu.transpose %slice3A_1029, [1, 0] : vector<32x32xf32> -> vector<32x32xf32>
    %slice3A_1031 = vector.extract_strided_slice %slice3A_1026 {offsets = [0, 64], sizes = [32, 32], strides = [1, 1]} : vector<32x128xf32> to vector<32x32xf32>
    %transpose3A_1032 = tpu.transpose %slice3A_1031, [1, 0] : vector<32x32xf32> -> vector<32x32xf32>
    %slice3A_1033 = vector.extract_strided_slice %slice3A_1026 {offsets = [0, 96], sizes = [32, 32], strides = [1, 1]} : vector<32x128xf32> to vector<32x32xf32>
    %transpose3A_1034 = tpu.transpose %slice3A_1033, [1, 0] : vector<32x32xf32> -> vector<32x32xf32>
    %slice3A_1035 = vector.extract_strided_slice %get3A_1 {offsets = [3680, 0], sizes = [32, 128], strides = [1, 1]} : vector<4096x128xf32> to vector<32x128xf32>
    %slice3A_1036 = vector.extract_strided_slice %slice3A_1035 {offsets = [0, 0], sizes = [32, 32], strides = [1, 1]} : vector<32x128xf32> to vector<32x32xf32>
    %transpose3A_1037 = tpu.transpose %slice3A_1036, [1, 0] : vector<32x32xf32> -> vector<32x32xf32>
    %slice3A_1038 = vector.extract_strided_slice %slice3A_1035 {offsets = [0, 32], sizes = [32, 32], strides = [1, 1]} : vector<32x128xf32> to vector<32x32xf32>
    %transpose3A_1039 = tpu.transpose %slice3A_1038, [1, 0] : vector<32x32xf32> -> vector<32x32xf32>
    %slice3A_1040 = vector.extract_strided_slice %slice3A_1035 {offsets = [0, 64], sizes = [32, 32], strides = [1, 1]} : vector<32x128xf32> to vector<32x32xf32>
    %transpose3A_1041 = tpu.transpose %slice3A_1040, [1, 0] : vector<32x32xf32> -> vector<32x32xf32>
    %slice3A_1042 = vector.extract_strided_slice %slice3A_1035 {offsets = [0, 96], sizes = [32, 32], strides = [1, 1]} : vector<32x128xf32> to vector<32x32xf32>
    %transpose3A_1043 = tpu.transpose %slice3A_1042, [1, 0] : vector<32x32xf32> -> vector<32x32xf32>
    %slice3A_1044 = vector.extract_strided_slice %get3A_1 {offsets = [3712, 0], sizes = [32, 128], strides = [1, 1]} : vector<4096x128xf32> to vector<32x128xf32>
    %slice3A_1045 = vector.extract_strided_slice %slice3A_1044 {offsets = [0, 0], sizes = [32, 32], strides = [1, 1]} : vector<32x128xf32> to vector<32x32xf32>
    %transpose3A_1046 = tpu.transpose %slice3A_1045, [1, 0] : vector<32x32xf32> -> vector<32x32xf32>
    %slice3A_1047 = vector.extract_strided_slice %slice3A_1044 {offsets = [0, 32], sizes = [32, 32], strides = [1, 1]} : vector<32x128xf32> to vector<32x32xf32>
    %transpose3A_1048 = tpu.transpose %slice3A_1047, [1, 0] : vector<32x32xf32> -> vector<32x32xf32>
    %slice3A_1049 = vector.extract_strided_slice %slice3A_1044 {offsets = [0, 64], sizes = [32, 32], strides = [1, 1]} : vector<32x128xf32> to vector<32x32xf32>
    %transpose3A_1050 = tpu.transpose %slice3A_1049, [1, 0] : vector<32x32xf32> -> vector<32x32xf32>
    %slice3A_1051 = vector.extract_strided_slice %slice3A_1044 {offsets = [0, 96], sizes = [32, 32], strides = [1, 1]} : vector<32x128xf32> to vector<32x32xf32>
    %transpose3A_1052 = tpu.transpose %slice3A_1051, [1, 0] : vector<32x32xf32> -> vector<32x32xf32>
    %slice3A_1053 = vector.extract_strided_slice %get3A_1 {offsets = [3744, 0], sizes = [32, 128], strides = [1, 1]} : vector<4096x128xf32> to vector<32x128xf32>
    %slice3A_1054 = vector.extract_strided_slice %slice3A_1053 {offsets = [0, 0], sizes = [32, 32], strides = [1, 1]} : vector<32x128xf32> to vector<32x32xf32>
    %transpose3A_1055 = tpu.transpose %slice3A_1054, [1, 0] : vector<32x32xf32> -> vector<32x32xf32>
    %slice3A_1056 = vector.extract_strided_slice %slice3A_1053 {offsets = [0, 32], sizes = [32, 32], strides = [1, 1]} : vector<32x128xf32> to vector<32x32xf32>
    %transpose3A_1057 = tpu.transpose %slice3A_1056, [1, 0] : vector<32x32xf32> -> vector<32x32xf32>
    %slice3A_1058 = vector.extract_strided_slice %slice3A_1053 {offsets = [0, 64], sizes = [32, 32], strides = [1, 1]} : vector<32x128xf32> to vector<32x32xf32>
    %transpose3A_1059 = tpu.transpose %slice3A_1058, [1, 0] : vector<32x32xf32> -> vector<32x32xf32>
    %slice3A_1060 = vector.extract_strided_slice %slice3A_1053 {offsets = [0, 96], sizes = [32, 32], strides = [1, 1]} : vector<32x128xf32> to vector<32x32xf32>
    %transpose3A_1061 = tpu.transpose %slice3A_1060, [1, 0] : vector<32x32xf32> -> vector<32x32xf32>
    %slice3A_1062 = vector.extract_strided_slice %get3A_1 {offsets = [3776, 0], sizes = [32, 128], strides = [1, 1]} : vector<4096x128xf32> to vector<32x128xf32>
    %slice3A_1063 = vector.extract_strided_slice %slice3A_1062 {offsets = [0, 0], sizes = [32, 32], strides = [1, 1]} : vector<32x128xf32> to vector<32x32xf32>
    %transpose3A_1064 = tpu.transpose %slice3A_1063, [1, 0] : vector<32x32xf32> -> vector<32x32xf32>
    %slice3A_1065 = vector.extract_strided_slice %slice3A_1062 {offsets = [0, 32], sizes = [32, 32], strides = [1, 1]} : vector<32x128xf32> to vector<32x32xf32>
    %transpose3A_1066 = tpu.transpose %slice3A_1065, [1, 0] : vector<32x32xf32> -> vector<32x32xf32>
    %slice3A_1067 = vector.extract_strided_slice %slice3A_1062 {offsets = [0, 64], sizes = [32, 32], strides = [1, 1]} : vector<32x128xf32> to vector<32x32xf32>
    %transpose3A_1068 = tpu.transpose %slice3A_1067, [1, 0] : vector<32x32xf32> -> vector<32x32xf32>
    %slice3A_1069 = vector.extract_strided_slice %slice3A_1062 {offsets = [0, 96], sizes = [32, 32], strides = [1, 1]} : vector<32x128xf32> to vector<32x32xf32>
    %transpose3A_1070 = tpu.transpose %slice3A_1069, [1, 0] : vector<32x32xf32> -> vector<32x32xf32>
    %slice3A_1071 = vector.extract_strided_slice %get3A_1 {offsets = [3808, 0], sizes = [32, 128], strides = [1, 1]} : vector<4096x128xf32> to vector<32x128xf32>
    %slice3A_1072 = vector.extract_strided_slice %slice3A_1071 {offsets = [0, 0], sizes = [32, 32], strides = [1, 1]} : vector<32x128xf32> to vector<32x32xf32>
    %transpose3A_1073 = tpu.transpose %slice3A_1072, [1, 0] : vector<32x32xf32> -> vector<32x32xf32>
    %slice3A_1074 = vector.extract_strided_slice %slice3A_1071 {offsets = [0, 32], sizes = [32, 32], strides = [1, 1]} : vector<32x128xf32> to vector<32x32xf32>
    %transpose3A_1075 = tpu.transpose %slice3A_1074, [1, 0] : vector<32x32xf32> -> vector<32x32xf32>
    %slice3A_1076 = vector.extract_strided_slice %slice3A_1071 {offsets = [0, 64], sizes = [32, 32], strides = [1, 1]} : vector<32x128xf32> to vector<32x32xf32>
    %transpose3A_1077 = tpu.transpose %slice3A_1076, [1, 0] : vector<32x32xf32> -> vector<32x32xf32>
    %slice3A_1078 = vector.extract_strided_slice %slice3A_1071 {offsets = [0, 96], sizes = [32, 32], strides = [1, 1]} : vector<32x128xf32> to vector<32x32xf32>
    %transpose3A_1079 = tpu.transpose %slice3A_1078, [1, 0] : vector<32x32xf32> -> vector<32x32xf32>
    %slice3A_1080 = vector.extract_strided_slice %get3A_1 {offsets = [3840, 0], sizes = [32, 128], strides = [1, 1]} : vector<4096x128xf32> to vector<32x128xf32>
    %slice3A_1081 = vector.extract_strided_slice %slice3A_1080 {offsets = [0, 0], sizes = [32, 32], strides = [1, 1]} : vector<32x128xf32> to vector<32x32xf32>
    %transpose3A_1082 = tpu.transpose %slice3A_1081, [1, 0] : vector<32x32xf32> -> vector<32x32xf32>
    %slice3A_1083 = vector.extract_strided_slice %slice3A_1080 {offsets = [0, 32], sizes = [32, 32], strides = [1, 1]} : vector<32x128xf32> to vector<32x32xf32>
    %transpose3A_1084 = tpu.transpose %slice3A_1083, [1, 0] : vector<32x32xf32> -> vector<32x32xf32>
    %slice3A_1085 = vector.extract_strided_slice %slice3A_1080 {offsets = [0, 64], sizes = [32, 32], strides = [1, 1]} : vector<32x128xf32> to vector<32x32xf32>
    %transpose3A_1086 = tpu.transpose %slice3A_1085, [1, 0] : vector<32x32xf32> -> vector<32x32xf32>
    %slice3A_1087 = vector.extract_strided_slice %slice3A_1080 {offsets = [0, 96], sizes = [32, 32], strides = [1, 1]} : vector<32x128xf32> to vector<32x32xf32>
    %transpose3A_1088 = tpu.transpose %slice3A_1087, [1, 0] : vector<32x32xf32> -> vector<32x32xf32>
    %slice3A_1089 = vector.extract_strided_slice %get3A_1 {offsets = [3872, 0], sizes = [32, 128], strides = [1, 1]} : vector<4096x128xf32> to vector<32x128xf32>
    %slice3A_1090 = vector.extract_strided_slice %slice3A_1089 {offsets = [0, 0], sizes = [32, 32], strides = [1, 1]} : vector<32x128xf32> to vector<32x32xf32>
    %transpose3A_1091 = tpu.transpose %slice3A_1090, [1, 0] : vector<32x32xf32> -> vector<32x32xf32>
    %slice3A_1092 = vector.extract_strided_slice %slice3A_1089 {offsets = [0, 32], sizes = [32, 32], strides = [1, 1]} : vector<32x128xf32> to vector<32x32xf32>
    %transpose3A_1093 = tpu.transpose %slice3A_1092, [1, 0] : vector<32x32xf32> -> vector<32x32xf32>
    %slice3A_1094 = vector.extract_strided_slice %slice3A_1089 {offsets = [0, 64], sizes = [32, 32], strides = [1, 1]} : vector<32x128xf32> to vector<32x32xf32>
    %transpose3A_1095 = tpu.transpose %slice3A_1094, [1, 0] : vector<32x32xf32> -> vector<32x32xf32>
    %slice3A_1096 = vector.extract_strided_slice %slice3A_1089 {offsets = [0, 96], sizes = [32, 32], strides = [1, 1]} : vector<32x128xf32> to vector<32x32xf32>
    %transpose3A_1097 = tpu.transpose %slice3A_1096, [1, 0] : vector<32x32xf32> -> vector<32x32xf32>
    %slice3A_1098 = vector.extract_strided_slice %get3A_1 {offsets = [3904, 0], sizes = [32, 128], strides = [1, 1]} : vector<4096x128xf32> to vector<32x128xf32>
    %slice3A_1099 = vector.extract_strided_slice %slice3A_1098 {offsets = [0, 0], sizes = [32, 32], strides = [1, 1]} : vector<32x128xf32> to vector<32x32xf32>
    %transpose3A_1100 = tpu.transpose %slice3A_1099, [1, 0] : vector<32x32xf32> -> vector<32x32xf32>
    %slice3A_1101 = vector.extract_strided_slice %slice3A_1098 {offsets = [0, 32], sizes = [32, 32], strides = [1, 1]} : vector<32x128xf32> to vector<32x32xf32>
    %transpose3A_1102 = tpu.transpose %slice3A_1101, [1, 0] : vector<32x32xf32> -> vector<32x32xf32>
    %slice3A_1103 = vector.extract_strided_slice %slice3A_1098 {offsets = [0, 64], sizes = [32, 32], strides = [1, 1]} : vector<32x128xf32> to vector<32x32xf32>
    %transpose3A_1104 = tpu.transpose %slice3A_1103, [1, 0] : vector<32x32xf32> -> vector<32x32xf32>
    %slice3A_1105 = vector.extract_strided_slice %slice3A_1098 {offsets = [0, 96], sizes = [32, 32], strides = [1, 1]} : vector<32x128xf32> to vector<32x32xf32>
    %transpose3A_1106 = tpu.transpose %slice3A_1105, [1, 0] : vector<32x32xf32> -> vector<32x32xf32>
    %slice3A_1107 = vector.extract_strided_slice %get3A_1 {offsets = [3936, 0], sizes = [32, 128], strides = [1, 1]} : vector<4096x128xf32> to vector<32x128xf32>
    %slice3A_1108 = vector.extract_strided_slice %slice3A_1107 {offsets = [0, 0], sizes = [32, 32], strides = [1, 1]} : vector<32x128xf32> to vector<32x32xf32>
    %transpose3A_1109 = tpu.transpose %slice3A_1108, [1, 0] : vector<32x32xf32> -> vector<32x32xf32>
    %slice3A_1110 = vector.extract_strided_slice %slice3A_1107 {offsets = [0, 32], sizes = [32, 32], strides = [1, 1]} : vector<32x128xf32> to vector<32x32xf32>
    %transpose3A_1111 = tpu.transpose %slice3A_1110, [1, 0] : vector<32x32xf32> -> vector<32x32xf32>
    %slice3A_1112 = vector.extract_strided_slice %slice3A_1107 {offsets = [0, 64], sizes = [32, 32], strides = [1, 1]} : vector<32x128xf32> to vector<32x32xf32>
    %transpose3A_1113 = tpu.transpose %slice3A_1112, [1, 0] : vector<32x32xf32> -> vector<32x32xf32>
    %slice3A_1114 = vector.extract_strided_slice %slice3A_1107 {offsets = [0, 96], sizes = [32, 32], strides = [1, 1]} : vector<32x128xf32> to vector<32x32xf32>
    %transpose3A_1115 = tpu.transpose %slice3A_1114, [1, 0] : vector<32x32xf32> -> vector<32x32xf32>
    %slice3A_1116 = vector.extract_strided_slice %get3A_1 {offsets = [3968, 0], sizes = [32, 128], strides = [1, 1]} : vector<4096x128xf32> to vector<32x128xf32>
    %slice3A_1117 = vector.extract_strided_slice %slice3A_1116 {offsets = [0, 0], sizes = [32, 32], strides = [1, 1]} : vector<32x128xf32> to vector<32x32xf32>
    %transpose3A_1118 = tpu.transpose %slice3A_1117, [1, 0] : vector<32x32xf32> -> vector<32x32xf32>
    %slice3A_1119 = vector.extract_strided_slice %slice3A_1116 {offsets = [0, 32], sizes = [32, 32], strides = [1, 1]} : vector<32x128xf32> to vector<32x32xf32>
    %transpose3A_1120 = tpu.transpose %slice3A_1119, [1, 0] : vector<32x32xf32> -> vector<32x32xf32>
    %slice3A_1121 = vector.extract_strided_slice %slice3A_1116 {offsets = [0, 64], sizes = [32, 32], strides = [1, 1]} : vector<32x128xf32> to vector<32x32xf32>
    %transpose3A_1122 = tpu.transpose %slice3A_1121, [1, 0] : vector<32x32xf32> -> vector<32x32xf32>
    %slice3A_1123 = vector.extract_strided_slice %slice3A_1116 {offsets = [0, 96], sizes = [32, 32], strides = [1, 1]} : vector<32x128xf32> to vector<32x32xf32>
    %transpose3A_1124 = tpu.transpose %slice3A_1123, [1, 0] : vector<32x32xf32> -> vector<32x32xf32>
    %slice3A_1125 = vector.extract_strided_slice %get3A_1 {offsets = [4000, 0], sizes = [32, 128], strides = [1, 1]} : vector<4096x128xf32> to vector<32x128xf32>
    %slice3A_1126 = vector.extract_strided_slice %slice3A_1125 {offsets = [0, 0], sizes = [32, 32], strides = [1, 1]} : vector<32x128xf32> to vector<32x32xf32>
    %transpose3A_1127 = tpu.transpose %slice3A_1126, [1, 0] : vector<32x32xf32> -> vector<32x32xf32>
    %slice3A_1128 = vector.extract_strided_slice %slice3A_1125 {offsets = [0, 32], sizes = [32, 32], strides = [1, 1]} : vector<32x128xf32> to vector<32x32xf32>
    %transpose3A_1129 = tpu.transpose %slice3A_1128, [1, 0] : vector<32x32xf32> -> vector<32x32xf32>
    %slice3A_1130 = vector.extract_strided_slice %slice3A_1125 {offsets = [0, 64], sizes = [32, 32], strides = [1, 1]} : vector<32x128xf32> to vector<32x32xf32>
    %transpose3A_1131 = tpu.transpose %slice3A_1130, [1, 0] : vector<32x32xf32> -> vector<32x32xf32>
    %slice3A_1132 = vector.extract_strided_slice %slice3A_1125 {offsets = [0, 96], sizes = [32, 32], strides = [1, 1]} : vector<32x128xf32> to vector<32x32xf32>
    %transpose3A_1133 = tpu.transpose %slice3A_1132, [1, 0] : vector<32x32xf32> -> vector<32x32xf32>
    %slice3A_1134 = vector.extract_strided_slice %get3A_1 {offsets = [4032, 0], sizes = [32, 128], strides = [1, 1]} : vector<4096x128xf32> to vector<32x128xf32>
    %slice3A_1135 = vector.extract_strided_slice %slice3A_1134 {offsets = [0, 0], sizes = [32, 32], strides = [1, 1]} : vector<32x128xf32> to vector<32x32xf32>
    %transpose3A_1136 = tpu.transpose %slice3A_1135, [1, 0] : vector<32x32xf32> -> vector<32x32xf32>
    %slice3A_1137 = vector.extract_strided_slice %slice3A_1134 {offsets = [0, 32], sizes = [32, 32], strides = [1, 1]} : vector<32x128xf32> to vector<32x32xf32>
    %transpose3A_1138 = tpu.transpose %slice3A_1137, [1, 0] : vector<32x32xf32> -> vector<32x32xf32>
    %slice3A_1139 = vector.extract_strided_slice %slice3A_1134 {offsets = [0, 64], sizes = [32, 32], strides = [1, 1]} : vector<32x128xf32> to vector<32x32xf32>
    %transpose3A_1140 = tpu.transpose %slice3A_1139, [1, 0] : vector<32x32xf32> -> vector<32x32xf32>
    %slice3A_1141 = vector.extract_strided_slice %slice3A_1134 {offsets = [0, 96], sizes = [32, 32], strides = [1, 1]} : vector<32x128xf32> to vector<32x32xf32>
    %transpose3A_1142 = tpu.transpose %slice3A_1141, [1, 0] : vector<32x32xf32> -> vector<32x32xf32>
    %slice3A_1143 = vector.extract_strided_slice %get3A_1 {offsets = [4064, 0], sizes = [32, 128], strides = [1, 1]} : vector<4096x128xf32> to vector<32x128xf32>
    %slice3A_1144 = vector.extract_strided_slice %slice3A_1143 {offsets = [0, 0], sizes = [32, 32], strides = [1, 1]} : vector<32x128xf32> to vector<32x32xf32>
    %transpose3A_1145 = tpu.transpose %slice3A_1144, [1, 0] : vector<32x32xf32> -> vector<32x32xf32>
    %slice3A_1146 = vector.extract_strided_slice %slice3A_1143 {offsets = [0, 32], sizes = [32, 32], strides = [1, 1]} : vector<32x128xf32> to vector<32x32xf32>
    %transpose3A_1147 = tpu.transpose %slice3A_1146, [1, 0] : vector<32x32xf32> -> vector<32x32xf32>
    %slice3A_1148 = vector.extract_strided_slice %slice3A_1143 {offsets = [0, 64], sizes = [32, 32], strides = [1, 1]} : vector<32x128xf32> to vector<32x32xf32>
    %transpose3A_1149 = tpu.transpose %slice3A_1148, [1, 0] : vector<32x32xf32> -> vector<32x32xf32>
    %slice3A_1150 = vector.extract_strided_slice %slice3A_1143 {offsets = [0, 96], sizes = [32, 32], strides = [1, 1]} : vector<32x128xf32> to vector<32x32xf32>
    %transpose3A_1151 = tpu.transpose %slice3A_1150, [1, 0] : vector<32x32xf32> -> vector<32x32xf32>
    %concatenate3A = tpu.concatenate %transpose3A, %transpose3A_4, %transpose3A_6, %transpose3A_8, %transpose3A_11, %transpose3A_13, %transpose3A_15, %transpose3A_17, %transpose3A_20, %transpose3A_22, %transpose3A_24, %transpose3A_26, %transpose3A_29, %transpose3A_31, %transpose3A_33, %transpose3A_35, %transpose3A_38, %transpose3A_40, %transpose3A_42, %transpose3A_44, %transpose3A_47, %transpose3A_49, %transpose3A_51, %transpose3A_53, %transpose3A_56, %transpose3A_58, %transpose3A_60, %transpose3A_62, %transpose3A_65, %transpose3A_67, %transpose3A_69, %transpose3A_71, %transpose3A_74, %transpose3A_76, %transpose3A_78, %transpose3A_80, %transpose3A_83, %transpose3A_85, %transpose3A_87, %transpose3A_89, %transpose3A_92, %transpose3A_94, %transpose3A_96, %transpose3A_98, %transpose3A_101, %transpose3A_103, %transpose3A_105, %transpose3A_107, %transpose3A_110, %transpose3A_112, %transpose3A_114, %transpose3A_116, %transpose3A_119, %transpose3A_121, %transpose3A_123, %transpose3A_125, %transpose3A_128, %transpose3A_130, %transpose3A_132, %transpose3A_134, %transpose3A_137, %transpose3A_139, %transpose3A_141, %transpose3A_143, %transpose3A_146, %transpose3A_148, %transpose3A_150, %transpose3A_152, %transpose3A_155, %transpose3A_157, %transpose3A_159, %transpose3A_161, %transpose3A_164, %transpose3A_166, %transpose3A_168, %transpose3A_170, %transpose3A_173, %transpose3A_175, %transpose3A_177, %transpose3A_179, %transpose3A_182, %transpose3A_184, %transpose3A_186, %transpose3A_188, %transpose3A_191, %transpose3A_193, %transpose3A_195, %transpose3A_197, %transpose3A_200, %transpose3A_202, %transpose3A_204, %transpose3A_206, %transpose3A_209, %transpose3A_211, %transpose3A_213, %transpose3A_215, %transpose3A_218, %transpose3A_220, %transpose3A_222, %transpose3A_224, %transpose3A_227, %transpose3A_229, %transpose3A_231, %transpose3A_233, %transpose3A_236, %transpose3A_238, %transpose3A_240, %transpose3A_242, %transpose3A_245, %transpose3A_247, %transpose3A_249, %transpose3A_251, %transpose3A_254, %transpose3A_256, %transpose3A_258, %transpose3A_260, %transpose3A_263, %transpose3A_265, %transpose3A_267, %transpose3A_269, %transpose3A_272, %transpose3A_274, %transpose3A_276, %transpose3A_278, %transpose3A_281, %transpose3A_283, %transpose3A_285, %transpose3A_287, %transpose3A_290, %transpose3A_292, %transpose3A_294, %transpose3A_296, %transpose3A_299, %transpose3A_301, %transpose3A_303, %transpose3A_305, %transpose3A_308, %transpose3A_310, %transpose3A_312, %transpose3A_314, %transpose3A_317, %transpose3A_319, %transpose3A_321, %transpose3A_323, %transpose3A_326, %transpose3A_328, %transpose3A_330, %transpose3A_332, %transpose3A_335, %transpose3A_337, %transpose3A_339, %transpose3A_341, %transpose3A_344, %transpose3A_346, %transpose3A_348, %transpose3A_350, %transpose3A_353, %transpose3A_355, %transpose3A_357, %transpose3A_359, %transpose3A_362, %transpose3A_364, %transpose3A_366, %transpose3A_368, %transpose3A_371, %transpose3A_373, %transpose3A_375, %transpose3A_377, %transpose3A_380, %transpose3A_382, %transpose3A_384, %transpose3A_386, %transpose3A_389, %transpose3A_391, %transpose3A_393, %transpose3A_395, %transpose3A_398, %transpose3A_400, %transpose3A_402, %transpose3A_404, %transpose3A_407, %transpose3A_409, %transpose3A_411, %transpose3A_413, %transpose3A_416, %transpose3A_418, %transpose3A_420, %transpose3A_422, %transpose3A_425, %transpose3A_427, %transpose3A_429, %transpose3A_431, %transpose3A_434, %transpose3A_436, %transpose3A_438, %transpose3A_440, %transpose3A_443, %transpose3A_445, %transpose3A_447, %transpose3A_449, %transpose3A_452, %transpose3A_454, %transpose3A_456, %transpose3A_458, %transpose3A_461, %transpose3A_463, %transpose3A_465, %transpose3A_467, %transpose3A_470, %transpose3A_472, %transpose3A_474, %transpose3A_476, %transpose3A_479, %transpose3A_481, %transpose3A_483, %transpose3A_485, %transpose3A_488, %transpose3A_490, %transpose3A_492, %transpose3A_494, %transpose3A_497, %transpose3A_499, %transpose3A_501, %transpose3A_503, %transpose3A_506, %transpose3A_508, %transpose3A_510, %transpose3A_512, %transpose3A_515, %transpose3A_517, %transpose3A_519, %transpose3A_521, %transpose3A_524, %transpose3A_526, %transpose3A_528, %transpose3A_530, %transpose3A_533, %transpose3A_535, %transpose3A_537, %transpose3A_539, %transpose3A_542, %transpose3A_544, %transpose3A_546, %transpose3A_548, %transpose3A_551, %transpose3A_553, %transpose3A_555, %transpose3A_557, %transpose3A_560, %transpose3A_562, %transpose3A_564, %transpose3A_566, %transpose3A_569, %transpose3A_571, %transpose3A_573, %transpose3A_575, %transpose3A_578, %transpose3A_580, %transpose3A_582, %transpose3A_584, %transpose3A_587, %transpose3A_589, %transpose3A_591, %transpose3A_593, %transpose3A_596, %transpose3A_598, %transpose3A_600, %transpose3A_602, %transpose3A_605, %transpose3A_607, %transpose3A_609, %transpose3A_611, %transpose3A_614, %transpose3A_616, %transpose3A_618, %transpose3A_620, %transpose3A_623, %transpose3A_625, %transpose3A_627, %transpose3A_629, %transpose3A_632, %transpose3A_634, %transpose3A_636, %transpose3A_638, %transpose3A_641, %transpose3A_643, %transpose3A_645, %transpose3A_647, %transpose3A_650, %transpose3A_652, %transpose3A_654, %transpose3A_656, %transpose3A_659, %transpose3A_661, %transpose3A_663, %transpose3A_665, %transpose3A_668, %transpose3A_670, %transpose3A_672, %transpose3A_674, %transpose3A_677, %transpose3A_679, %transpose3A_681, %transpose3A_683, %transpose3A_686, %transpose3A_688, %transpose3A_690, %transpose3A_692, %transpose3A_695, %transpose3A_697, %transpose3A_699, %transpose3A_701, %transpose3A_704, %transpose3A_706, %transpose3A_708, %transpose3A_710, %transpose3A_713, %transpose3A_715, %transpose3A_717, %transpose3A_719, %transpose3A_722, %transpose3A_724, %transpose3A_726, %transpose3A_728, %transpose3A_731, %transpose3A_733, %transpose3A_735, %transpose3A_737, %transpose3A_740, %transpose3A_742, %transpose3A_744, %transpose3A_746, %transpose3A_749, %transpose3A_751, %transpose3A_753, %transpose3A_755, %transpose3A_758, %transpose3A_760, %transpose3A_762, %transpose3A_764, %transpose3A_767, %transpose3A_769, %transpose3A_771, %transpose3A_773, %transpose3A_776, %transpose3A_778, %transpose3A_780, %transpose3A_782, %transpose3A_785, %transpose3A_787, %transpose3A_789, %transpose3A_791, %transpose3A_794, %transpose3A_796, %transpose3A_798, %transpose3A_800, %transpose3A_803, %transpose3A_805, %transpose3A_807, %transpose3A_809, %transpose3A_812, %transpose3A_814, %transpose3A_816, %transpose3A_818, %transpose3A_821, %transpose3A_823, %transpose3A_825, %transpose3A_827, %transpose3A_830, %transpose3A_832, %transpose3A_834, %transpose3A_836, %transpose3A_839, %transpose3A_841, %transpose3A_843, %transpose3A_845, %transpose3A_848, %transpose3A_850, %transpose3A_852, %transpose3A_854, %transpose3A_857, %transpose3A_859, %transpose3A_861, %transpose3A_863, %transpose3A_866, %transpose3A_868, %transpose3A_870, %transpose3A_872, %transpose3A_875, %transpose3A_877, %transpose3A_879, %transpose3A_881, %transpose3A_884, %transpose3A_886, %transpose3A_888, %transpose3A_890, %transpose3A_893, %transpose3A_895, %transpose3A_897, %transpose3A_899, %transpose3A_902, %transpose3A_904, %transpose3A_906, %transpose3A_908, %transpose3A_911, %transpose3A_913, %transpose3A_915, %transpose3A_917, %transpose3A_920, %transpose3A_922, %transpose3A_924, %transpose3A_926, %transpose3A_929, %transpose3A_931, %transpose3A_933, %transpose3A_935, %transpose3A_938, %transpose3A_940, %transpose3A_942, %transpose3A_944, %transpose3A_947, %transpose3A_949, %transpose3A_951, %transpose3A_953, %transpose3A_956, %transpose3A_958, %transpose3A_960, %transpose3A_962, %transpose3A_965, %transpose3A_967, %transpose3A_969, %transpose3A_971, %transpose3A_974, %transpose3A_976, %transpose3A_978, %transpose3A_980, %transpose3A_983, %transpose3A_985, %transpose3A_987, %transpose3A_989, %transpose3A_992, %transpose3A_994, %transpose3A_996, %transpose3A_998, %transpose3A_1001, %transpose3A_1003, %transpose3A_1005, %transpose3A_1007, %transpose3A_1010, %transpose3A_1012, %transpose3A_1014, %transpose3A_1016, %transpose3A_1019, %transpose3A_1021, %transpose3A_1023, %transpose3A_1025, %transpose3A_1028, %transpose3A_1030, %transpose3A_1032, %transpose3A_1034, %transpose3A_1037, %transpose3A_1039, %transpose3A_1041, %transpose3A_1043, %transpose3A_1046, %transpose3A_1048, %transpose3A_1050, %transpose3A_1052, %transpose3A_1055, %transpose3A_1057, %transpose3A_1059, %transpose3A_1061, %transpose3A_1064, %transpose3A_1066, %transpose3A_1068, %transpose3A_1070, %transpose3A_1073, %transpose3A_1075, %transpose3A_1077, %transpose3A_1079, %transpose3A_1082, %transpose3A_1084, %transpose3A_1086, %transpose3A_1088, %transpose3A_1091, %transpose3A_1093, %transpose3A_1095, %transpose3A_1097, %transpose3A_1100, %transpose3A_1102, %transpose3A_1104, %transpose3A_1106, %transpose3A_1109, %transpose3A_1111, %transpose3A_1113, %transpose3A_1115, %transpose3A_1118, %transpose3A_1120, %transpose3A_1122, %transpose3A_1124, %transpose3A_1127, %transpose3A_1129, %transpose3A_1131, %transpose3A_1133, %transpose3A_1136, %transpose3A_1138, %transpose3A_1140, %transpose3A_1142, %transpose3A_1145, %transpose3A_1147, %transpose3A_1149, %transpose3A_1151 in 1 : vector<32x32xf32>, vector<32x32xf32>, vector<32x32xf32>, vector<32x32xf32>, vector<32x32xf32>, vector<32x32xf32>, vector<32x32xf32>, vector<32x32xf32>, vector<32x32xf32>, vector<32x32xf32>, vector<32x32xf32>, vector<32x32xf32>, vector<32x32xf32>, vector<32x32xf32>, vector<32x32xf32>, vector<32x32xf32>, vector<32x32xf32>, vector<32x32xf32>, vector<32x32xf32>, vector<32x32xf32>, vector<32x32xf32>, vector<32x32xf32>, vector<32x32xf32>, vector<32x32xf32>, vector<32x32xf32>, vector<32x32xf32>, vector<32x32xf32>, vector<32x32xf32>, vector<32x32xf32>, vector<32x32xf32>, vector<32x32xf32>, vector<32x32xf32>, vector<32x32xf32>, vector<32x32xf32>, vector<32x32xf32>, vector<32x32xf32>, vector<32x32xf32>, vector<32x32xf32>, vector<32x32xf32>, vector<32x32xf32>, vector<32x32xf32>, vector<32x32xf32>, vector<32x32xf32>, vector<32x32xf32>, vector<32x32xf32>, vector<32x32xf32>, vector<32x32xf32>, vector<32x32xf32>, vector<32x32xf32>, vector<32x32xf32>, vector<32x32xf32>, vector<32x32xf32>, vector<32x32xf32>, vector<32x32xf32>, vector<32x32xf32>, vector<32x32xf32>, vector<32x32xf32>, vector<32x32xf32>, vector<32x32xf32>, vector<32x32xf32>, vector<32x32xf32>, vector<32x32xf32>, vector<32x32xf32>, vector<32x32xf32>, vector<32x32xf32>, vector<32x32xf32>, vector<32x32xf32>, vector<32x32xf32>, vector<32x32xf32>, vector<32x32xf32>, vector<32x32xf32>, vector<32x32xf32>, vector<32x32xf32>, vector<32x32xf32>, vector<32x32xf32>, vector<32x32xf32>, vector<32x32xf32>, vector<32x32xf32>, vector<32x32xf32>, vector<32x32xf32>, vector<32x32xf32>, vector<32x32xf32>, vector<32x32xf32>, vector<32x32xf32>, vector<32x32xf32>, vector<32x32xf32>, vector<32x32xf32>, vector<32x32xf32>, vector<32x32xf32>, vector<32x32xf32>, vector<32x32xf32>, vector<32x32xf32>, vector<32x32xf32>, vector<32x32xf32>, vector<32x32xf32>, vector<32x32xf32>, vector<32x32xf32>, vector<32x32xf32>, vector<32x32xf32>, vector<32x32xf32>, vector<32x32xf32>, vector<32x32xf32>, vector<32x32xf32>, vector<32x32xf32>, vector<32x32xf32>, vector<32x32xf32>, vector<32x32xf32>, vector<32x32xf32>, vector<32x32xf32>, vector<32x32xf32>, vector<32x32xf32>, vector<32x32xf32>, vector<32x32xf32>, vector<32x32xf32>, vector<32x32xf32>, vector<32x32xf32>, vector<32x32xf32>, vector<32x32xf32>, vector<32x32xf32>, vector<32x32xf32>, vector<32x32xf32>, vector<32x32xf32>, vector<32x32xf32>, vector<32x32xf32>, vector<32x32xf32>, vector<32x32xf32>, vector<32x32xf32>, vector<32x32xf32>, vector<32x32xf32>, vector<32x32xf32>, vector<32x32xf32>, vector<32x32xf32>, vector<32x32xf32>, vector<32x32xf32>, vector<32x32xf32>, vector<32x32xf32>, vector<32x32xf32>, vector<32x32xf32>, vector<32x32xf32>, vector<32x32xf32>, vector<32x32xf32>, vector<32x32xf32>, vector<32x32xf32>, vector<32x32xf32>, vector<32x32xf32>, vector<32x32xf32>, vector<32x32xf32>, vector<32x32xf32>, vector<32x32xf32>, vector<32x32xf32>, vector<32x32xf32>, vector<32x32xf32>, vector<32x32xf32>, vector<32x32xf32>, vector<32x32xf32>, vector<32x32xf32>, vector<32x32xf32>, vector<32x32xf32>, vector<32x32xf32>, vector<32x32xf32>, vector<32x32xf32>, vector<32x32xf32>, vector<32x32xf32>, vector<32x32xf32>, vector<32x32xf32>, vector<32x32xf32>, vector<32x32xf32>, vector<32x32xf32>, vector<32x32xf32>, vector<32x32xf32>, vector<32x32xf32>, vector<32x32xf32>, vector<32x32xf32>, vector<32x32xf32>, vector<32x32xf32>, vector<32x32xf32>, vector<32x32xf32>, vector<32x32xf32>, vector<32x32xf32>, vector<32x32xf32>, vector<32x32xf32>, vector<32x32xf32>, vector<32x32xf32>, vector<32x32xf32>, vector<32x32xf32>, vector<32x32xf32>, vector<32x32xf32>, vector<32x32xf32>, vector<32x32xf32>, vector<32x32xf32>, vector<32x32xf32>, vector<32x32xf32>, vector<32x32xf32>, vector<32x32xf32>, vector<32x32xf32>, vector<32x32xf32>, vector<32x32xf32>, vector<32x32xf32>, vector<32x32xf32>, vector<32x32xf32>, vector<32x32xf32>, vector<32x32xf32>, vector<32x32xf32>, vector<32x32xf32>, vector<32x32xf32>, vector<32x32xf32>, vector<32x32xf32>, vector<32x32xf32>, vector<32x32xf32>, vector<32x32xf32>, vector<32x32xf32>, vector<32x32xf32>, vector<32x32xf32>, vector<32x32xf32>, vector<32x32xf32>, vector<32x32xf32>, vector<32x32xf32>, vector<32x32xf32>, vector<32x32xf32>, vector<32x32xf32>, vector<32x32xf32>, vector<32x32xf32>, vector<32x32xf32>, vector<32x32xf32>, vector<32x32xf32>, vector<32x32xf32>, vector<32x32xf32>, vector<32x32xf32>, vector<32x32xf32>, vector<32x32xf32>, vector<32x32xf32>, vector<32x32xf32>, vector<32x32xf32>, vector<32x32xf32>, vector<32x32xf32>, vector<32x32xf32>, vector<32x32xf32>, vector<32x32xf32>, vector<32x32xf32>, vector<32x32xf32>, vector<32x32xf32>, vector<32x32xf32>, vector<32x32xf32>, vector<32x32xf32>, vector<32x32xf32>, vector<32x32xf32>, vector<32x32xf32>, vector<32x32xf32>, vector<32x32xf32>, vector<32x32xf32>, vector<32x32xf32>, vector<32x32xf32>, vector<32x32xf32>, vector<32x32xf32>, vector<32x32xf32>, vector<32x32xf32>, vector<32x32xf32>, vector<32x32xf32>, vector<32x32xf32>, vector<32x32xf32>, vector<32x32xf32>, vector<32x32xf32>, vector<32x32xf32>, vector<32x32xf32>, vector<32x32xf32>, vector<32x32xf32>, vector<32x32xf32>, vector<32x32xf32>, vector<32x32xf32>, vector<32x32xf32>, vector<32x32xf32>, vector<32x32xf32>, vector<32x32xf32>, vector<32x32xf32>, vector<32x32xf32>, vector<32x32xf32>, vector<32x32xf32>, vector<32x32xf32>, vector<32x32xf32>, vector<32x32xf32>, vector<32x32xf32>, vector<32x32xf32>, vector<32x32xf32>, vector<32x32xf32>, vector<32x32xf32>, vector<32x32xf32>, vector<32x32xf32>, vector<32x32xf32>, vector<32x32xf32>, vector<32x32xf32>, vector<32x32xf32>, vector<32x32xf32>, vector<32x32xf32>, vector<32x32xf32>, vector<32x32xf32>, vector<32x32xf32>, vector<32x32xf32>, vector<32x32xf32>, vector<32x32xf32>, vector<32x32xf32>, vector<32x32xf32>, vector<32x32xf32>, vector<32x32xf32>, vector<32x32xf32>, vector<32x32xf32>, vector<32x32xf32>, vector<32x32xf32>, vector<32x32xf32>, vector<32x32xf32>, vector<32x32xf32>, vector<32x32xf32>, vector<32x32xf32>, vector<32x32xf32>, vector<32x32xf32>, vector<32x32xf32>, vector<32x32xf32>, vector<32x32xf32>, vector<32x32xf32>, vector<32x32xf32>, vector<32x32xf32>, vector<32x32xf32>, vector<32x32xf32>, vector<32x32xf32>, vector<32x32xf32>, vector<32x32xf32>, vector<32x32xf32>, vector<32x32xf32>, vector<32x32xf32>, vector<32x32xf32>, vector<32x32xf32>, vector<32x32xf32>, vector<32x32xf32>, vector<32x32xf32>, vector<32x32xf32>, vector<32x32xf32>, vector<32x32xf32>, vector<32x32xf32>, vector<32x32xf32>, vector<32x32xf32>, vector<32x32xf32>, vector<32x32xf32>, vector<32x32xf32>, vector<32x32xf32>, vector<32x32xf32>, vector<32x32xf32>, vector<32x32xf32>, vector<32x32xf32>, vector<32x32xf32>, vector<32x32xf32>, vector<32x32xf32>, vector<32x32xf32>, vector<32x32xf32>, vector<32x32xf32>, vector<32x32xf32>, vector<32x32xf32>, vector<32x32xf32>, vector<32x32xf32>, vector<32x32xf32>, vector<32x32xf32>, vector<32x32xf32>, vector<32x32xf32>, vector<32x32xf32>, vector<32x32xf32>, vector<32x32xf32>, vector<32x32xf32>, vector<32x32xf32>, vector<32x32xf32>, vector<32x32xf32>, vector<32x32xf32>, vector<32x32xf32>, vector<32x32xf32>, vector<32x32xf32>, vector<32x32xf32>, vector<32x32xf32>, vector<32x32xf32>, vector<32x32xf32>, vector<32x32xf32>, vector<32x32xf32>, vector<32x32xf32>, vector<32x32xf32>, vector<32x32xf32>, vector<32x32xf32>, vector<32x32xf32>, vector<32x32xf32>, vector<32x32xf32>, vector<32x32xf32>, vector<32x32xf32>, vector<32x32xf32>, vector<32x32xf32>, vector<32x32xf32>, vector<32x32xf32>, vector<32x32xf32>, vector<32x32xf32>, vector<32x32xf32>, vector<32x32xf32>, vector<32x32xf32>, vector<32x32xf32>, vector<32x32xf32>, vector<32x32xf32>, vector<32x32xf32>, vector<32x32xf32>, vector<32x32xf32>, vector<32x32xf32>, vector<32x32xf32>, vector<32x32xf32>, vector<32x32xf32>, vector<32x32xf32>, vector<32x32xf32>, vector<32x32xf32>, vector<32x32xf32>, vector<32x32xf32>, vector<32x32xf32>, vector<32x32xf32>, vector<32x32xf32>, vector<32x32xf32>, vector<32x32xf32>, vector<32x32xf32>, vector<32x32xf32>, vector<32x32xf32>, vector<32x32xf32>, vector<32x32xf32>, vector<32x32xf32>, vector<32x32xf32>, vector<32x32xf32>, vector<32x32xf32>, vector<32x32xf32>, vector<32x32xf32>, vector<32x32xf32>, vector<32x32xf32>, vector<32x32xf32>, vector<32x32xf32>, vector<32x32xf32>, vector<32x32xf32>, vector<32x32xf32>, vector<32x32xf32>, vector<32x32xf32>, vector<32x32xf32>, vector<32x32xf32>, vector<32x32xf32>, vector<32x32xf32>, vector<32x32xf32>, vector<32x32xf32>, vector<32x32xf32>, vector<32x32xf32>, vector<32x32xf32>, vector<32x32xf32>, vector<32x32xf32>, vector<32x32xf32>, vector<32x32xf32>, vector<32x32xf32>, vector<32x32xf32>, vector<32x32xf32>, vector<32x32xf32>, vector<32x32xf32>, vector<32x32xf32>, vector<32x32xf32>, vector<32x32xf32>, vector<32x32xf32>, vector<32x32xf32>, vector<32x32xf32>, vector<32x32xf32>, vector<32x32xf32>, vector<32x32xf32>, vector<32x32xf32>, vector<32x32xf32>, vector<32x32xf32>, vector<32x32xf32>, vector<32x32xf32>, vector<32x32xf32>, vector<32x32xf32>, vector<32x32xf32>, vector<32x32xf32>, vector<32x32xf32>, vector<32x32xf32>, vector<32x32xf32>, vector<32x32xf32>, vector<32x32xf32>, vector<32x32xf32>, vector<32x32xf32>, vector<32x32xf32>, vector<32x32xf32>, vector<32x32xf32>, vector<32x32xf32>, vector<32x32xf32>, vector<32x32xf32>, vector<32x32xf32>, vector<32x32xf32>, vector<32x32xf32>, vector<32x32xf32>, vector<32x32xf32>, vector<32x32xf32>, vector<32x32xf32>, vector<32x32xf32>, vector<32x32xf32>, vector<32x32xf32>, vector<32x32xf32>, vector<32x32xf32>, vector<32x32xf32>, vector<32x32xf32>, vector<32x32xf32>, vector<32x32xf32>, vector<32x32xf32>, vector<32x32xf32>, vector<32x32xf32>, vector<32x32xf32>, vector<32x32xf32>, vector<32x32xf32>, vector<32x32xf32>, vector<32x32xf32>, vector<32x32xf32>, vector<32x32xf32>, vector<32x32xf32> -> vector<32x16384xf32>
    %swap3A = arith.constant 0 : index
    %swap3A_1152 = arith.constant 0 : index
    %swap3A_1153 = arith.constant 0 : index
    %swap3A_1154 = vector.load %arg3[%swap3A, %swap3A_1152, %swap3A_1153] : memref<1x32x16384xf32, #tpu.memory_space<vmem>>, vector<1x32x16384xf32>
    %swap3A_1155 = vector.shape_cast %swap3A_1154 : vector<1x32x16384xf32> to vector<32x16384xf32>
    %swap3A_1156 = vector.shape_cast %concatenate3A : vector<32x16384xf32> to vector<1x32x16384xf32>
    tpu.vector_store %arg3[%swap3A, %swap3A_1152, %swap3A_1153], %swap3A_1156 {strides = array<i32>} : memref<1x32x16384xf32, #tpu.memory_space<vmem>>, vector<1x32x16384xf32>,
    return
  }
  func.func @transform_0(%arg0: i32, %arg1: i32) -> (i32, i32) {
    %mul3A = arith.constant 1 : i32
    %mul3A_0 = arith.muli %arg0, %mul3A : i32
    %add3A = arith.addi %mul3A_0, %arg1 : i32
    %c0_i32 = arith.constant 0 : i32
    %c0_i32_1 = arith.constant 0 : i32
    return %add3A, %c0_i32 : i32, i32
  }
  func.func @transform_1(%arg0: i32, %arg1: i32) -> (i32, i32, i32) {
    %c0_i32 = arith.constant 0 : i32
    %c0_i32_0 = arith.constant 0 : i32
    return %arg0, %c0_i32, %arg1 : i32, i32, i32
  }
}

</mosaic_0001>

<sc_bundles>
// kernel: kernel.5.cloned.1.call-start
scs
__scs_entry_jumppad:
0x0: {  	(pc) =	sbr.rel $0x88, $3  }
0x1: {  	(tag) =	ssettag $0x0;
	lr =	simm.s32 $0x1  }
0x2: {  	[smem:$0x3F9F] =	sst lr;
	_ =	strace $0xD0000000  }
0x3: {  	_ = 	snop  }
0x4: {  	_ = 	snop  }
0x5: {  	_ = 	snop  }
0x6: {  	_ = 	snop  }
0x7: {  	_ = 	snop  }
__scs_overlays_trampoline_lowered:
0x8: {  	[smem:$0x3FAE] =	sst s0  }
0x9: {  	[smem:$0x3FAF] =	sst s1  }
0xa: {  	[smem:$0x3FB0] =	sst s2  }
0xb: {  	[smem:$0x3FB1] =	sst s3  }
0xc: {  	[smem:$0x3FB2] =	sst s4  }
0xd: {  	[smem:$0x3FB3] =	sst s5  }
0xe: {  	[smem:$0x3FB4] =	sst s6  }
0xf: {  	[smem:$0x3FB5] =	sst s7  }
0x10: {  	[smem:$0x3FB6] =	sst s8  }
0x11: {  	[smem:$0x3FB7] =	sst s9;
	s0 =	simm.s32 @!p0 $0x0  }
0x12: {  	s1 =	sld [smem:$0x3F9D];
	s0 =	simm.s32 @p0 $0x1  }
0x13: {  	[smem:$0x3FB8] =	sst s0;
	s0 =	simm.s32 @!p1 $0x0  }
0x14: {  	s2 =	sld [smem:$0x3F9C];
	s0 =	simm.s32 @p1 $0x1  }
0x15: {  	[smem:$0x3FB9] =	sst s0;
	s0 =	simm.s32 @!p2 $0x0  }
0x16: {  	s3 =	sld [smem:$0x3FDB];
	s0 =	simm.s32 @p2 $0x1  }
0x17: {  	s4 =	simm.s32 $0x1BF5;
	[smem:$0x3FBB] =	sst s0  }
0x18: {  	s0 =	sld [smem:$0x3F9E];
	_ =	swait.ge [sflag:s4], $0x0  }
0x19: {  	s7 =	sld [smem:$0x3F9F]  }
0x1a: {  	s8 =	sadd.s32 $0xFFFFE003, lr  }
0x1b: {  	s9 =	sadd.s32 $0xFFFFFEF7, lr;
	s5 =	simm.s32 $0xFFFFFFFF;
	p2 =	slt.u32 s8, $0xFFFFF086  }
0x1c: {  	p1 =	slt.u32 s9, $0xF7A;
	s5 =	simm.s32 @!p2 $0x0  }
0x1d: {  	s5 =	simm.s32 @p1 $0x1;
	p0 =	seq.s32 s7, s2  }
0x1e: {  	s7 =	smul.u32 @!p0 $0xF7A, s2;
	p2 =	seq.s32 @!p0 s5, $0x0  }
0x1f: {  	s9 =	smul.u32 $0xF7A, s1;
	s8 =	simm.s32 @!p0 $0x1BF5;
	p2 =	por !p2, p0  }
0x20: {  	[sflag:s8] =	ssyncset.s32 @!p0 $0xFFFFF086;
	s6 =	sadd.s32 @!p0 s3, s7;
	s7 =	simm.s32 @!p0 $0x108  }
0x21: {  	s3 =	sadd.s32 s3, s9;
	s6 =	sadd.s32 @!p0 $0x88, s6;
	s7 =	simm.s32 @p2 $0x1082  }
0x22: {  	[simem:s7], [sflag:s8] =	dma.local @!p0 [hbm:s6], $0xF7A  }
0x23: {  	s9 =	sor.u32 $0xD0000000, s2;
	s6 =	simm.s32 $0x108;
	_ =	swait.ge @!p0 [sflag:s8], $0x0  }
0x24: {  	s3 =	sadd.s32 $0x88, s3;
	s6 =	simm.s32 @!p1 $0x1082;
	[sflag:s4] =	ssyncset.s32 $0xFFFFF086  }
0x25: {  	[simem:s6], [sflag:s4] =	dma.local [hbm:s3], $0xF7A  }
0x26: {  	[smem:$0x3F9F] =	sst s1;
	(tag) =	ssettag s2;
	_ =	strace s9  }
0x27: {  	s1 =	sld [smem:$0x3FAF]  }
0x28: {  	s2 =	sld [smem:$0x3FB0]  }
0x29: {  	s4 =	sld [smem:$0x3FB2]  }
0x2a: {  	p0 =	seq.s32 s5, $0x0;
	s5 =	sld [smem:$0x3FB3]  }
0x2b: {  	s6 =	sld [smem:$0x3FB4]  }
0x2c: {  	s7 =	sld [smem:$0x3FB5]  }
0x2d: {  	s3 =	simm.s32 $0x108;
	s8 =	sld [smem:$0x3FB6]  }
0x2e: {  	s3 =	simm.s32 @!p0 $0x1082;
	s9 =	sld [smem:$0x3FB7]  }
0x2f: {  	lr =	sadd.s32 s0, s3;
	s0 =	sld [smem:$0x3FAE]  }
0x30: {  	s3 =	sld [smem:$0x3FB1]  }
0x31: {  	[smem:$0x3FBA] =	sst s10  }
0x32: {  	s10 =	sld [smem:$0x3FB8];
	_ =	sdelay $0x3  }
0x33: {  	p0 =	seq.s32 s10, $0x1;
	s10 =	sld [smem:$0x3FBA];
	_ =	sdelay $0x3  }
0x34: {  	[smem:$0x3FBA] =	sst s10  }
0x35: {  	s10 =	sld [smem:$0x3FB9];
	_ =	sdelay $0x3  }
0x36: {  	p1 =	seq.s32 s10, $0x1;
	s10 =	sld [smem:$0x3FBA];
	_ =	sdelay $0x3  }
0x37: {  	[smem:$0x3FBA] =	sst s10  }
0x38: {  	s10 =	sld [smem:$0x3FBB]  }
0x39: {  	_ = 	snop;
	(pc) =	sbr.ind lr, $3  }
0x3a: {  	_ = 	snop  }
0x3b: {  	_ = 	snop  }
0x3c: {  	p2 =	seq.s32 s10, $0x1;
	s10 =	sld [smem:$0x3FBA]  }
0x3d: {  	_ =	shalt  }
0x3e: {  	_ =	shalt  }
0x3f: {  	_ =	shalt  }
0x40: {  	_ =	shalt  }
0x41: {  	_ =	shalt  }
0x42: {  	_ =	shalt  }
0x43: {  	_ =	shalt  }
0x44: {  	_ =	shalt  }
0x45: {  	_ =	shalt  }
0x46: {  	_ =	shalt  }
0x47: {  	_ =	shalt  }
0x48: {  	_ =	shalt  }
0x49: {  	_ =	shalt  }
0x4a: {  	_ =	shalt  }
0x4b: {  	_ =	shalt  }
0x4c: {  	_ =	shalt  }
0x4d: {  	_ =	shalt  }
0x4e: {  	_ =	shalt  }
0x4f: {  	_ =	shalt  }
0x50: {  	_ =	shalt  }
0x51: {  	_ =	shalt  }
0x52: {  	_ =	shalt  }
0x53: {  	_ =	shalt  }
0x54: {  	_ =	shalt  }
0x55: {  	_ =	shalt  }
0x56: {  	_ =	shalt  }
0x57: {  	_ =	shalt  }
0x58: {  	_ =	shalt  }
0x59: {  	_ =	shalt  }
0x5a: {  	_ =	shalt  }
0x5b: {  	_ =	shalt  }
0x5c: {  	_ =	shalt  }
0x5d: {  	_ =	shalt  }
0x5e: {  	_ =	shalt  }
0x5f: {  	_ =	shalt  }
0x60: {  	_ =	shalt  }
0x61: {  	_ =	shalt  }
0x62: {  	_ =	shalt  }
0x63: {  	_ =	shalt  }
0x64: {  	_ =	shalt  }
0x65: {  	_ =	shalt  }
0x66: {  	_ =	shalt  }
0x67: {  	_ =	shalt  }
0x68: {  	_ =	shalt  }
0x69: {  	_ =	shalt  }
0x6a: {  	_ =	shalt  }
0x6b: {  	_ =	shalt  }
0x6c: {  	_ =	shalt  }
0x6d: {  	_ =	shalt  }
0x6e: {  	_ =	shalt  }
0x6f: {  	_ =	shalt  }
0x70: {  	_ =	shalt  }
0x71: {  	_ =	shalt  }
0x72: {  	_ =	shalt  }
0x73: {  	_ =	shalt  }
0x74: {  	_ =	shalt  }
0x75: {  	_ =	shalt  }
0x76: {  	_ =	shalt  }
0x77: {  	_ =	shalt  }
0x78: {  	_ =	shalt  }
0x79: {  	_ =	shalt  }
0x7a: {  	_ =	shalt  }
0x7b: {  	_ =	shalt  }
0x7c: {  	_ =	shalt  }
0x7d: {  	_ =	shalt  }
0x7e: {  	_ =	shalt  }
0x7f: {  	_ =	shalt  }
0x80: {  	_ =	shalt  }
0x81: {  	_ =	shalt  }
0x82: {  	_ =	shalt  }
0x83: {  	_ =	shalt  }
0x84: {  	_ =	shalt  }
0x85: {  	_ =	shalt  }
0x86: {  	_ =	shalt  }
0x87: {  	_ =	shalt  }
.Lfunc_end0:
.L_simem_size_0:
called_computation_lowered:
.L_overlay_start_0:
0x88: {  	s2 =	sld [smem:$0x3FD9]  }
0x89: {  	s3 =	sld [smem:$0x3FFE];
	_ =	sdelay $0x1  }
0x8a: {  	s1 =	srdreg.scid  }
0x8b: {  	s0 =	sand.u32 $0x1, s1  }
0x8c: {  	s17 =	sshll.u32 s0, $0xA;
	s2 =	sadd.s32 s3, s2  }
0x8d: {  	s2 =	sadd.s32 s2, s17  }
0x8e: {  	[smem:$0x3FC6] =	sst s2  }
0x8f: {  	_ = 	snop  }
0x90: {  	s2 =	sld [smem:$0x3FD0];
	(tm) =	ssettm $0x1  }
0x91: {  	s18 =	sld [smem:$0x3FFB];
	_ =	sdelay $0x3  }
0x92: {  	_ =	strace s18  }
0x93: {  	s3 =	sld [smem:$0x3FFC];
	_ =	sdelay $0x3  }
0x94: {  	_ =	strace s3  }
0x95: {  	s3 =	sld [smem:$0x3FFD];
	_ =	sdelay $0x3  }
0x96: {  	_ =	strace s3  }
0x97: {  	_ =	strace $0x8FFFFFFF  }
0x98: {  	s19 =	sld [smem:$0x3FDB];
	_ =	sdelay $0x1  }
0x99: {  	s4 =	simm.s32 $_scs_section_size  }
0x9a: {  	s5 =	simm.s32 $_size__tile_overlayer_lowered;
	s6 =	simm.s32 $_tile_overlayer_lowered  }
0x9b: {  	s22 =	simm.s32 $0x1BFF;
	s21 =	sshll.u32 s6, $0x1;
	s3 =	sadd.s32 s4, s19  }
0x9c: {  	s7 =	simm.s32 $0x0;
	s20 =	sshll.u32 s5, $0x1;
	s5 =	sadd.s32 s21, s3  }
0x9d: {  	[timem:s7], [sflag:s22] =	dma.local [hbm:s5], s20  }
0x9e: {  	_ =	swait.ge [sflag:s22], s20  }
0x9f: {  	s4 =	ssub.s32 $0x0, s20;
	[sflag:s22] =	ssyncset.done $0x0  }
0xa0: {  	[sflag:s22] =	ssyncadd.s32 s4;
	_ =	sdelay $0x1  }
0xa1: {  	s23 =	simm.s32 $0x1B8B  }
0xa2: {  	_ =	swait.ge [sflag:s23], $0x1  }
0xa3: {  	[sflag:s23] =	ssyncset.done $0x0  }
0xa4: {  	s25 =	simm.s32 $0x1B8E;
	s24 =	sld [smem:$0x3FFE];
	[sflag:s23] =	ssyncadd.s32 $0xFFFFFFFF  }
0xa5: {  	s26 =	simm.s32 $execute0_lowered;
	[smem:$0x3FD2] =	sst s25  }
0xa6: {  	s5 =	sshll.u32 s26, $0x1;
	_ =	strace $0x80000046;
	[dreg:$0x1] =	wrdreg $0xFFFFFFFF  }
0xa7: {  	s28 =	simm.s32 $_size_execute0_lowered;
	s3 =	sadd.s32 s3, s5;
	[dreg:$0x0] =	wrdreg $0x0  }
0xa8: {  	s5 =	sshll.u32 s28, $0x1;
	[dreg:$0x2] =	wrdreg s3  }
0xa9: {  	[dreg:$0x3] =	wrdreg s5  }
0xaa: {  	[dreg:$0x4] =	wrdreg $0xC0  }
0xab: {  	_ =	task [dreg:s7], $0x5FFFF  }
0xac: {  	[dreg:$0x1] =	wrdreg $0xFFFFFFFF  }
0xad: {  	[dreg:$0x0] =	wrdreg $0x60  }
0xae: {  	[dreg:$0x2] =	wrdreg s2  }
0xaf: {  	[dreg:$0x3] =	wrdreg s24  }
0xb0: {  	[dreg:$0x4] =	wrdreg $0x9  }
0xb1: {  	_ =	task.clear_ibuf [dreg:s7], $0x5FFFF;
	_ =	strace $0x90000046  }
0xb2: {  	s29 =	simm.s32 $0x9;
	_ =	strace $0x80000048  }
0xb3: {  	_ =	swait.ge [sflag:s29], $0x1  }
0xb4: {  	[sflag:s29] =	ssyncadd.s32 $0xFFFFFFFF  }
0xb5: {  	_ =	strace $0x90000048  }
0xb6: {  	_ =	sfence  }
0xb7: {  	s30 =	sld [smem:$0x0];
	_ =	sdelay $0x2  }
0xb8: {  	s31 =	sshll.u32 s1, $0xD;
	s1 =	sshrl.u32 s1, $0x2  }
0xb9: {  	s3 =	sand.u32 $0x4000, s31;
	s1 =	sadd.s32 s1, s30  }
0xba: {  	s0 =	sor.u32 s3, s0;
	s1 =	sshll.u32 s1, $0x11  }
0xbb: {  	s0 =	sor.u32 s1, s0  }
0xbc: {  	s0 =	sadd.s32 $0x8F2B, s0  }
0xbd: {  	[sflag:s0] =	ssyncadd.remote.s32 $0x1  }
0xbe: {  	_ =	sfence.sel $0xFFFF  }
0xbf: {  	[dreg:$0x0] =	wrdreg $0xFFFFFFFF;
	(pc) =	sbr.abs _section_cstart, $3  }
0xc0: {  	[dreg:$0x1] =	wrdreg $0xFFFFFFFF  }
0xc1: {  	_ =	task.clear_ibuf [dreg:s7], $0x2FFFF;
	_ =	strace $0x9FFFFFFF  }
0xc2: {  	(tm) =	ssettm $0x7FFFFFFF  }
0xc3: {  	_ =	shalt  }
tec
execute0_lowered:
.L_overlay_start_1:
0x0: {  	(tag) =	ssettag $0x1  }
0x1: {  	s0 =	srdreg.scid;
	s1 =	rddreg [dreg:$0x0]  }
0x2: {  	s10 =	stileid.u32;
	s4 =	rddreg [dreg:$0x1];
	s11 =	simm.s32 $0x80  }
0x3: {  	s12 =	simm.s32 $0x6400;
	s13 =	simm.s32 $0x7400;
	s15 =	simm.s32 $0x8400  }
0x4: {  	s17 =	simm.s32 $0x9400;
	s28 =	simm.s32 $0xE400;
	s30 =	simm.s32 $0xF400  }
0x5: {  	s14 =	simm.s32 $0x11400;
	s31 =	simm.s32 $0x15400;
	s8 =	smul.u32 $0x32000, s10  }
0x6: {  	s0 =	sand.u32 $0x1, s0;
	s2 =	sshll.u32 s10, $0x1;
	s10 =	smul.u32 $0x190, s10  }
0x7: {  	s16 =	simm.s32 $0x16400;
	s3 =	sor.u32 s0, s2;
	s18 =	smul.u32 $0xC8, s0  }
0x8: {  	s2 =	simm.s32 $0x0;
	s7 =	ssub.s32 $0x2, s0;
	s0 =	smul.u32 $0x19000, s0  }
0x9: {  	s29 =	simm.s32 $0x19400;
	s5 =	smul.u32 $0xC80, s3;
	[smem:$0x7FF] =	sst s2  }
0xa: {  	s6 =	smul.u32 $0x19000, s3;
	s3 =	sadd.s32 $0x400, s4;
	s9 =	sshrl.u32 s7, $0x1  }
0xb: {  	s4 =	sadd.s32 $0x3E0400, s4;
	_ =	strace $0x80000047;
	s7 =	ssub.s32 s7, s9  }
0xc: {  	s20 =	sadd.s32 s8, s4;
	s21 =	sadd.s32 s18, s10;
	s18 =	simm.s32 $0x12400  }
0xd: {  	s8 =	simm.s32 $0x0;
	s1 =	sadd.s32 s1, s5;
	s19 =	smax.u32 s7, $0x1  }
0xe: {  	s6 =	sadd.s32 s4, s6;
	s0 =	sadd.s32 s0, s20;
	s23 =	sshll.u32 s21, $0x9  }
0xf: {  	s21 =	simm.s32 $0xB400;
	s20 =	simm.s32 $0x1;
	[dreg:$0x5] =	wrdreg s1  }
0x10: {  	s5 =	simm.s32 $0x2;
	s7 =	simm.s32 $0x4;
	[dreg:$0x6] =	wrdreg s19  }
0x11: {  	s22 =	sadd.s32 $0x1400, s6;
	s24 =	sadd.s32 $0x16800, s6;
	[dreg:$0x7] =	wrdreg s6  }
0x12: {  	s0 =	sadd.s32 $0x2800, s0;
	s1 =	sadd.s32 s4, s23;
	[dreg:$0x8] =	wrdreg s22  }
0x13: {  	s25 =	sadd.s32 $0x17C00, s6;
	s19 =	simm.s32 $0xA400;
	[dreg:$0x9] =	wrdreg s24  }
0x14: {  	s23 =	simm.s32 $0xC400;
	s4 =	simm.s32 $0x3;
	[dreg:$0xa] =	wrdreg s25  }
0x15: {  	[dreg:$0x3] =	wrdreg s0;
	s26 =	sadd.s32 $0x3C00, s1;
	s25 =	simm.s32 $0xD400  }
0x16: {  	s1 =	simm.s32 $0x10400;
	s22 =	simm.s32 $0x13400;
	s24 =	simm.s32 $0x17400  }
0x17: {  	s0 =	simm.s32 $0x18400;
	[dreg:$0x4] =	wrdreg s26;
	s26 =	simm.s32 $0x14400  }
.LBB2_1:
0x18: {  	[dreg:$0xb] =	wrdreg s8  }
0x19: {  	s6 =	rddreg [dreg:$0x5];
	s9 =	simm.s32 $0x5  }
0x1a: {  	[tilespmem:s2], [sflag:$0x5] =	stream.linear.gather [hbm4b:s6+s2], $0x6400, $0x38;
	[tilespmem:$0x1A400] =	vst v63  }
0x1b: {  	_ =	swait.ge [sflag:s9], $0x6400  }
0x1c: {  	[sflag:s9] =	ssyncset.done $0x0  }
0x1d: {  	[sflag:s9] =	ssyncadd.s32 $0xFFFF9C00  }
0x1e: {  	[tilespmem:s12], [sflag:$0x1] =	stream.indirect.gather [hbm4b:s3+s11], $0x20, s2, s11, $0xb8;
	[tilespmem:$0x1A400] =	vst v63  }
0x1f: {  	_ = 	snop  }
0x20: {  	[tilespmem:s13], [sflag:$0x1] =	stream.indirect.gather [hbm4b:s3+s11], $0x20, s11, s11, $0xb8;
	[tilespmem:$0x1A400] =	vst v63  }
0x21: {  	s10 =	simm.s32 $0x100  }
0x22: {  	[tilespmem:s15], [sflag:$0x1] =	stream.indirect.gather [hbm4b:s3+s11], $0x20, s10, s11, $0xb8;
	[tilespmem:$0x1A400] =	vst v63  }
0x23: {  	s8 =	simm.s32 $0x180  }
0x24: {  	[tilespmem:s17], [sflag:$0x1] =	stream.indirect.gather [hbm4b:s3+s11], $0x20, s8, s11, $0xb8;
	[tilespmem:$0x1A400] =	vst v63  }
0x25: {  	s9 =	simm.s32 $0x200  }
0x26: {  	[tilespmem:s19], [sflag:$0x1] =	stream.indirect.gather [hbm4b:s3+s11], $0x20, s9, s11, $0xb8;
	[tilespmem:$0x1A400] =	vst v63  }
0x27: {  	s10 =	simm.s32 $0x280  }
0x28: {  	[tilespmem:s21], [sflag:$0x1] =	stream.indirect.gather [hbm4b:s3+s11], $0x20, s10, s11, $0xb8;
	[tilespmem:$0x1A400] =	vst v63  }
0x29: {  	s8 =	simm.s32 $0x300  }
0x2a: {  	[tilespmem:s23], [sflag:$0x1] =	stream.indirect.gather [hbm4b:s3+s11], $0x20, s8, s11, $0xb8;
	[tilespmem:$0x1A400] =	vst v63  }
0x2b: {  	s9 =	simm.s32 $0x380  }
0x2c: {  	[tilespmem:s25], [sflag:$0x1] =	stream.indirect.gather [hbm4b:s3+s11], $0x20, s9, s11, $0xb8;
	[tilespmem:$0x1A400] =	vst v63  }
0x2d: {  	s10 =	simm.s32 $0x400  }
0x2e: {  	[tilespmem:s28], [sflag:$0x1] =	stream.indirect.gather [hbm4b:s3+s11], $0x20, s10, s11, $0xb8;
	[tilespmem:$0x1A400] =	vst v63  }
0x2f: {  	s8 =	simm.s32 $0x480  }
0x30: {  	[tilespmem:s30], [sflag:$0x1] =	stream.indirect.gather [hbm4b:s3+s11], $0x20, s8, s11, $0xb8;
	[tilespmem:$0x1A400] =	vst v63  }
0x31: {  	s9 =	simm.s32 $0x500  }
0x32: {  	[tilespmem:s1], [sflag:$0x2] =	stream.indirect.gather [hbm4b:s3+s11], $0x20, s9, s11, $0xb8;
	[tilespmem:$0x1A400] =	vst v63  }
0x33: {  	s10 =	simm.s32 $0x580  }
0x34: {  	[tilespmem:s14], [sflag:$0x2] =	stream.indirect.gather [hbm4b:s3+s11], $0x20, s10, s11, $0xb8;
	[tilespmem:$0x1A400] =	vst v63  }
0x35: {  	s8 =	simm.s32 $0x600  }
0x36: {  	[tilespmem:s18], [sflag:$0x2] =	stream.indirect.gather [hbm4b:s3+s11], $0x20, s8, s11, $0xb8;
	[tilespmem:$0x1A400] =	vst v63  }
0x37: {  	s9 =	simm.s32 $0x680  }
0x38: {  	[tilespmem:s22], [sflag:$0x2] =	stream.indirect.gather [hbm4b:s3+s11], $0x20, s9, s11, $0xb8;
	[tilespmem:$0x1A400] =	vst v63  }
0x39: {  	s10 =	simm.s32 $0x700  }
0x3a: {  	[tilespmem:s26], [sflag:$0x2] =	stream.indirect.gather [hbm4b:s3+s11], $0x20, s10, s11, $0xb8;
	[tilespmem:$0x1A400] =	vst v63  }
0x3b: {  	s8 =	simm.s32 $0x780  }
0x3c: {  	[tilespmem:s31], [sflag:$0x2] =	stream.indirect.gather [hbm4b:s3+s11], $0x20, s8, s11, $0xb8;
	[tilespmem:$0x1A400] =	vst v63  }
0x3d: {  	s9 =	simm.s32 $0x800  }
0x3e: {  	[tilespmem:s16], [sflag:$0x2] =	stream.indirect.gather [hbm4b:s3+s11], $0x20, s9, s11, $0xb8;
	[tilespmem:$0x1A400] =	vst v63  }
0x3f: {  	s10 =	simm.s32 $0x880  }
0x40: {  	[tilespmem:s24], [sflag:$0x2] =	stream.indirect.gather [hbm4b:s3+s11], $0x20, s10, s11, $0xb8;
	[tilespmem:$0x1A400] =	vst v63  }
0x41: {  	s8 =	simm.s32 $0x900  }
0x42: {  	[tilespmem:s0], [sflag:$0x2] =	stream.indirect.gather [hbm4b:s3+s11], $0x20, s8, s11, $0xb8;
	[tilespmem:$0x1A400] =	vst v63  }
0x43: {  	s9 =	simm.s32 $0x980  }
0x44: {  	[tilespmem:s29], [sflag:$0x2] =	stream.indirect.gather [hbm4b:s3+s11], $0x20, s9, s11, $0xb8;
	[tilespmem:$0x1A400] =	vst v63  }
0x45: {  	_ =	swait.ge [sflag:s20], $0xA000  }
0x46: {  	[sflag:s20] =	ssyncset.done $0x0  }
0x47: {  	s10 =	rddreg [dreg:$0x7];
	[sflag:s20] =	ssyncadd.s32 $0xFFFF6000  }
0x48: {  	[hbm4b:s10+s2] =	stream.linear.scatter [tilespmem:s12], [sflag:$0x3], $0xA000, $0x38;
	[tilespmem:$0x1A400] =	vst v63  }
0x49: {  	_ =	swait.ge [sflag:s4], $0xA000  }
0x4a: {  	[sflag:s4] =	ssyncset.done $0x0  }
0x4b: {  	s8 =	simm.s32 $0xA00;
	[sflag:s4] =	ssyncadd.s32 $0xFFFF6000  }
0x4c: {  	[tilespmem:s12], [sflag:$0x1] =	stream.indirect.gather [hbm4b:s3+s11], $0x20, s8, s11, $0xb8;
	[tilespmem:$0x1A400] =	vst v63  }
0x4d: {  	s9 =	simm.s32 $0xA80  }
0x4e: {  	[tilespmem:s13], [sflag:$0x1] =	stream.indirect.gather [hbm4b:s3+s11], $0x20, s9, s11, $0xb8;
	[tilespmem:$0x1A400] =	vst v63  }
0x4f: {  	s10 =	simm.s32 $0xB00  }
0x50: {  	[tilespmem:s15], [sflag:$0x1] =	stream.indirect.gather [hbm4b:s3+s11], $0x20, s10, s11, $0xb8;
	[tilespmem:$0x1A400] =	vst v63  }
0x51: {  	s8 =	simm.s32 $0xB80  }
0x52: {  	[tilespmem:s17], [sflag:$0x1] =	stream.indirect.gather [hbm4b:s3+s11], $0x20, s8, s11, $0xb8;
	[tilespmem:$0x1A400] =	vst v63  }
0x53: {  	s9 =	simm.s32 $0xC00  }
0x54: {  	[tilespmem:s19], [sflag:$0x1] =	stream.indirect.gather [hbm4b:s3+s11], $0x20, s9, s11, $0xb8;
	[tilespmem:$0x1A400] =	vst v63  }
0x55: {  	s10 =	simm.s32 $0xC80  }
0x56: {  	[tilespmem:s21], [sflag:$0x1] =	stream.indirect.gather [hbm4b:s3+s11], $0x20, s10, s11, $0xb8;
	[tilespmem:$0x1A400] =	vst v63  }
0x57: {  	s8 =	simm.s32 $0xD00  }
0x58: {  	[tilespmem:s23], [sflag:$0x1] =	stream.indirect.gather [hbm4b:s3+s11], $0x20, s8, s11, $0xb8;
	[tilespmem:$0x1A400] =	vst v63  }
0x59: {  	s9 =	simm.s32 $0xD80  }
0x5a: {  	[tilespmem:s25], [sflag:$0x1] =	stream.indirect.gather [hbm4b:s3+s11], $0x20, s9, s11, $0xb8;
	[tilespmem:$0x1A400] =	vst v63  }
0x5b: {  	s10 =	simm.s32 $0xE00  }
0x5c: {  	[tilespmem:s28], [sflag:$0x1] =	stream.indirect.gather [hbm4b:s3+s11], $0x20, s10, s11, $0xb8;
	[tilespmem:$0x1A400] =	vst v63  }
0x5d: {  	s8 =	simm.s32 $0xE80  }
0x5e: {  	[tilespmem:s30], [sflag:$0x1] =	stream.indirect.gather [hbm4b:s3+s11], $0x20, s8, s11, $0xb8;
	[tilespmem:$0x1A400] =	vst v63  }
0x5f: {  	_ =	swait.ge [sflag:s5], $0xA000  }
0x60: {  	[sflag:s5] =	ssyncset.done $0x0  }
0x61: {  	s9 =	rddreg [dreg:$0x8];
	[sflag:s5] =	ssyncadd.s32 $0xFFFF6000  }
0x62: {  	[hbm4b:s9+s2] =	stream.linear.scatter [tilespmem:s1], [sflag:$0x4], $0xA000, $0x38;
	[tilespmem:$0x1A400] =	vst v63  }
0x63: {  	_ =	swait.ge [sflag:s7], $0xA000  }
0x64: {  	[sflag:s7] =	ssyncset.done $0x0  }
0x65: {  	s10 =	simm.s32 $0xF00;
	[sflag:s7] =	ssyncadd.s32 $0xFFFF6000  }
0x66: {  	[tilespmem:s1], [sflag:$0x2] =	stream.indirect.gather [hbm4b:s3+s11], $0x20, s10, s11, $0xb8;
	[tilespmem:$0x1A400] =	vst v63  }
0x67: {  	s8 =	simm.s32 $0xF80  }
0x68: {  	[tilespmem:s14], [sflag:$0x2] =	stream.indirect.gather [hbm4b:s3+s11], $0x20, s8, s11, $0xb8;
	[tilespmem:$0x1A400] =	vst v63  }
0x69: {  	s9 =	simm.s32 $0x1000  }
0x6a: {  	[tilespmem:s18], [sflag:$0x2] =	stream.indirect.gather [hbm4b:s3+s11], $0x20, s9, s11, $0xb8;
	[tilespmem:$0x1A400] =	vst v63  }
0x6b: {  	s10 =	simm.s32 $0x1080  }
0x6c: {  	[tilespmem:s22], [sflag:$0x2] =	stream.indirect.gather [hbm4b:s3+s11], $0x20, s10, s11, $0xb8;
	[tilespmem:$0x1A400] =	vst v63  }
0x6d: {  	s8 =	simm.s32 $0x1100  }
0x6e: {  	[tilespmem:s26], [sflag:$0x2] =	stream.indirect.gather [hbm4b:s3+s11], $0x20, s8, s11, $0xb8;
	[tilespmem:$0x1A400] =	vst v63  }
0x6f: {  	s9 =	simm.s32 $0x1180  }
0x70: {  	[tilespmem:s31], [sflag:$0x2] =	stream.indirect.gather [hbm4b:s3+s11], $0x20, s9, s11, $0xb8;
	[tilespmem:$0x1A400] =	vst v63  }
0x71: {  	s10 =	simm.s32 $0x1200  }
0x72: {  	[tilespmem:s16], [sflag:$0x2] =	stream.indirect.gather [hbm4b:s3+s11], $0x20, s10, s11, $0xb8;
	[tilespmem:$0x1A400] =	vst v63  }
0x73: {  	s8 =	simm.s32 $0x1280  }
0x74: {  	[tilespmem:s24], [sflag:$0x2] =	stream.indirect.gather [hbm4b:s3+s11], $0x20, s8, s11, $0xb8;
	[tilespmem:$0x1A400] =	vst v63  }
0x75: {  	s9 =	simm.s32 $0x1300  }
0x76: {  	[tilespmem:s0], [sflag:$0x2] =	stream.indirect.gather [hbm4b:s3+s11], $0x20, s9, s11, $0xb8;
	[tilespmem:$0x1A400] =	vst v63  }
0x77: {  	s10 =	simm.s32 $0x1380  }
0x78: {  	[tilespmem:s29], [sflag:$0x2] =	stream.indirect.gather [hbm4b:s3+s11], $0x20, s10, s11, $0xb8;
	[tilespmem:$0x1A400] =	vst v63  }
0x79: {  	_ =	swait.ge [sflag:s20], $0xA000  }
0x7a: {  	s8 =	rddreg [dreg:$0x3];
	[sflag:s20] =	ssyncset.done $0x0  }
0x7b: {  	[sflag:s20] =	ssyncadd.s32 $0xFFFF6000;
	s6 =	sadd.s32 $0x0, s8  }
0x7c: {  	[hbm4b:s6+s2] =	stream.linear.scatter [tilespmem:s12], [sflag:$0x3], $0xA000, $0x38;
	[tilespmem:$0x1A400] =	vst v63  }
0x7d: {  	_ =	swait.ge [sflag:s4], $0xA000  }
0x7e: {  	[sflag:s4] =	ssyncset.done $0x0  }
0x7f: {  	s9 =	simm.s32 $0x1400;
	[sflag:s4] =	ssyncadd.s32 $0xFFFF6000  }
0x80: {  	[tilespmem:s12], [sflag:$0x1] =	stream.indirect.gather [hbm4b:s3+s11], $0x20, s9, s11, $0xb8;
	[tilespmem:$0x1A400] =	vst v63  }
0x81: {  	s10 =	simm.s32 $0x1480  }
0x82: {  	[tilespmem:s13], [sflag:$0x1] =	stream.indirect.gather [hbm4b:s3+s11], $0x20, s10, s11, $0xb8;
	[tilespmem:$0x1A400] =	vst v63  }
0x83: {  	s8 =	simm.s32 $0x1500  }
0x84: {  	[tilespmem:s15], [sflag:$0x1] =	stream.indirect.gather [hbm4b:s3+s11], $0x20, s8, s11, $0xb8;
	[tilespmem:$0x1A400] =	vst v63  }
0x85: {  	s9 =	simm.s32 $0x1580  }
0x86: {  	[tilespmem:s17], [sflag:$0x1] =	stream.indirect.gather [hbm4b:s3+s11], $0x20, s9, s11, $0xb8;
	[tilespmem:$0x1A400] =	vst v63  }
0x87: {  	s10 =	simm.s32 $0x1600  }
0x88: {  	[tilespmem:s19], [sflag:$0x1] =	stream.indirect.gather [hbm4b:s3+s11], $0x20, s10, s11, $0xb8;
	[tilespmem:$0x1A400] =	vst v63  }
0x89: {  	s8 =	simm.s32 $0x1680  }
0x8a: {  	[tilespmem:s21], [sflag:$0x1] =	stream.indirect.gather [hbm4b:s3+s11], $0x20, s8, s11, $0xb8;
	[tilespmem:$0x1A400] =	vst v63  }
0x8b: {  	s9 =	simm.s32 $0x1700  }
0x8c: {  	[tilespmem:s23], [sflag:$0x1] =	stream.indirect.gather [hbm4b:s3+s11], $0x20, s9, s11, $0xb8;
	[tilespmem:$0x1A400] =	vst v63  }
0x8d: {  	s10 =	simm.s32 $0x1780  }
0x8e: {  	[tilespmem:s25], [sflag:$0x1] =	stream.indirect.gather [hbm4b:s3+s11], $0x20, s10, s11, $0xb8;
	[tilespmem:$0x1A400] =	vst v63  }
0x8f: {  	s8 =	simm.s32 $0x1800  }
0x90: {  	[tilespmem:s28], [sflag:$0x1] =	stream.indirect.gather [hbm4b:s3+s11], $0x20, s8, s11, $0xb8;
	[tilespmem:$0x1A400] =	vst v63  }
0x91: {  	s9 =	simm.s32 $0x1880  }
0x92: {  	[tilespmem:s30], [sflag:$0x1] =	stream.indirect.gather [hbm4b:s3+s11], $0x20, s9, s11, $0xb8;
	[tilespmem:$0x1A400] =	vst v63  }
0x93: {  	_ =	swait.ge [sflag:s5], $0xA000  }
0x94: {  	s10 =	rddreg [dreg:$0x4];
	[sflag:s5] =	ssyncset.done $0x0  }
0x95: {  	s9 =	simm.s32 $0x2800;
	[sflag:s5] =	ssyncadd.s32 $0xFFFF6000;
	s6 =	sadd.s32 $0x0, s10  }
.LBB2_2:
0x96: {  	[hbm4b:s6+s2] =	stream.linear.scatter [tilespmem:s1], [sflag:$0x4], $0xA000, $0x38;
	[tilespmem:$0x1A400] =	vst v63  }
0x97: {  	s6 =	smov.u32 s9;
	_ =	swait.ge [sflag:s7], $0xA000  }
0x98: {  	s10 =	sshra.s32 s6, $0x2;
	[sflag:s7] =	ssyncset.done $0x0  }
0x99: {  	s8 =	sadd.s32 $0xF00, s10;
	[sflag:s7] =	ssyncadd.s32 $0xFFFF6000  }
0x9a: {  	[tilespmem:s1], [sflag:$0x2] =	stream.indirect.gather [hbm4b:s3+s11], $0x20, s8, s11, $0xb8;
	[tilespmem:$0x1A400] =	vst v63  }
0x9b: {  	s8 =	sadd.s32 $0xF80, s10  }
0x9c: {  	[tilespmem:s14], [sflag:$0x2] =	stream.indirect.gather [hbm4b:s3+s11], $0x20, s8, s11, $0xb8;
	[tilespmem:$0x1A400] =	vst v63  }
0x9d: {  	s8 =	sadd.s32 $0x1000, s10  }
0x9e: {  	[tilespmem:s18], [sflag:$0x2] =	stream.indirect.gather [hbm4b:s3+s11], $0x20, s8, s11, $0xb8;
	[tilespmem:$0x1A400] =	vst v63  }
0x9f: {  	s8 =	sadd.s32 $0x1080, s10  }
0xa0: {  	[tilespmem:s22], [sflag:$0x2] =	stream.indirect.gather [hbm4b:s3+s11], $0x20, s8, s11, $0xb8;
	[tilespmem:$0x1A400] =	vst v63  }
0xa1: {  	s8 =	sadd.s32 $0x1100, s10  }
0xa2: {  	[tilespmem:s26], [sflag:$0x2] =	stream.indirect.gather [hbm4b:s3+s11], $0x20, s8, s11, $0xb8;
	[tilespmem:$0x1A400] =	vst v63  }
0xa3: {  	s8 =	sadd.s32 $0x1180, s10  }
0xa4: {  	[tilespmem:s31], [sflag:$0x2] =	stream.indirect.gather [hbm4b:s3+s11], $0x20, s8, s11, $0xb8;
	[tilespmem:$0x1A400] =	vst v63  }
0xa5: {  	s8 =	sadd.s32 $0x1200, s10  }
0xa6: {  	[tilespmem:s16], [sflag:$0x2] =	stream.indirect.gather [hbm4b:s3+s11], $0x20, s8, s11, $0xb8;
	[tilespmem:$0x1A400] =	vst v63  }
0xa7: {  	s8 =	sadd.s32 $0x1280, s10  }
0xa8: {  	[tilespmem:s24], [sflag:$0x2] =	stream.indirect.gather [hbm4b:s3+s11], $0x20, s8, s11, $0xb8;
	[tilespmem:$0x1A400] =	vst v63  }
0xa9: {  	s8 =	sadd.s32 $0x1300, s10  }
0xaa: {  	[tilespmem:s0], [sflag:$0x2] =	stream.indirect.gather [hbm4b:s3+s11], $0x20, s8, s11, $0xb8;
	[tilespmem:$0x1A400] =	vst v63  }
0xab: {  	s8 =	sadd.s32 $0x1380, s10  }
0xac: {  	[tilespmem:s29], [sflag:$0x2] =	stream.indirect.gather [hbm4b:s3+s11], $0x20, s8, s11, $0xb8;
	[tilespmem:$0x1A400] =	vst v63  }
0xad: {  	_ =	swait.ge [sflag:s20], $0xA000  }
0xae: {  	s8 =	rddreg [dreg:$0x3];
	[sflag:s20] =	ssyncset.done $0x0  }
0xaf: {  	[sflag:s20] =	ssyncadd.s32 $0xFFFF6000;
	s8 =	sadd.s32 s6, s8  }
0xb0: {  	[hbm4b:s8+s2] =	stream.linear.scatter [tilespmem:s12], [sflag:$0x3], $0xA000, $0x38;
	[tilespmem:$0x1A400] =	vst v63  }
0xb1: {  	_ =	swait.ge [sflag:s4], $0xA000  }
0xb2: {  	[sflag:s4] =	ssyncset.done $0x0  }
0xb3: {  	s8 =	sadd.s32 $0x1400, s10;
	[sflag:s4] =	ssyncadd.s32 $0xFFFF6000  }
0xb4: {  	[tilespmem:s12], [sflag:$0x1] =	stream.indirect.gather [hbm4b:s3+s11], $0x20, s8, s11, $0xb8;
	[tilespmem:$0x1A400] =	vst v63  }
0xb5: {  	s8 =	sadd.s32 $0x1480, s10  }
0xb6: {  	[tilespmem:s13], [sflag:$0x1] =	stream.indirect.gather [hbm4b:s3+s11], $0x20, s8, s11, $0xb8;
	[tilespmem:$0x1A400] =	vst v63  }
0xb7: {  	s8 =	sadd.s32 $0x1500, s10  }
0xb8: {  	[tilespmem:s15], [sflag:$0x1] =	stream.indirect.gather [hbm4b:s3+s11], $0x20, s8, s11, $0xb8;
	[tilespmem:$0x1A400] =	vst v63  }
0xb9: {  	s8 =	sadd.s32 $0x1580, s10  }
0xba: {  	[tilespmem:s17], [sflag:$0x1] =	stream.indirect.gather [hbm4b:s3+s11], $0x20, s8, s11, $0xb8;
	[tilespmem:$0x1A400] =	vst v63  }
0xbb: {  	s8 =	sadd.s32 $0x1600, s10  }
0xbc: {  	[tilespmem:s19], [sflag:$0x1] =	stream.indirect.gather [hbm4b:s3+s11], $0x20, s8, s11, $0xb8;
	[tilespmem:$0x1A400] =	vst v63  }
0xbd: {  	s8 =	sadd.s32 $0x1680, s10  }
0xbe: {  	[tilespmem:s21], [sflag:$0x1] =	stream.indirect.gather [hbm4b:s3+s11], $0x20, s8, s11, $0xb8;
	[tilespmem:$0x1A400] =	vst v63  }
0xbf: {  	s8 =	sadd.s32 $0x1700, s10  }
0xc0: {  	[tilespmem:s23], [sflag:$0x1] =	stream.indirect.gather [hbm4b:s3+s11], $0x20, s8, s11, $0xb8;
	[tilespmem:$0x1A400] =	vst v63  }
0xc1: {  	s8 =	sadd.s32 $0x1780, s10  }
0xc2: {  	[tilespmem:s25], [sflag:$0x1] =	stream.indirect.gather [hbm4b:s3+s11], $0x20, s8, s11, $0xb8;
	[tilespmem:$0x1A400] =	vst v63  }
0xc3: {  	p0 =	sne.s32 s9, $0x11800;
	s8 =	sadd.s32 $0x1800, s10  }
0xc4: {  	[tilespmem:s28], [sflag:$0x1] =	stream.indirect.gather [hbm4b:s3+s11], $0x20, s8, s11, $0xb8;
	[tilespmem:$0x1A400] =	vst v63  }
.Ltmp0:
0xc5: {  	s10 =	sadd.s32 $0x1880, s10;
	(pc) =	sbr.rel @p0 .LBB2_2-.Ltmp0, $4  }
0xc6: {  	[tilespmem:s30], [sflag:$0x1] =	stream.indirect.gather [hbm4b:s3+s11], $0x20, s10, s11, $0xb8;
	[tilespmem:$0x1A400] =	vst v63  }
0xc7: {  	_ =	swait.ge [sflag:s5], $0xA000  }
0xc8: {  	[sflag:s5] =	ssyncset.done $0x0;
	s10 =	rddreg [dreg:$0x4]  }
0xc9: {  	s9 =	sadd.s32 $0x2800, s9;
	[sflag:s5] =	ssyncadd.s32 $0xFFFF6000;
	s6 =	sadd.s32 s6, s10  }
0xca: {  	[hbm4b:s6+s2] =	stream.linear.scatter [tilespmem:s1], [sflag:$0x4], $0xA000, $0x38;
	[tilespmem:$0x1A400] =	vst v63  }
0xcb: {  	_ =	swait.ge [sflag:s7], $0xA000  }
0xcc: {  	[sflag:s7] =	ssyncset.done $0x0  }
0xcd: {  	s10 =	simm.s32 $0x5F00;
	[sflag:s7] =	ssyncadd.s32 $0xFFFF6000  }
0xce: {  	[tilespmem:s1], [sflag:$0x2] =	stream.indirect.gather [hbm4b:s3+s11], $0x20, s10, s11, $0xb8;
	[tilespmem:$0x1A400] =	vst v63  }
0xcf: {  	s8 =	simm.s32 $0x5F80  }
0xd0: {  	[tilespmem:s14], [sflag:$0x2] =	stream.indirect.gather [hbm4b:s3+s11], $0x20, s8, s11, $0xb8;
	[tilespmem:$0x1A400] =	vst v63  }
0xd1: {  	s9 =	simm.s32 $0x6000  }
0xd2: {  	[tilespmem:s18], [sflag:$0x2] =	stream.indirect.gather [hbm4b:s3+s11], $0x20, s9, s11, $0xb8;
	[tilespmem:$0x1A400] =	vst v63  }
0xd3: {  	s10 =	simm.s32 $0x6080  }
0xd4: {  	[tilespmem:s22], [sflag:$0x2] =	stream.indirect.gather [hbm4b:s3+s11], $0x20, s10, s11, $0xb8;
	[tilespmem:$0x1A400] =	vst v63  }
0xd5: {  	s8 =	simm.s32 $0x6100  }
0xd6: {  	[tilespmem:s26], [sflag:$0x2] =	stream.indirect.gather [hbm4b:s3+s11], $0x20, s8, s11, $0xb8;
	[tilespmem:$0x1A400] =	vst v63  }
0xd7: {  	s9 =	simm.s32 $0x6180  }
0xd8: {  	[tilespmem:s31], [sflag:$0x2] =	stream.indirect.gather [hbm4b:s3+s11], $0x20, s9, s11, $0xb8;
	[tilespmem:$0x1A400] =	vst v63  }
0xd9: {  	s10 =	simm.s32 $0x6200  }
0xda: {  	[tilespmem:s16], [sflag:$0x2] =	stream.indirect.gather [hbm4b:s3+s11], $0x20, s10, s11, $0xb8;
	[tilespmem:$0x1A400] =	vst v63  }
0xdb: {  	s8 =	simm.s32 $0x6280  }
0xdc: {  	[tilespmem:s24], [sflag:$0x2] =	stream.indirect.gather [hbm4b:s3+s11], $0x20, s8, s11, $0xb8;
	[tilespmem:$0x1A400] =	vst v63  }
0xdd: {  	s9 =	simm.s32 $0x6300  }
0xde: {  	[tilespmem:s0], [sflag:$0x2] =	stream.indirect.gather [hbm4b:s3+s11], $0x20, s9, s11, $0xb8;
	[tilespmem:$0x1A400] =	vst v63  }
0xdf: {  	s10 =	simm.s32 $0x6380  }
0xe0: {  	[tilespmem:s29], [sflag:$0x2] =	stream.indirect.gather [hbm4b:s3+s11], $0x20, s10, s11, $0xb8;
	[tilespmem:$0x1A400] =	vst v63  }
0xe1: {  	_ =	swait.ge [sflag:s20], $0xA000  }
0xe2: {  	[sflag:s20] =	ssyncset.done $0x0  }
0xe3: {  	s8 =	rddreg [dreg:$0x9];
	[sflag:s20] =	ssyncadd.s32 $0xFFFF6000  }
0xe4: {  	[hbm4b:s8+s2] =	stream.linear.scatter [tilespmem:s12], [sflag:$0x3], $0xA000, $0x38;
	[tilespmem:$0x1A400] =	vst v63  }
0xe5: {  	_ =	swait.ge [sflag:s4], $0xA000  }
0xe6: {  	[sflag:s4] =	ssyncset.done $0x0  }
0xe7: {  	[sflag:s4] =	ssyncadd.s32 $0xFFFF6000  }
0xe8: {  	_ =	swait.ge [sflag:s5], $0xA000  }
0xe9: {  	[sflag:s5] =	ssyncset.done $0x0  }
0xea: {  	s9 =	rddreg [dreg:$0xa];
	[sflag:s5] =	ssyncadd.s32 $0xFFFF6000  }
0xeb: {  	[hbm4b:s9+s2] =	stream.linear.scatter [tilespmem:s1], [sflag:$0x4], $0xA000, $0x38;
	[tilespmem:$0x1A400] =	vst v63  }
0xec: {  	_ =	swait.ge [sflag:s7], $0xA000  }
0xed: {  	s8 =	rddreg [dreg:$0xb]  }
0xee: {  	s10 =	rddreg [dreg:$0x6];
	s8 =	sadd.s32 $0x1, s8  }
0xef: {  	p0 =	sne.s32 s8, s10  }
.Ltmp1:
0xf0: {  	_ = 	snop;
	(pc) =	sbr.rel @p0 .LBB2_1-.Ltmp1, $3  }
0xf1: {  	_ =	sdelay $0x1  }
0xf2: {  	[sflag:s7] =	ssyncset.done $0x0  }
0xf3: {  	[sflag:s7] =	ssyncadd.s32 $0xFFFF6000  }
0xf4: {  	_ =	sfence.sel $0x180000  }
0xf5: {  	[bflag:$0x0] =	sbarrier.arrive $0xFFFF  }
0xf6: {  	_ =	strace $0x90000047  }
0xf7: {  	s0 =	stileid.u32;
	[bflag:$0x2] =	sbarrier.arrive $0xFFFF  }
0xf8: {  	p0 =	sne.s32 s0, $0x0;
	s0 =	rddreg [dreg:$0x2]  }
0xf9: {  	s0 =	sadd.s32 @!p0 $0x100000, s0  }
0xfa: {  	[sflag:s0] =	ssyncadd.tile.s32 @!p0 $0x1;
	_ =	shalt  }
.Lfunc_end2:
_tile_overlayer_lowered:
.L_overlay_start_2:
0xfb: {  	(tag) =	ssettag $0x2  }
0xfc: {  	s0 =	rddreg [dreg:$0x0];
	s2 =	stileid.u32  }
0xfd: {  	s1 =	rddreg [dreg:$0x1];
	p0 =	sne.s32 s2, $0x0  }
0xfe: {  	s3 =	rddreg [dreg:$0x2];
	[bflag:$0x3] =	sbarrier.arrive $0xFFFF;
	s2 =	simm.s32 @!p0 $0x1C05  }
0xff: {  	[timem:s3], [sflag:s2] =	dma.local @!p0 [hbm:s0], s1  }
0x100: {  	s0 =	simm.s32 @!p0 $0x5  }
0x101: {  	_ =	swait.ge @!p0 [sflag:s0], s1  }
0x102: {  	s1 =	ssub.s32 @!p0 $0x0, s1;
	[sflag:s0] =	ssyncset.done @!p0 $0x0  }
0x103: {  	[sflag:s0] =	ssyncadd.s32 @!p0 s1  }
0x104: {  	[bflag:$0x3] =	sbarrier.arrive $0xFFFF  }
0x105: {  	_ =	shalt  }

</sc_bundles>
